<compile_context>
chip_gen: v7x
topology: tpu7x:2x2x1
jax: 0.10.2.dev20260603
libtpu: 0.0.44.dev20260713+nightly
codegen_flags: <defaults>
</compile_context>

<pallas_src>
import functools

import jax
import jax.numpy as jnp
from jax import lax
from jax.experimental import pallas as pl
from jax.experimental.pallas import tpu as pltpu
from jax.experimental.pallas import tpu_sc as plsc

VOCAB = 50368
HIDDEN = 768
EPS = 1e-05
BATCH = 4
SEQ = 8192

NUM_TOKENS = BATCH * SEQ
NC = 2
NS = 16
NW = NC * NS
CHUNK = 64

GROUP_SIZES = (8192, 8192, 8192, 8192)
assert sum(GROUP_SIZES) == NUM_TOKENS
assert all(g % (CHUNK * NW) == 0 for g in GROUP_SIZES)


def _sc_gather_group(table, idx_group, group_tokens):
    mesh = plsc.VectorSubcoreMesh(core_axis_name="c", subcore_axis_name="s")
    b_per_w = group_tokens // NW
    n_chunks = b_per_w // CHUNK

    @functools.partial(
        pl.kernel,
        out_type=jax.ShapeDtypeStruct((group_tokens, HIDDEN), jnp.float32),
        mesh=mesh,
        scratch_types=[
            pltpu.VMEM((b_per_w,), jnp.int32),
            pltpu.VMEM((CHUNK, HIDDEN), jnp.float32),
            pltpu.VMEM((CHUNK, HIDDEN), jnp.float32),
            pltpu.SemaphoreType.DMA,
            pltpu.SemaphoreType.DMA,
        ],
    )
    def gather_kernel(table_hbm, idx_hbm, out_hbm, idx_v, rows_a, rows_b, sem_a, sem_b):
        wid = lax.axis_index("s") * NC + lax.axis_index("c")
        base = wid * b_per_w
        pltpu.sync_copy(idx_hbm.at[pl.ds(base, b_per_w)], idx_v)

        bufs = (rows_a, rows_b)
        sems = (sem_a, sem_b)

        def start(c):
            pltpu.async_copy(
                table_hbm.at[idx_v.at[pl.ds(c * CHUNK, CHUNK)]],
                bufs[c % 2], sems[c % 2])

        start(0)
        for c in range(n_chunks):
            pltpu.make_async_copy(
                table_hbm.at[idx_v.at[pl.ds(c * CHUNK, CHUNK)]],
                bufs[c % 2], sems[c % 2]).wait()
            if c + 1 < n_chunks:
                start(c + 1)
            pltpu.sync_copy(bufs[c % 2],
                            out_hbm.at[pl.ds(base + c * CHUNK, CHUNK)])

    return gather_kernel(table, idx_group)


_LN_BLOCK = 1024


def _ln_body_first(x_ref, w_ref, o_ref):
    x = x_ref[...]
    mean = jnp.mean(x, axis=1, keepdims=True)
    xc = x - mean
    var = jnp.mean(xc * xc, axis=1, keepdims=True)
    o_ref[...] = xc * lax.rsqrt(var + EPS) * w_ref[...]


def _ln_body_chain(x_ref, w_ref, buf_ref, o_ref):
    del buf_ref
    _ln_body_first(x_ref, w_ref, o_ref)


def _tc_layernorm_group(first, row_offset, x_group, w2d, buf):
    n_blocks = x_group.shape[0] // _LN_BLOCK
    block_off = row_offset // _LN_BLOCK
    out_shape = jax.ShapeDtypeStruct((NUM_TOKENS, HIDDEN), jnp.float32)
    out_spec = pl.BlockSpec(
        (_LN_BLOCK, HIDDEN), lambda i, o=block_off: (o + i, 0))
    x_spec = pl.BlockSpec((_LN_BLOCK, HIDDEN), lambda i: (i, 0))
    w_spec = pl.BlockSpec((1, HIDDEN), lambda i: (0, 0))
    if first:
        return pl.pallas_call(
            _ln_body_first,
            grid=(n_blocks,),
            in_specs=[x_spec, w_spec],
            out_specs=out_spec,
            out_shape=out_shape,
        )(x_group, w2d)
    return pl.pallas_call(
        _ln_body_chain,
        grid=(n_blocks,),
        in_specs=[x_spec, w_spec,
                  pl.BlockSpec(memory_space=pltpu.MemorySpace.HBM)],
        out_specs=out_spec,
        out_shape=out_shape,
        input_output_aliases={2: 0},
    )(x_group, w2d, buf)


def kernel(input_ids, tok_embeddings, norm_weight):
    idx_flat = input_ids.reshape(NUM_TOKENS)
    w2d = norm_weight.reshape(1, HIDDEN)
    offsets = []
    off = 0
    for g in GROUP_SIZES:
        offsets.append(off)
        off += g
    gathered = [
        _sc_gather_group(
            tok_embeddings,
            lax.slice(idx_flat, (offsets[i],), (offsets[i] + GROUP_SIZES[i],)),
            GROUP_SIZES[i])
        for i in range(len(GROUP_SIZES))
    ]
    buf = None
    for i in range(len(GROUP_SIZES)):
        buf = _tc_layernorm_group(i == 0, offsets[i], gathered[i], w2d, buf)
    return buf.reshape(BATCH, SEQ, HIDDEN)

# --- scband reference (transcript-rebuilt; emitter-appended) ---
"""Pipeline reference for scband-modern-bert-embeddings-74809740362000 (READ-ONLY COPY).

The authoritative reference and input builder live on the scoring server;
editing this copy changes nothing except your own understanding.
"""

import jax, jax.numpy as jnp
import numpy as np

VOCAB = 50368
HIDDEN = 768
EPS = 1e-05
BATCH = 4
SEQ = 8192


def setup_inputs(seed: int = 0) -> dict:
    key = jax.random.key(seed)
    k_ids, k_tab, k_w = jax.random.split(key, 3)
    input_ids = jax.random.randint(k_ids, (BATCH, SEQ), 0, VOCAB, dtype=jnp.int32)
    tok_embeddings = jax.random.normal(k_tab, (VOCAB, HIDDEN), dtype=jnp.float32) * 0.02
    # padding_idx row is zeroed in nn.Embedding
    tok_embeddings = tok_embeddings.at[50283].set(0.0)
    norm_weight = jnp.ones((HIDDEN,), dtype=jnp.float32)
    return {"input_ids": input_ids, "tok_embeddings": tok_embeddings, "norm_weight": norm_weight}


def reference(input_ids, tok_embeddings, norm_weight):
    # ModernBertEmbeddings.forward: drop(norm(tok_embeddings(input_ids)))
    # dropout p=0.0 -> identity; LayerNorm with bias=False (norm_bias=False)
    emb = jnp.take(tok_embeddings, input_ids, axis=0)  # [B, S, H] gather
    mean = jnp.mean(emb, axis=-1, keepdims=True)
    var = jnp.mean(jnp.square(emb - mean), axis=-1, keepdims=True)
    normed = (emb - mean) / jnp.sqrt(var + EPS)
    hidden_states = normed * norm_weight
    return hidden_states

if __name__ == "__main__":
    import jax
    _d = setup_inputs()
    print(jax.jit(kernel)(*tuple(_d.values())))

</pallas_src>

<mosaic_0001>
#map = affine_map<(d0, d1) -> (0, 0)>
#map1 = affine_map<(d0, d1) -> (0)>
module attributes {stable_mosaic.version = 14 : i64} {
  func.func @gather_kernel(%arg0: i32, %arg1: i32, %arg2: memref<50368x768xf32, #tpu.memory_space<hbm>>, %arg3: memref<8192xi32, #tpu.memory_space<hbm>>, %arg4: memref<8192x768xf32, #tpu.memory_space<hbm>>, %arg5: memref<256xi32, #tpu.memory_space<vmem>>, %arg6: memref<64x768xf32, #tpu.memory_space<vmem>>, %arg7: memref<64x768xf32, #tpu.memory_space<vmem>>, %arg8: memref<!tpu.dma_semaphore, #tpu.memory_space<semaphore_mem>>, %arg9: memref<!tpu.dma_semaphore, #tpu.memory_space<semaphore_mem>>) attributes {dimension_semantics = [#tpu.dimension_semantics<core_parallel>, #tpu.dimension_semantics<subcore_parallel>], iteration_bounds = array<i64: 2, 16>, scalar_prefetch = 0 : i64, scratch_operands = 5 : i64, tpu.core_type = #tpu.core_type<sc_vector_subcore>, window_params = [{transform_indices = #map}, {transform_indices = #map1}, {transform_indices = #map}]} {
    %mul3A = arith.constant 2 : i32
    %mul3A_0 = arith.muli %arg1, %mul3A : i32
    %add3A = arith.addi %mul3A_0, %arg0 : i32
    %mul3A_1 = arith.constant 256 : i32
    %mul3A_2 = arith.muli %add3A, %mul3A_1 : i32
    "tpu.region"() ({
      %run_scoped3A = tpu.sem_alloc : memref<!tpu.dma_semaphore, #tpu.memory_space<semaphore_mem>>
      %dma_start3A_49 = tpu.memref_slice %arg3[%mul3A_2] : memref<8192xi32, #tpu.memory_space<hbm>> -> memref<256xi32, #tpu.memory_space<hbm>>
      %dma_start3A_50 = tpu.memref_slice %arg3[%mul3A_2] : memref<8192xi32, #tpu.memory_space<hbm>> -> memref<256xi32, #tpu.memory_space<hbm>>
      tpu.enqueue_dma source(%dma_start3A_50 : memref<256xi32, #tpu.memory_space<hbm>>) target(%arg5 : memref<256xi32, #tpu.memory_space<vmem>>) target_semaphore(%run_scoped3A : memref<!tpu.dma_semaphore, #tpu.memory_space<semaphore_mem>>)
      %dma_wait3A_51 = tpu.memref_slice %arg3[%mul3A_2] : memref<8192xi32, #tpu.memory_space<hbm>> -> memref<256xi32, #tpu.memory_space<hbm>>
      %dma_wait3A_52 = tpu.memref_slice %arg3[%mul3A_2] : memref<8192xi32, #tpu.memory_space<hbm>> -> memref<256xi32, #tpu.memory_space<hbm>>
      tpu.wait_dma2 semaphore(%run_scoped3A : memref<!tpu.dma_semaphore, #tpu.memory_space<semaphore_mem>>) src(%dma_wait3A_52 : memref<256xi32, #tpu.memory_space<hbm>>) dst(%arg5 : memref<256xi32, #tpu.memory_space<vmem>>)
      tpu.yield
    }) : () -> ()
    %dma_start3A = arith.constant 0 : i32
    %dma_start3A_3 = tpu.memref_slice %arg5[%dma_start3A] : memref<256xi32, #tpu.memory_space<vmem>> -> memref<64xi32, #tpu.memory_space<vmem>>
    %dma_start3A_4 = arith.constant 0 : i32
    %dma_start3A_5 = arith.constant 0 : i32
    %dma_start3A_6 = tpu.memref_slice %arg2[%dma_start3A_4, %dma_start3A_5] : memref<50368x768xf32, #tpu.memory_space<hbm>> -> memref<50368x768xf32, #tpu.memory_space<hbm>>
    tpu.enqueue_indirect_dma source(%dma_start3A_6 : memref<50368x768xf32, #tpu.memory_space<hbm>>) target(%arg6 : memref<64x768xf32, #tpu.memory_space<vmem>>) offsets(%dma_start3A_3 : memref<64xi32, #tpu.memory_space<vmem>>) semaphore(%arg8 : memref<!tpu.dma_semaphore, #tpu.memory_space<semaphore_mem>>)
    %dma_wait3A = arith.constant 0 : i32
    %dma_wait3A_7 = tpu.memref_slice %arg5[%dma_wait3A] : memref<256xi32, #tpu.memory_space<vmem>> -> memref<64xi32, #tpu.memory_space<vmem>>
    %dma_wait3A_8 = arith.constant 0 : i32
    %dma_wait3A_9 = arith.constant 0 : i32
    %dma_wait3A_10 = tpu.memref_slice %arg2[%dma_wait3A_8, %dma_wait3A_9] : memref<50368x768xf32, #tpu.memory_space<hbm>> -> memref<50368x768xf32, #tpu.memory_space<hbm>>
    tpu.wait_indirect_dma semaphore(%arg8 : memref<!tpu.dma_semaphore, #tpu.memory_space<semaphore_mem>>) src(%dma_wait3A_10 : memref<50368x768xf32, #tpu.memory_space<hbm>>) dst(%arg6 : memref<64x768xf32, #tpu.memory_space<vmem>>)
    %dma_start3A_11 = arith.constant 64 : i32
    %dma_start3A_12 = tpu.memref_slice %arg5[%dma_start3A_11] : memref<256xi32, #tpu.memory_space<vmem>> -> memref<64xi32, #tpu.memory_space<vmem>>
    %dma_start3A_13 = arith.constant 0 : i32
    %dma_start3A_14 = arith.constant 0 : i32
    %dma_start3A_15 = tpu.memref_slice %arg2[%dma_start3A_13, %dma_start3A_14] : memref<50368x768xf32, #tpu.memory_space<hbm>> -> memref<50368x768xf32, #tpu.memory_space<hbm>>
    tpu.enqueue_indirect_dma source(%dma_start3A_15 : memref<50368x768xf32, #tpu.memory_space<hbm>>) target(%arg7 : memref<64x768xf32, #tpu.memory_space<vmem>>) offsets(%dma_start3A_12 : memref<64xi32, #tpu.memory_space<vmem>>) semaphore(%arg9 : memref<!tpu.dma_semaphore, #tpu.memory_space<semaphore_mem>>)
    %add3A_16 = arith.constant 0 : i32
    %add3A_17 = arith.addi %mul3A_2, %add3A_16 : i32
    "tpu.region"() ({
      %run_scoped3A = tpu.sem_alloc : memref<!tpu.dma_semaphore, #tpu.memory_space<semaphore_mem>>
      %dma_start3A_49 = arith.constant 0 : i32
      %dma_start3A_50 = tpu.memref_slice %arg4[%add3A_17, %dma_start3A_49] : memref<8192x768xf32, #tpu.memory_space<hbm>> -> memref<64x768xf32, #tpu.memory_space<hbm>>
      %dma_start3A_51 = arith.constant 0 : i32
      %dma_start3A_52 = tpu.memref_slice %arg4[%add3A_17, %dma_start3A_51] : memref<8192x768xf32, #tpu.memory_space<hbm>> -> memref<64x768xf32, #tpu.memory_space<hbm>>
      tpu.enqueue_dma source(%arg6 : memref<64x768xf32, #tpu.memory_space<vmem>>) target(%dma_start3A_52 : memref<64x768xf32, #tpu.memory_space<hbm>>) target_semaphore(%run_scoped3A : memref<!tpu.dma_semaphore, #tpu.memory_space<semaphore_mem>>)
      %dma_wait3A_53 = arith.constant 0 : i32
      %dma_wait3A_54 = tpu.memref_slice %arg4[%add3A_17, %dma_wait3A_53] : memref<8192x768xf32, #tpu.memory_space<hbm>> -> memref<64x768xf32, #tpu.memory_space<hbm>>
      %dma_wait3A_55 = arith.constant 0 : i32
      %dma_wait3A_56 = tpu.memref_slice %arg4[%add3A_17, %dma_wait3A_55] : memref<8192x768xf32, #tpu.memory_space<hbm>> -> memref<64x768xf32, #tpu.memory_space<hbm>>
      tpu.wait_dma2 semaphore(%run_scoped3A : memref<!tpu.dma_semaphore, #tpu.memory_space<semaphore_mem>>) src(%arg6 : memref<64x768xf32, #tpu.memory_space<vmem>>) dst(%dma_wait3A_56 : memref<64x768xf32, #tpu.memory_space<hbm>>)
      tpu.yield
    }) : () -> ()
    %dma_wait3A_18 = arith.constant 64 : i32
    %dma_wait3A_19 = tpu.memref_slice %arg5[%dma_wait3A_18] : memref<256xi32, #tpu.memory_space<vmem>> -> memref<64xi32, #tpu.memory_space<vmem>>
    %dma_wait3A_20 = arith.constant 0 : i32
    %dma_wait3A_21 = arith.constant 0 : i32
    %dma_wait3A_22 = tpu.memref_slice %arg2[%dma_wait3A_20, %dma_wait3A_21] : memref<50368x768xf32, #tpu.memory_space<hbm>> -> memref<50368x768xf32, #tpu.memory_space<hbm>>
    tpu.wait_indirect_dma semaphore(%arg9 : memref<!tpu.dma_semaphore, #tpu.memory_space<semaphore_mem>>) src(%dma_wait3A_22 : memref<50368x768xf32, #tpu.memory_space<hbm>>) dst(%arg7 : memref<64x768xf32, #tpu.memory_space<vmem>>)
    %dma_start3A_23 = arith.constant 128 : i32
    %dma_start3A_24 = tpu.memref_slice %arg5[%dma_start3A_23] : memref<256xi32, #tpu.memory_space<vmem>> -> memref<64xi32, #tpu.memory_space<vmem>>
    %dma_start3A_25 = arith.constant 0 : i32
    %dma_start3A_26 = arith.constant 0 : i32
    %dma_start3A_27 = tpu.memref_slice %arg2[%dma_start3A_25, %dma_start3A_26] : memref<50368x768xf32, #tpu.memory_space<hbm>> -> memref<50368x768xf32, #tpu.memory_space<hbm>>
    tpu.enqueue_indirect_dma source(%dma_start3A_27 : memref<50368x768xf32, #tpu.memory_space<hbm>>) target(%arg6 : memref<64x768xf32, #tpu.memory_space<vmem>>) offsets(%dma_start3A_24 : memref<64xi32, #tpu.memory_space<vmem>>) semaphore(%arg8 : memref<!tpu.dma_semaphore, #tpu.memory_space<semaphore_mem>>)
    %add3A_28 = arith.constant 64 : i32
    %add3A_29 = arith.addi %mul3A_2, %add3A_28 : i32
    "tpu.region"() ({
      %run_scoped3A = tpu.sem_alloc : memref<!tpu.dma_semaphore, #tpu.memory_space<semaphore_mem>>
      %dma_start3A_49 = arith.constant 0 : i32
      %dma_start3A_50 = tpu.memref_slice %arg4[%add3A_29, %dma_start3A_49] : memref<8192x768xf32, #tpu.memory_space<hbm>> -> memref<64x768xf32, #tpu.memory_space<hbm>>
      %dma_start3A_51 = arith.constant 0 : i32
      %dma_start3A_52 = tpu.memref_slice %arg4[%add3A_29, %dma_start3A_51] : memref<8192x768xf32, #tpu.memory_space<hbm>> -> memref<64x768xf32, #tpu.memory_space<hbm>>
      tpu.enqueue_dma source(%arg7 : memref<64x768xf32, #tpu.memory_space<vmem>>) target(%dma_start3A_52 : memref<64x768xf32, #tpu.memory_space<hbm>>) target_semaphore(%run_scoped3A : memref<!tpu.dma_semaphore, #tpu.memory_space<semaphore_mem>>)
      %dma_wait3A_53 = arith.constant 0 : i32
      %dma_wait3A_54 = tpu.memref_slice %arg4[%add3A_29, %dma_wait3A_53] : memref<8192x768xf32, #tpu.memory_space<hbm>> -> memref<64x768xf32, #tpu.memory_space<hbm>>
      %dma_wait3A_55 = arith.constant 0 : i32
      %dma_wait3A_56 = tpu.memref_slice %arg4[%add3A_29, %dma_wait3A_55] : memref<8192x768xf32, #tpu.memory_space<hbm>> -> memref<64x768xf32, #tpu.memory_space<hbm>>
      tpu.wait_dma2 semaphore(%run_scoped3A : memref<!tpu.dma_semaphore, #tpu.memory_space<semaphore_mem>>) src(%arg7 : memref<64x768xf32, #tpu.memory_space<vmem>>) dst(%dma_wait3A_56 : memref<64x768xf32, #tpu.memory_space<hbm>>)
      tpu.yield
    }) : () -> ()
    %dma_wait3A_30 = arith.constant 128 : i32
    %dma_wait3A_31 = tpu.memref_slice %arg5[%dma_wait3A_30] : memref<256xi32, #tpu.memory_space<vmem>> -> memref<64xi32, #tpu.memory_space<vmem>>
    %dma_wait3A_32 = arith.constant 0 : i32
    %dma_wait3A_33 = arith.constant 0 : i32
    %dma_wait3A_34 = tpu.memref_slice %arg2[%dma_wait3A_32, %dma_wait3A_33] : memref<50368x768xf32, #tpu.memory_space<hbm>> -> memref<50368x768xf32, #tpu.memory_space<hbm>>
    tpu.wait_indirect_dma semaphore(%arg8 : memref<!tpu.dma_semaphore, #tpu.memory_space<semaphore_mem>>) src(%dma_wait3A_34 : memref<50368x768xf32, #tpu.memory_space<hbm>>) dst(%arg6 : memref<64x768xf32, #tpu.memory_space<vmem>>)
    %dma_start3A_35 = arith.constant 192 : i32
    %dma_start3A_36 = tpu.memref_slice %arg5[%dma_start3A_35] : memref<256xi32, #tpu.memory_space<vmem>> -> memref<64xi32, #tpu.memory_space<vmem>>
    %dma_start3A_37 = arith.constant 0 : i32
    %dma_start3A_38 = arith.constant 0 : i32
    %dma_start3A_39 = tpu.memref_slice %arg2[%dma_start3A_37, %dma_start3A_38] : memref<50368x768xf32, #tpu.memory_space<hbm>> -> memref<50368x768xf32, #tpu.memory_space<hbm>>
    tpu.enqueue_indirect_dma source(%dma_start3A_39 : memref<50368x768xf32, #tpu.memory_space<hbm>>) target(%arg7 : memref<64x768xf32, #tpu.memory_space<vmem>>) offsets(%dma_start3A_36 : memref<64xi32, #tpu.memory_space<vmem>>) semaphore(%arg9 : memref<!tpu.dma_semaphore, #tpu.memory_space<semaphore_mem>>)
    %add3A_40 = arith.constant 128 : i32
    %add3A_41 = arith.addi %mul3A_2, %add3A_40 : i32
    "tpu.region"() ({
      %run_scoped3A = tpu.sem_alloc : memref<!tpu.dma_semaphore, #tpu.memory_space<semaphore_mem>>
      %dma_start3A_49 = arith.constant 0 : i32
      %dma_start3A_50 = tpu.memref_slice %arg4[%add3A_41, %dma_start3A_49] : memref<8192x768xf32, #tpu.memory_space<hbm>> -> memref<64x768xf32, #tpu.memory_space<hbm>>
      %dma_start3A_51 = arith.constant 0 : i32
      %dma_start3A_52 = tpu.memref_slice %arg4[%add3A_41, %dma_start3A_51] : memref<8192x768xf32, #tpu.memory_space<hbm>> -> memref<64x768xf32, #tpu.memory_space<hbm>>
      tpu.enqueue_dma source(%arg6 : memref<64x768xf32, #tpu.memory_space<vmem>>) target(%dma_start3A_52 : memref<64x768xf32, #tpu.memory_space<hbm>>) target_semaphore(%run_scoped3A : memref<!tpu.dma_semaphore, #tpu.memory_space<semaphore_mem>>)
      %dma_wait3A_53 = arith.constant 0 : i32
      %dma_wait3A_54 = tpu.memref_slice %arg4[%add3A_41, %dma_wait3A_53] : memref<8192x768xf32, #tpu.memory_space<hbm>> -> memref<64x768xf32, #tpu.memory_space<hbm>>
      %dma_wait3A_55 = arith.constant 0 : i32
      %dma_wait3A_56 = tpu.memref_slice %arg4[%add3A_41, %dma_wait3A_55] : memref<8192x768xf32, #tpu.memory_space<hbm>> -> memref<64x768xf32, #tpu.memory_space<hbm>>
      tpu.wait_dma2 semaphore(%run_scoped3A : memref<!tpu.dma_semaphore, #tpu.memory_space<semaphore_mem>>) src(%arg6 : memref<64x768xf32, #tpu.memory_space<vmem>>) dst(%dma_wait3A_56 : memref<64x768xf32, #tpu.memory_space<hbm>>)
      tpu.yield
    }) : () -> ()
    %dma_wait3A_42 = arith.constant 192 : i32
    %dma_wait3A_43 = tpu.memref_slice %arg5[%dma_wait3A_42] : memref<256xi32, #tpu.memory_space<vmem>> -> memref<64xi32, #tpu.memory_space<vmem>>
    %dma_wait3A_44 = arith.constant 0 : i32
    %dma_wait3A_45 = arith.constant 0 : i32
    %dma_wait3A_46 = tpu.memref_slice %arg2[%dma_wait3A_44, %dma_wait3A_45] : memref<50368x768xf32, #tpu.memory_space<hbm>> -> memref<50368x768xf32, #tpu.memory_space<hbm>>
    tpu.wait_indirect_dma semaphore(%arg9 : memref<!tpu.dma_semaphore, #tpu.memory_space<semaphore_mem>>) src(%dma_wait3A_46 : memref<50368x768xf32, #tpu.memory_space<hbm>>) dst(%arg7 : memref<64x768xf32, #tpu.memory_space<vmem>>)
    %add3A_47 = arith.constant 192 : i32
    %add3A_48 = arith.addi %mul3A_2, %add3A_47 : i32
    "tpu.region"() ({
      %run_scoped3A = tpu.sem_alloc : memref<!tpu.dma_semaphore, #tpu.memory_space<semaphore_mem>>
      %dma_start3A_49 = arith.constant 0 : i32
      %dma_start3A_50 = tpu.memref_slice %arg4[%add3A_48, %dma_start3A_49] : memref<8192x768xf32, #tpu.memory_space<hbm>> -> memref<64x768xf32, #tpu.memory_space<hbm>>
      %dma_start3A_51 = arith.constant 0 : i32
      %dma_start3A_52 = tpu.memref_slice %arg4[%add3A_48, %dma_start3A_51] : memref<8192x768xf32, #tpu.memory_space<hbm>> -> memref<64x768xf32, #tpu.memory_space<hbm>>
      tpu.enqueue_dma source(%arg7 : memref<64x768xf32, #tpu.memory_space<vmem>>) target(%dma_start3A_52 : memref<64x768xf32, #tpu.memory_space<hbm>>) target_semaphore(%run_scoped3A : memref<!tpu.dma_semaphore, #tpu.memory_space<semaphore_mem>>)
      %dma_wait3A_53 = arith.constant 0 : i32
      %dma_wait3A_54 = tpu.memref_slice %arg4[%add3A_48, %dma_wait3A_53] : memref<8192x768xf32, #tpu.memory_space<hbm>> -> memref<64x768xf32, #tpu.memory_space<hbm>>
      %dma_wait3A_55 = arith.constant 0 : i32
      %dma_wait3A_56 = tpu.memref_slice %arg4[%add3A_48, %dma_wait3A_55] : memref<8192x768xf32, #tpu.memory_space<hbm>> -> memref<64x768xf32, #tpu.memory_space<hbm>>
      tpu.wait_dma2 semaphore(%run_scoped3A : memref<!tpu.dma_semaphore, #tpu.memory_space<semaphore_mem>>) src(%arg7 : memref<64x768xf32, #tpu.memory_space<vmem>>) dst(%dma_wait3A_56 : memref<64x768xf32, #tpu.memory_space<hbm>>)
      tpu.yield
    }) : () -> ()
    return
  }
}

#map = affine_map<(d0, d1) -> (0, 0)>
#map1 = affine_map<(d0, d1) -> (0)>
module attributes {stable_mosaic.version = 14 : i64} {
  func.func @gather_kernel(%arg0: i32, %arg1: i32, %arg2: memref<50368x768xf32, #tpu.memory_space<hbm>>, %arg3: memref<8192xi32, #tpu.memory_space<hbm>>, %arg4: memref<8192x768xf32, #tpu.memory_space<hbm>>, %arg5: memref<256xi32, #tpu.memory_space<vmem>>, %arg6: memref<64x768xf32, #tpu.memory_space<vmem>>, %arg7: memref<64x768xf32, #tpu.memory_space<vmem>>, %arg8: memref<!tpu.dma_semaphore, #tpu.memory_space<semaphore_mem>>, %arg9: memref<!tpu.dma_semaphore, #tpu.memory_space<semaphore_mem>>) attributes {dimension_semantics = [#tpu.dimension_semantics<core_parallel>, #tpu.dimension_semantics<subcore_parallel>], iteration_bounds = array<i64: 2, 16>, scalar_prefetch = 0 : i64, scratch_operands = 5 : i64, tpu.core_type = #tpu.core_type<sc_vector_subcore>, window_params = [{transform_indices = #map}, {transform_indices = #map1}, {transform_indices = #map}]} {
    %mul3A = arith.constant 2 : i32
    %mul3A_0 = arith.muli %arg1, %mul3A : i32
    %add3A = arith.addi %mul3A_0, %arg0 : i32
    %mul3A_1 = arith.constant 256 : i32
    %mul3A_2 = arith.muli %add3A, %mul3A_1 : i32
    "tpu.region"() ({
      %run_scoped3A = tpu.sem_alloc : memref<!tpu.dma_semaphore, #tpu.memory_space<semaphore_mem>>
      %dma_start3A_49 = tpu.memref_slice %arg3[%mul3A_2] : memref<8192xi32, #tpu.memory_space<hbm>> -> memref<256xi32, #tpu.memory_space<hbm>>
      %dma_start3A_50 = tpu.memref_slice %arg3[%mul3A_2] : memref<8192xi32, #tpu.memory_space<hbm>> -> memref<256xi32, #tpu.memory_space<hbm>>
      tpu.enqueue_dma source(%dma_start3A_50 : memref<256xi32, #tpu.memory_space<hbm>>) target(%arg5 : memref<256xi32, #tpu.memory_space<vmem>>) target_semaphore(%run_scoped3A : memref<!tpu.dma_semaphore, #tpu.memory_space<semaphore_mem>>)
      %dma_wait3A_51 = tpu.memref_slice %arg3[%mul3A_2] : memref<8192xi32, #tpu.memory_space<hbm>> -> memref<256xi32, #tpu.memory_space<hbm>>
      %dma_wait3A_52 = tpu.memref_slice %arg3[%mul3A_2] : memref<8192xi32, #tpu.memory_space<hbm>> -> memref<256xi32, #tpu.memory_space<hbm>>
      tpu.wait_dma2 semaphore(%run_scoped3A : memref<!tpu.dma_semaphore, #tpu.memory_space<semaphore_mem>>) src(%dma_wait3A_52 : memref<256xi32, #tpu.memory_space<hbm>>) dst(%arg5 : memref<256xi32, #tpu.memory_space<vmem>>)
      tpu.yield
    }) : () -> ()
    %dma_start3A = arith.constant 0 : i32
    %dma_start3A_3 = tpu.memref_slice %arg5[%dma_start3A] : memref<256xi32, #tpu.memory_space<vmem>> -> memref<64xi32, #tpu.memory_space<vmem>>
    %dma_start3A_4 = arith.constant 0 : i32
    %dma_start3A_5 = arith.constant 0 : i32
    %dma_start3A_6 = tpu.memref_slice %arg2[%dma_start3A_4, %dma_start3A_5] : memref<50368x768xf32, #tpu.memory_space<hbm>> -> memref<50368x768xf32, #tpu.memory_space<hbm>>
    tpu.enqueue_indirect_dma source(%dma_start3A_6 : memref<50368x768xf32, #tpu.memory_space<hbm>>) target(%arg6 : memref<64x768xf32, #tpu.memory_space<vmem>>) offsets(%dma_start3A_3 : memref<64xi32, #tpu.memory_space<vmem>>) semaphore(%arg8 : memref<!tpu.dma_semaphore, #tpu.memory_space<semaphore_mem>>)
    %dma_wait3A = arith.constant 0 : i32
    %dma_wait3A_7 = tpu.memref_slice %arg5[%dma_wait3A] : memref<256xi32, #tpu.memory_space<vmem>> -> memref<64xi32, #tpu.memory_space<vmem>>
    %dma_wait3A_8 = arith.constant 0 : i32
    %dma_wait3A_9 = arith.constant 0 : i32
    %dma_wait3A_10 = tpu.memref_slice %arg2[%dma_wait3A_8, %dma_wait3A_9] : memref<50368x768xf32, #tpu.memory_space<hbm>> -> memref<50368x768xf32, #tpu.memory_space<hbm>>
    tpu.wait_indirect_dma semaphore(%arg8 : memref<!tpu.dma_semaphore, #tpu.memory_space<semaphore_mem>>) src(%dma_wait3A_10 : memref<50368x768xf32, #tpu.memory_space<hbm>>) dst(%arg6 : memref<64x768xf32, #tpu.memory_space<vmem>>)
    %dma_start3A_11 = arith.constant 64 : i32
    %dma_start3A_12 = tpu.memref_slice %arg5[%dma_start3A_11] : memref<256xi32, #tpu.memory_space<vmem>> -> memref<64xi32, #tpu.memory_space<vmem>>
    %dma_start3A_13 = arith.constant 0 : i32
    %dma_start3A_14 = arith.constant 0 : i32
    %dma_start3A_15 = tpu.memref_slice %arg2[%dma_start3A_13, %dma_start3A_14] : memref<50368x768xf32, #tpu.memory_space<hbm>> -> memref<50368x768xf32, #tpu.memory_space<hbm>>
    tpu.enqueue_indirect_dma source(%dma_start3A_15 : memref<50368x768xf32, #tpu.memory_space<hbm>>) target(%arg7 : memref<64x768xf32, #tpu.memory_space<vmem>>) offsets(%dma_start3A_12 : memref<64xi32, #tpu.memory_space<vmem>>) semaphore(%arg9 : memref<!tpu.dma_semaphore, #tpu.memory_space<semaphore_mem>>)
    %add3A_16 = arith.constant 0 : i32
    %add3A_17 = arith.addi %mul3A_2, %add3A_16 : i32
    "tpu.region"() ({
      %run_scoped3A = tpu.sem_alloc : memref<!tpu.dma_semaphore, #tpu.memory_space<semaphore_mem>>
      %dma_start3A_49 = arith.constant 0 : i32
      %dma_start3A_50 = tpu.memref_slice %arg4[%add3A_17, %dma_start3A_49] : memref<8192x768xf32, #tpu.memory_space<hbm>> -> memref<64x768xf32, #tpu.memory_space<hbm>>
      %dma_start3A_51 = arith.constant 0 : i32
      %dma_start3A_52 = tpu.memref_slice %arg4[%add3A_17, %dma_start3A_51] : memref<8192x768xf32, #tpu.memory_space<hbm>> -> memref<64x768xf32, #tpu.memory_space<hbm>>
      tpu.enqueue_dma source(%arg6 : memref<64x768xf32, #tpu.memory_space<vmem>>) target(%dma_start3A_52 : memref<64x768xf32, #tpu.memory_space<hbm>>) target_semaphore(%run_scoped3A : memref<!tpu.dma_semaphore, #tpu.memory_space<semaphore_mem>>)
      %dma_wait3A_53 = arith.constant 0 : i32
      %dma_wait3A_54 = tpu.memref_slice %arg4[%add3A_17, %dma_wait3A_53] : memref<8192x768xf32, #tpu.memory_space<hbm>> -> memref<64x768xf32, #tpu.memory_space<hbm>>
      %dma_wait3A_55 = arith.constant 0 : i32
      %dma_wait3A_56 = tpu.memref_slice %arg4[%add3A_17, %dma_wait3A_55] : memref<8192x768xf32, #tpu.memory_space<hbm>> -> memref<64x768xf32, #tpu.memory_space<hbm>>
      tpu.wait_dma2 semaphore(%run_scoped3A : memref<!tpu.dma_semaphore, #tpu.memory_space<semaphore_mem>>) src(%arg6 : memref<64x768xf32, #tpu.memory_space<vmem>>) dst(%dma_wait3A_56 : memref<64x768xf32, #tpu.memory_space<hbm>>)
      tpu.yield
    }) : () -> ()
    %dma_wait3A_18 = arith.constant 64 : i32
    %dma_wait3A_19 = tpu.memref_slice %arg5[%dma_wait3A_18] : memref<256xi32, #tpu.memory_space<vmem>> -> memref<64xi32, #tpu.memory_space<vmem>>
    %dma_wait3A_20 = arith.constant 0 : i32
    %dma_wait3A_21 = arith.constant 0 : i32
    %dma_wait3A_22 = tpu.memref_slice %arg2[%dma_wait3A_20, %dma_wait3A_21] : memref<50368x768xf32, #tpu.memory_space<hbm>> -> memref<50368x768xf32, #tpu.memory_space<hbm>>
    tpu.wait_indirect_dma semaphore(%arg9 : memref<!tpu.dma_semaphore, #tpu.memory_space<semaphore_mem>>) src(%dma_wait3A_22 : memref<50368x768xf32, #tpu.memory_space<hbm>>) dst(%arg7 : memref<64x768xf32, #tpu.memory_space<vmem>>)
    %dma_start3A_23 = arith.constant 128 : i32
    %dma_start3A_24 = tpu.memref_slice %arg5[%dma_start3A_23] : memref<256xi32, #tpu.memory_space<vmem>> -> memref<64xi32, #tpu.memory_space<vmem>>
    %dma_start3A_25 = arith.constant 0 : i32
    %dma_start3A_26 = arith.constant 0 : i32
    %dma_start3A_27 = tpu.memref_slice %arg2[%dma_start3A_25, %dma_start3A_26] : memref<50368x768xf32, #tpu.memory_space<hbm>> -> memref<50368x768xf32, #tpu.memory_space<hbm>>
    tpu.enqueue_indirect_dma source(%dma_start3A_27 : memref<50368x768xf32, #tpu.memory_space<hbm>>) target(%arg6 : memref<64x768xf32, #tpu.memory_space<vmem>>) offsets(%dma_start3A_24 : memref<64xi32, #tpu.memory_space<vmem>>) semaphore(%arg8 : memref<!tpu.dma_semaphore, #tpu.memory_space<semaphore_mem>>)
    %add3A_28 = arith.constant 64 : i32
    %add3A_29 = arith.addi %mul3A_2, %add3A_28 : i32
    "tpu.region"() ({
      %run_scoped3A = tpu.sem_alloc : memref<!tpu.dma_semaphore, #tpu.memory_space<semaphore_mem>>
      %dma_start3A_49 = arith.constant 0 : i32
      %dma_start3A_50 = tpu.memref_slice %arg4[%add3A_29, %dma_start3A_49] : memref<8192x768xf32, #tpu.memory_space<hbm>> -> memref<64x768xf32, #tpu.memory_space<hbm>>
      %dma_start3A_51 = arith.constant 0 : i32
      %dma_start3A_52 = tpu.memref_slice %arg4[%add3A_29, %dma_start3A_51] : memref<8192x768xf32, #tpu.memory_space<hbm>> -> memref<64x768xf32, #tpu.memory_space<hbm>>
      tpu.enqueue_dma source(%arg7 : memref<64x768xf32, #tpu.memory_space<vmem>>) target(%dma_start3A_52 : memref<64x768xf32, #tpu.memory_space<hbm>>) target_semaphore(%run_scoped3A : memref<!tpu.dma_semaphore, #tpu.memory_space<semaphore_mem>>)
      %dma_wait3A_53 = arith.constant 0 : i32
      %dma_wait3A_54 = tpu.memref_slice %arg4[%add3A_29, %dma_wait3A_53] : memref<8192x768xf32, #tpu.memory_space<hbm>> -> memref<64x768xf32, #tpu.memory_space<hbm>>
      %dma_wait3A_55 = arith.constant 0 : i32
      %dma_wait3A_56 = tpu.memref_slice %arg4[%add3A_29, %dma_wait3A_55] : memref<8192x768xf32, #tpu.memory_space<hbm>> -> memref<64x768xf32, #tpu.memory_space<hbm>>
      tpu.wait_dma2 semaphore(%run_scoped3A : memref<!tpu.dma_semaphore, #tpu.memory_space<semaphore_mem>>) src(%arg7 : memref<64x768xf32, #tpu.memory_space<vmem>>) dst(%dma_wait3A_56 : memref<64x768xf32, #tpu.memory_space<hbm>>)
      tpu.yield
    }) : () -> ()
    %dma_wait3A_30 = arith.constant 128 : i32
    %dma_wait3A_31 = tpu.memref_slice %arg5[%dma_wait3A_30] : memref<256xi32, #tpu.memory_space<vmem>> -> memref<64xi32, #tpu.memory_space<vmem>>
    %dma_wait3A_32 = arith.constant 0 : i32
    %dma_wait3A_33 = arith.constant 0 : i32
    %dma_wait3A_34 = tpu.memref_slice %arg2[%dma_wait3A_32, %dma_wait3A_33] : memref<50368x768xf32, #tpu.memory_space<hbm>> -> memref<50368x768xf32, #tpu.memory_space<hbm>>
    tpu.wait_indirect_dma semaphore(%arg8 : memref<!tpu.dma_semaphore, #tpu.memory_space<semaphore_mem>>) src(%dma_wait3A_34 : memref<50368x768xf32, #tpu.memory_space<hbm>>) dst(%arg6 : memref<64x768xf32, #tpu.memory_space<vmem>>)
    %dma_start3A_35 = arith.constant 192 : i32
    %dma_start3A_36 = tpu.memref_slice %arg5[%dma_start3A_35] : memref<256xi32, #tpu.memory_space<vmem>> -> memref<64xi32, #tpu.memory_space<vmem>>
    %dma_start3A_37 = arith.constant 0 : i32
    %dma_start3A_38 = arith.constant 0 : i32
    %dma_start3A_39 = tpu.memref_slice %arg2[%dma_start3A_37, %dma_start3A_38] : memref<50368x768xf32, #tpu.memory_space<hbm>> -> memref<50368x768xf32, #tpu.memory_space<hbm>>
    tpu.enqueue_indirect_dma source(%dma_start3A_39 : memref<50368x768xf32, #tpu.memory_space<hbm>>) target(%arg7 : memref<64x768xf32, #tpu.memory_space<vmem>>) offsets(%dma_start3A_36 : memref<64xi32, #tpu.memory_space<vmem>>) semaphore(%arg9 : memref<!tpu.dma_semaphore, #tpu.memory_space<semaphore_mem>>)
    %add3A_40 = arith.constant 128 : i32
    %add3A_41 = arith.addi %mul3A_2, %add3A_40 : i32
    "tpu.region"() ({
      %run_scoped3A = tpu.sem_alloc : memref<!tpu.dma_semaphore, #tpu.memory_space<semaphore_mem>>
      %dma_start3A_49 = arith.constant 0 : i32
      %dma_start3A_50 = tpu.memref_slice %arg4[%add3A_41, %dma_start3A_49] : memref<8192x768xf32, #tpu.memory_space<hbm>> -> memref<64x768xf32, #tpu.memory_space<hbm>>
      %dma_start3A_51 = arith.constant 0 : i32
      %dma_start3A_52 = tpu.memref_slice %arg4[%add3A_41, %dma_start3A_51] : memref<8192x768xf32, #tpu.memory_space<hbm>> -> memref<64x768xf32, #tpu.memory_space<hbm>>
      tpu.enqueue_dma source(%arg6 : memref<64x768xf32, #tpu.memory_space<vmem>>) target(%dma_start3A_52 : memref<64x768xf32, #tpu.memory_space<hbm>>) target_semaphore(%run_scoped3A : memref<!tpu.dma_semaphore, #tpu.memory_space<semaphore_mem>>)
      %dma_wait3A_53 = arith.constant 0 : i32
      %dma_wait3A_54 = tpu.memref_slice %arg4[%add3A_41, %dma_wait3A_53] : memref<8192x768xf32, #tpu.memory_space<hbm>> -> memref<64x768xf32, #tpu.memory_space<hbm>>
      %dma_wait3A_55 = arith.constant 0 : i32
      %dma_wait3A_56 = tpu.memref_slice %arg4[%add3A_41, %dma_wait3A_55] : memref<8192x768xf32, #tpu.memory_space<hbm>> -> memref<64x768xf32, #tpu.memory_space<hbm>>
      tpu.wait_dma2 semaphore(%run_scoped3A : memref<!tpu.dma_semaphore, #tpu.memory_space<semaphore_mem>>) src(%arg6 : memref<64x768xf32, #tpu.memory_space<vmem>>) dst(%dma_wait3A_56 : memref<64x768xf32, #tpu.memory_space<hbm>>)
      tpu.yield
    }) : () -> ()
    %dma_wait3A_42 = arith.constant 192 : i32
    %dma_wait3A_43 = tpu.memref_slice %arg5[%dma_wait3A_42] : memref<256xi32, #tpu.memory_space<vmem>> -> memref<64xi32, #tpu.memory_space<vmem>>
    %dma_wait3A_44 = arith.constant 0 : i32
    %dma_wait3A_45 = arith.constant 0 : i32
    %dma_wait3A_46 = tpu.memref_slice %arg2[%dma_wait3A_44, %dma_wait3A_45] : memref<50368x768xf32, #tpu.memory_space<hbm>> -> memref<50368x768xf32, #tpu.memory_space<hbm>>
    tpu.wait_indirect_dma semaphore(%arg9 : memref<!tpu.dma_semaphore, #tpu.memory_space<semaphore_mem>>) src(%dma_wait3A_46 : memref<50368x768xf32, #tpu.memory_space<hbm>>) dst(%arg7 : memref<64x768xf32, #tpu.memory_space<vmem>>)
    %add3A_47 = arith.constant 192 : i32
    %add3A_48 = arith.addi %mul3A_2, %add3A_47 : i32
    "tpu.region"() ({
      %run_scoped3A = tpu.sem_alloc : memref<!tpu.dma_semaphore, #tpu.memory_space<semaphore_mem>>
      %dma_start3A_49 = arith.constant 0 : i32
      %dma_start3A_50 = tpu.memref_slice %arg4[%add3A_48, %dma_start3A_49] : memref<8192x768xf32, #tpu.memory_space<hbm>> -> memref<64x768xf32, #tpu.memory_space<hbm>>
      %dma_start3A_51 = arith.constant 0 : i32
      %dma_start3A_52 = tpu.memref_slice %arg4[%add3A_48, %dma_start3A_51] : memref<8192x768xf32, #tpu.memory_space<hbm>> -> memref<64x768xf32, #tpu.memory_space<hbm>>
      tpu.enqueue_dma source(%arg7 : memref<64x768xf32, #tpu.memory_space<vmem>>) target(%dma_start3A_52 : memref<64x768xf32, #tpu.memory_space<hbm>>) target_semaphore(%run_scoped3A : memref<!tpu.dma_semaphore, #tpu.memory_space<semaphore_mem>>)
      %dma_wait3A_53 = arith.constant 0 : i32
      %dma_wait3A_54 = tpu.memref_slice %arg4[%add3A_48, %dma_wait3A_53] : memref<8192x768xf32, #tpu.memory_space<hbm>> -> memref<64x768xf32, #tpu.memory_space<hbm>>
      %dma_wait3A_55 = arith.constant 0 : i32
      %dma_wait3A_56 = tpu.memref_slice %arg4[%add3A_48, %dma_wait3A_55] : memref<8192x768xf32, #tpu.memory_space<hbm>> -> memref<64x768xf32, #tpu.memory_space<hbm>>
      tpu.wait_dma2 semaphore(%run_scoped3A : memref<!tpu.dma_semaphore, #tpu.memory_space<semaphore_mem>>) src(%arg7 : memref<64x768xf32, #tpu.memory_space<vmem>>) dst(%dma_wait3A_56 : memref<64x768xf32, #tpu.memory_space<hbm>>)
      tpu.yield
    }) : () -> ()
    return
  }
}

#map = affine_map<(d0, d1) -> (0, 0)>
#map1 = affine_map<(d0, d1) -> (0)>
module attributes {stable_mosaic.version = 14 : i64} {
  func.func @gather_kernel(%arg0: i32, %arg1: i32, %arg2: memref<50368x768xf32, #tpu.memory_space<hbm>>, %arg3: memref<8192xi32, #tpu.memory_space<hbm>>, %arg4: memref<8192x768xf32, #tpu.memory_space<hbm>>, %arg5: memref<256xi32, #tpu.memory_space<vmem>>, %arg6: memref<64x768xf32, #tpu.memory_space<vmem>>, %arg7: memref<64x768xf32, #tpu.memory_space<vmem>>, %arg8: memref<!tpu.dma_semaphore, #tpu.memory_space<semaphore_mem>>, %arg9: memref<!tpu.dma_semaphore, #tpu.memory_space<semaphore_mem>>) attributes {dimension_semantics = [#tpu.dimension_semantics<core_parallel>, #tpu.dimension_semantics<subcore_parallel>], iteration_bounds = array<i64: 2, 16>, scalar_prefetch = 0 : i64, scratch_operands = 5 : i64, tpu.core_type = #tpu.core_type<sc_vector_subcore>, window_params = [{transform_indices = #map}, {transform_indices = #map1}, {transform_indices = #map}]} {
    %mul3A = arith.constant 2 : i32
    %mul3A_0 = arith.muli %arg1, %mul3A : i32
    %add3A = arith.addi %mul3A_0, %arg0 : i32
    %mul3A_1 = arith.constant 256 : i32
    %mul3A_2 = arith.muli %add3A, %mul3A_1 : i32
    "tpu.region"() ({
      %run_scoped3A = tpu.sem_alloc : memref<!tpu.dma_semaphore, #tpu.memory_space<semaphore_mem>>
      %dma_start3A_49 = tpu.memref_slice %arg3[%mul3A_2] : memref<8192xi32, #tpu.memory_space<hbm>> -> memref<256xi32, #tpu.memory_space<hbm>>
      %dma_start3A_50 = tpu.memref_slice %arg3[%mul3A_2] : memref<8192xi32, #tpu.memory_space<hbm>> -> memref<256xi32, #tpu.memory_space<hbm>>
      tpu.enqueue_dma source(%dma_start3A_50 : memref<256xi32, #tpu.memory_space<hbm>>) target(%arg5 : memref<256xi32, #tpu.memory_space<vmem>>) target_semaphore(%run_scoped3A : memref<!tpu.dma_semaphore, #tpu.memory_space<semaphore_mem>>)
      %dma_wait3A_51 = tpu.memref_slice %arg3[%mul3A_2] : memref<8192xi32, #tpu.memory_space<hbm>> -> memref<256xi32, #tpu.memory_space<hbm>>
      %dma_wait3A_52 = tpu.memref_slice %arg3[%mul3A_2] : memref<8192xi32, #tpu.memory_space<hbm>> -> memref<256xi32, #tpu.memory_space<hbm>>
      tpu.wait_dma2 semaphore(%run_scoped3A : memref<!tpu.dma_semaphore, #tpu.memory_space<semaphore_mem>>) src(%dma_wait3A_52 : memref<256xi32, #tpu.memory_space<hbm>>) dst(%arg5 : memref<256xi32, #tpu.memory_space<vmem>>)
      tpu.yield
    }) : () -> ()
    %dma_start3A = arith.constant 0 : i32
    %dma_start3A_3 = tpu.memref_slice %arg5[%dma_start3A] : memref<256xi32, #tpu.memory_space<vmem>> -> memref<64xi32, #tpu.memory_space<vmem>>
    %dma_start3A_4 = arith.constant 0 : i32
    %dma_start3A_5 = arith.constant 0 : i32
    %dma_start3A_6 = tpu.memref_slice %arg2[%dma_start3A_4, %dma_start3A_5] : memref<50368x768xf32, #tpu.memory_space<hbm>> -> memref<50368x768xf32, #tpu.memory_space<hbm>>
    tpu.enqueue_indirect_dma source(%dma_start3A_6 : memref<50368x768xf32, #tpu.memory_space<hbm>>) target(%arg6 : memref<64x768xf32, #tpu.memory_space<vmem>>) offsets(%dma_start3A_3 : memref<64xi32, #tpu.memory_space<vmem>>) semaphore(%arg8 : memref<!tpu.dma_semaphore, #tpu.memory_space<semaphore_mem>>)
    %dma_wait3A = arith.constant 0 : i32
    %dma_wait3A_7 = tpu.memref_slice %arg5[%dma_wait3A] : memref<256xi32, #tpu.memory_space<vmem>> -> memref<64xi32, #tpu.memory_space<vmem>>
    %dma_wait3A_8 = arith.constant 0 : i32
    %dma_wait3A_9 = arith.constant 0 : i32
    %dma_wait3A_10 = tpu.memref_slice %arg2[%dma_wait3A_8, %dma_wait3A_9] : memref<50368x768xf32, #tpu.memory_space<hbm>> -> memref<50368x768xf32, #tpu.memory_space<hbm>>
    tpu.wait_indirect_dma semaphore(%arg8 : memref<!tpu.dma_semaphore, #tpu.memory_space<semaphore_mem>>) src(%dma_wait3A_10 : memref<50368x768xf32, #tpu.memory_space<hbm>>) dst(%arg6 : memref<64x768xf32, #tpu.memory_space<vmem>>)
    %dma_start3A_11 = arith.constant 64 : i32
    %dma_start3A_12 = tpu.memref_slice %arg5[%dma_start3A_11] : memref<256xi32, #tpu.memory_space<vmem>> -> memref<64xi32, #tpu.memory_space<vmem>>
    %dma_start3A_13 = arith.constant 0 : i32
    %dma_start3A_14 = arith.constant 0 : i32
    %dma_start3A_15 = tpu.memref_slice %arg2[%dma_start3A_13, %dma_start3A_14] : memref<50368x768xf32, #tpu.memory_space<hbm>> -> memref<50368x768xf32, #tpu.memory_space<hbm>>
    tpu.enqueue_indirect_dma source(%dma_start3A_15 : memref<50368x768xf32, #tpu.memory_space<hbm>>) target(%arg7 : memref<64x768xf32, #tpu.memory_space<vmem>>) offsets(%dma_start3A_12 : memref<64xi32, #tpu.memory_space<vmem>>) semaphore(%arg9 : memref<!tpu.dma_semaphore, #tpu.memory_space<semaphore_mem>>)
    %add3A_16 = arith.constant 0 : i32
    %add3A_17 = arith.addi %mul3A_2, %add3A_16 : i32
    "tpu.region"() ({
      %run_scoped3A = tpu.sem_alloc : memref<!tpu.dma_semaphore, #tpu.memory_space<semaphore_mem>>
      %dma_start3A_49 = arith.constant 0 : i32
      %dma_start3A_50 = tpu.memref_slice %arg4[%add3A_17, %dma_start3A_49] : memref<8192x768xf32, #tpu.memory_space<hbm>> -> memref<64x768xf32, #tpu.memory_space<hbm>>
      %dma_start3A_51 = arith.constant 0 : i32
      %dma_start3A_52 = tpu.memref_slice %arg4[%add3A_17, %dma_start3A_51] : memref<8192x768xf32, #tpu.memory_space<hbm>> -> memref<64x768xf32, #tpu.memory_space<hbm>>
      tpu.enqueue_dma source(%arg6 : memref<64x768xf32, #tpu.memory_space<vmem>>) target(%dma_start3A_52 : memref<64x768xf32, #tpu.memory_space<hbm>>) target_semaphore(%run_scoped3A : memref<!tpu.dma_semaphore, #tpu.memory_space<semaphore_mem>>)
      %dma_wait3A_53 = arith.constant 0 : i32
      %dma_wait3A_54 = tpu.memref_slice %arg4[%add3A_17, %dma_wait3A_53] : memref<8192x768xf32, #tpu.memory_space<hbm>> -> memref<64x768xf32, #tpu.memory_space<hbm>>
      %dma_wait3A_55 = arith.constant 0 : i32
      %dma_wait3A_56 = tpu.memref_slice %arg4[%add3A_17, %dma_wait3A_55] : memref<8192x768xf32, #tpu.memory_space<hbm>> -> memref<64x768xf32, #tpu.memory_space<hbm>>
      tpu.wait_dma2 semaphore(%run_scoped3A : memref<!tpu.dma_semaphore, #tpu.memory_space<semaphore_mem>>) src(%arg6 : memref<64x768xf32, #tpu.memory_space<vmem>>) dst(%dma_wait3A_56 : memref<64x768xf32, #tpu.memory_space<hbm>>)
      tpu.yield
    }) : () -> ()
    %dma_wait3A_18 = arith.constant 64 : i32
    %dma_wait3A_19 = tpu.memref_slice %arg5[%dma_wait3A_18] : memref<256xi32, #tpu.memory_space<vmem>> -> memref<64xi32, #tpu.memory_space<vmem>>
    %dma_wait3A_20 = arith.constant 0 : i32
    %dma_wait3A_21 = arith.constant 0 : i32
    %dma_wait3A_22 = tpu.memref_slice %arg2[%dma_wait3A_20, %dma_wait3A_21] : memref<50368x768xf32, #tpu.memory_space<hbm>> -> memref<50368x768xf32, #tpu.memory_space<hbm>>
    tpu.wait_indirect_dma semaphore(%arg9 : memref<!tpu.dma_semaphore, #tpu.memory_space<semaphore_mem>>) src(%dma_wait3A_22 : memref<50368x768xf32, #tpu.memory_space<hbm>>) dst(%arg7 : memref<64x768xf32, #tpu.memory_space<vmem>>)
    %dma_start3A_23 = arith.constant 128 : i32
    %dma_start3A_24 = tpu.memref_slice %arg5[%dma_start3A_23] : memref<256xi32, #tpu.memory_space<vmem>> -> memref<64xi32, #tpu.memory_space<vmem>>
    %dma_start3A_25 = arith.constant 0 : i32
    %dma_start3A_26 = arith.constant 0 : i32
    %dma_start3A_27 = tpu.memref_slice %arg2[%dma_start3A_25, %dma_start3A_26] : memref<50368x768xf32, #tpu.memory_space<hbm>> -> memref<50368x768xf32, #tpu.memory_space<hbm>>
    tpu.enqueue_indirect_dma source(%dma_start3A_27 : memref<50368x768xf32, #tpu.memory_space<hbm>>) target(%arg6 : memref<64x768xf32, #tpu.memory_space<vmem>>) offsets(%dma_start3A_24 : memref<64xi32, #tpu.memory_space<vmem>>) semaphore(%arg8 : memref<!tpu.dma_semaphore, #tpu.memory_space<semaphore_mem>>)
    %add3A_28 = arith.constant 64 : i32
    %add3A_29 = arith.addi %mul3A_2, %add3A_28 : i32
    "tpu.region"() ({
      %run_scoped3A = tpu.sem_alloc : memref<!tpu.dma_semaphore, #tpu.memory_space<semaphore_mem>>
      %dma_start3A_49 = arith.constant 0 : i32
      %dma_start3A_50 = tpu.memref_slice %arg4[%add3A_29, %dma_start3A_49] : memref<8192x768xf32, #tpu.memory_space<hbm>> -> memref<64x768xf32, #tpu.memory_space<hbm>>
      %dma_start3A_51 = arith.constant 0 : i32
      %dma_start3A_52 = tpu.memref_slice %arg4[%add3A_29, %dma_start3A_51] : memref<8192x768xf32, #tpu.memory_space<hbm>> -> memref<64x768xf32, #tpu.memory_space<hbm>>
      tpu.enqueue_dma source(%arg7 : memref<64x768xf32, #tpu.memory_space<vmem>>) target(%dma_start3A_52 : memref<64x768xf32, #tpu.memory_space<hbm>>) target_semaphore(%run_scoped3A : memref<!tpu.dma_semaphore, #tpu.memory_space<semaphore_mem>>)
      %dma_wait3A_53 = arith.constant 0 : i32
      %dma_wait3A_54 = tpu.memref_slice %arg4[%add3A_29, %dma_wait3A_53] : memref<8192x768xf32, #tpu.memory_space<hbm>> -> memref<64x768xf32, #tpu.memory_space<hbm>>
      %dma_wait3A_55 = arith.constant 0 : i32
      %dma_wait3A_56 = tpu.memref_slice %arg4[%add3A_29, %dma_wait3A_55] : memref<8192x768xf32, #tpu.memory_space<hbm>> -> memref<64x768xf32, #tpu.memory_space<hbm>>
      tpu.wait_dma2 semaphore(%run_scoped3A : memref<!tpu.dma_semaphore, #tpu.memory_space<semaphore_mem>>) src(%arg7 : memref<64x768xf32, #tpu.memory_space<vmem>>) dst(%dma_wait3A_56 : memref<64x768xf32, #tpu.memory_space<hbm>>)
      tpu.yield
    }) : () -> ()
    %dma_wait3A_30 = arith.constant 128 : i32
    %dma_wait3A_31 = tpu.memref_slice %arg5[%dma_wait3A_30] : memref<256xi32, #tpu.memory_space<vmem>> -> memref<64xi32, #tpu.memory_space<vmem>>
    %dma_wait3A_32 = arith.constant 0 : i32
    %dma_wait3A_33 = arith.constant 0 : i32
    %dma_wait3A_34 = tpu.memref_slice %arg2[%dma_wait3A_32, %dma_wait3A_33] : memref<50368x768xf32, #tpu.memory_space<hbm>> -> memref<50368x768xf32, #tpu.memory_space<hbm>>
    tpu.wait_indirect_dma semaphore(%arg8 : memref<!tpu.dma_semaphore, #tpu.memory_space<semaphore_mem>>) src(%dma_wait3A_34 : memref<50368x768xf32, #tpu.memory_space<hbm>>) dst(%arg6 : memref<64x768xf32, #tpu.memory_space<vmem>>)
    %dma_start3A_35 = arith.constant 192 : i32
    %dma_start3A_36 = tpu.memref_slice %arg5[%dma_start3A_35] : memref<256xi32, #tpu.memory_space<vmem>> -> memref<64xi32, #tpu.memory_space<vmem>>
    %dma_start3A_37 = arith.constant 0 : i32
    %dma_start3A_38 = arith.constant 0 : i32
    %dma_start3A_39 = tpu.memref_slice %arg2[%dma_start3A_37, %dma_start3A_38] : memref<50368x768xf32, #tpu.memory_space<hbm>> -> memref<50368x768xf32, #tpu.memory_space<hbm>>
    tpu.enqueue_indirect_dma source(%dma_start3A_39 : memref<50368x768xf32, #tpu.memory_space<hbm>>) target(%arg7 : memref<64x768xf32, #tpu.memory_space<vmem>>) offsets(%dma_start3A_36 : memref<64xi32, #tpu.memory_space<vmem>>) semaphore(%arg9 : memref<!tpu.dma_semaphore, #tpu.memory_space<semaphore_mem>>)
    %add3A_40 = arith.constant 128 : i32
    %add3A_41 = arith.addi %mul3A_2, %add3A_40 : i32
    "tpu.region"() ({
      %run_scoped3A = tpu.sem_alloc : memref<!tpu.dma_semaphore, #tpu.memory_space<semaphore_mem>>
      %dma_start3A_49 = arith.constant 0 : i32
      %dma_start3A_50 = tpu.memref_slice %arg4[%add3A_41, %dma_start3A_49] : memref<8192x768xf32, #tpu.memory_space<hbm>> -> memref<64x768xf32, #tpu.memory_space<hbm>>
      %dma_start3A_51 = arith.constant 0 : i32
      %dma_start3A_52 = tpu.memref_slice %arg4[%add3A_41, %dma_start3A_51] : memref<8192x768xf32, #tpu.memory_space<hbm>> -> memref<64x768xf32, #tpu.memory_space<hbm>>
      tpu.enqueue_dma source(%arg6 : memref<64x768xf32, #tpu.memory_space<vmem>>) target(%dma_start3A_52 : memref<64x768xf32, #tpu.memory_space<hbm>>) target_semaphore(%run_scoped3A : memref<!tpu.dma_semaphore, #tpu.memory_space<semaphore_mem>>)
      %dma_wait3A_53 = arith.constant 0 : i32
      %dma_wait3A_54 = tpu.memref_slice %arg4[%add3A_41, %dma_wait3A_53] : memref<8192x768xf32, #tpu.memory_space<hbm>> -> memref<64x768xf32, #tpu.memory_space<hbm>>
      %dma_wait3A_55 = arith.constant 0 : i32
      %dma_wait3A_56 = tpu.memref_slice %arg4[%add3A_41, %dma_wait3A_55] : memref<8192x768xf32, #tpu.memory_space<hbm>> -> memref<64x768xf32, #tpu.memory_space<hbm>>
      tpu.wait_dma2 semaphore(%run_scoped3A : memref<!tpu.dma_semaphore, #tpu.memory_space<semaphore_mem>>) src(%arg6 : memref<64x768xf32, #tpu.memory_space<vmem>>) dst(%dma_wait3A_56 : memref<64x768xf32, #tpu.memory_space<hbm>>)
      tpu.yield
    }) : () -> ()
    %dma_wait3A_42 = arith.constant 192 : i32
    %dma_wait3A_43 = tpu.memref_slice %arg5[%dma_wait3A_42] : memref<256xi32, #tpu.memory_space<vmem>> -> memref<64xi32, #tpu.memory_space<vmem>>
    %dma_wait3A_44 = arith.constant 0 : i32
    %dma_wait3A_45 = arith.constant 0 : i32
    %dma_wait3A_46 = tpu.memref_slice %arg2[%dma_wait3A_44, %dma_wait3A_45] : memref<50368x768xf32, #tpu.memory_space<hbm>> -> memref<50368x768xf32, #tpu.memory_space<hbm>>
    tpu.wait_indirect_dma semaphore(%arg9 : memref<!tpu.dma_semaphore, #tpu.memory_space<semaphore_mem>>) src(%dma_wait3A_46 : memref<50368x768xf32, #tpu.memory_space<hbm>>) dst(%arg7 : memref<64x768xf32, #tpu.memory_space<vmem>>)
    %add3A_47 = arith.constant 192 : i32
    %add3A_48 = arith.addi %mul3A_2, %add3A_47 : i32
    "tpu.region"() ({
      %run_scoped3A = tpu.sem_alloc : memref<!tpu.dma_semaphore, #tpu.memory_space<semaphore_mem>>
      %dma_start3A_49 = arith.constant 0 : i32
      %dma_start3A_50 = tpu.memref_slice %arg4[%add3A_48, %dma_start3A_49] : memref<8192x768xf32, #tpu.memory_space<hbm>> -> memref<64x768xf32, #tpu.memory_space<hbm>>
      %dma_start3A_51 = arith.constant 0 : i32
      %dma_start3A_52 = tpu.memref_slice %arg4[%add3A_48, %dma_start3A_51] : memref<8192x768xf32, #tpu.memory_space<hbm>> -> memref<64x768xf32, #tpu.memory_space<hbm>>
      tpu.enqueue_dma source(%arg7 : memref<64x768xf32, #tpu.memory_space<vmem>>) target(%dma_start3A_52 : memref<64x768xf32, #tpu.memory_space<hbm>>) target_semaphore(%run_scoped3A : memref<!tpu.dma_semaphore, #tpu.memory_space<semaphore_mem>>)
      %dma_wait3A_53 = arith.constant 0 : i32
      %dma_wait3A_54 = tpu.memref_slice %arg4[%add3A_48, %dma_wait3A_53] : memref<8192x768xf32, #tpu.memory_space<hbm>> -> memref<64x768xf32, #tpu.memory_space<hbm>>
      %dma_wait3A_55 = arith.constant 0 : i32
      %dma_wait3A_56 = tpu.memref_slice %arg4[%add3A_48, %dma_wait3A_55] : memref<8192x768xf32, #tpu.memory_space<hbm>> -> memref<64x768xf32, #tpu.memory_space<hbm>>
      tpu.wait_dma2 semaphore(%run_scoped3A : memref<!tpu.dma_semaphore, #tpu.memory_space<semaphore_mem>>) src(%arg7 : memref<64x768xf32, #tpu.memory_space<vmem>>) dst(%dma_wait3A_56 : memref<64x768xf32, #tpu.memory_space<hbm>>)
      tpu.yield
    }) : () -> ()
    return
  }
}

#map = affine_map<(d0, d1) -> (0, 0)>
#map1 = affine_map<(d0, d1) -> (0)>
module attributes {stable_mosaic.version = 14 : i64} {
  func.func @gather_kernel(%arg0: i32, %arg1: i32, %arg2: memref<50368x768xf32, #tpu.memory_space<hbm>>, %arg3: memref<8192xi32, #tpu.memory_space<hbm>>, %arg4: memref<8192x768xf32, #tpu.memory_space<hbm>>, %arg5: memref<256xi32, #tpu.memory_space<vmem>>, %arg6: memref<64x768xf32, #tpu.memory_space<vmem>>, %arg7: memref<64x768xf32, #tpu.memory_space<vmem>>, %arg8: memref<!tpu.dma_semaphore, #tpu.memory_space<semaphore_mem>>, %arg9: memref<!tpu.dma_semaphore, #tpu.memory_space<semaphore_mem>>) attributes {dimension_semantics = [#tpu.dimension_semantics<core_parallel>, #tpu.dimension_semantics<subcore_parallel>], iteration_bounds = array<i64: 2, 16>, scalar_prefetch = 0 : i64, scratch_operands = 5 : i64, tpu.core_type = #tpu.core_type<sc_vector_subcore>, window_params = [{transform_indices = #map}, {transform_indices = #map1}, {transform_indices = #map}]} {
    %mul3A = arith.constant 2 : i32
    %mul3A_0 = arith.muli %arg1, %mul3A : i32
    %add3A = arith.addi %mul3A_0, %arg0 : i32
    %mul3A_1 = arith.constant 256 : i32
    %mul3A_2 = arith.muli %add3A, %mul3A_1 : i32
    "tpu.region"() ({
      %run_scoped3A = tpu.sem_alloc : memref<!tpu.dma_semaphore, #tpu.memory_space<semaphore_mem>>
      %dma_start3A_49 = tpu.memref_slice %arg3[%mul3A_2] : memref<8192xi32, #tpu.memory_space<hbm>> -> memref<256xi32, #tpu.memory_space<hbm>>
      %dma_start3A_50 = tpu.memref_slice %arg3[%mul3A_2] : memref<8192xi32, #tpu.memory_space<hbm>> -> memref<256xi32, #tpu.memory_space<hbm>>
      tpu.enqueue_dma source(%dma_start3A_50 : memref<256xi32, #tpu.memory_space<hbm>>) target(%arg5 : memref<256xi32, #tpu.memory_space<vmem>>) target_semaphore(%run_scoped3A : memref<!tpu.dma_semaphore, #tpu.memory_space<semaphore_mem>>)
      %dma_wait3A_51 = tpu.memref_slice %arg3[%mul3A_2] : memref<8192xi32, #tpu.memory_space<hbm>> -> memref<256xi32, #tpu.memory_space<hbm>>
      %dma_wait3A_52 = tpu.memref_slice %arg3[%mul3A_2] : memref<8192xi32, #tpu.memory_space<hbm>> -> memref<256xi32, #tpu.memory_space<hbm>>
      tpu.wait_dma2 semaphore(%run_scoped3A : memref<!tpu.dma_semaphore, #tpu.memory_space<semaphore_mem>>) src(%dma_wait3A_52 : memref<256xi32, #tpu.memory_space<hbm>>) dst(%arg5 : memref<256xi32, #tpu.memory_space<vmem>>)
      tpu.yield
    }) : () -> ()
    %dma_start3A = arith.constant 0 : i32
    %dma_start3A_3 = tpu.memref_slice %arg5[%dma_start3A] : memref<256xi32, #tpu.memory_space<vmem>> -> memref<64xi32, #tpu.memory_space<vmem>>
    %dma_start3A_4 = arith.constant 0 : i32
    %dma_start3A_5 = arith.constant 0 : i32
    %dma_start3A_6 = tpu.memref_slice %arg2[%dma_start3A_4, %dma_start3A_5] : memref<50368x768xf32, #tpu.memory_space<hbm>> -> memref<50368x768xf32, #tpu.memory_space<hbm>>
    tpu.enqueue_indirect_dma source(%dma_start3A_6 : memref<50368x768xf32, #tpu.memory_space<hbm>>) target(%arg6 : memref<64x768xf32, #tpu.memory_space<vmem>>) offsets(%dma_start3A_3 : memref<64xi32, #tpu.memory_space<vmem>>) semaphore(%arg8 : memref<!tpu.dma_semaphore, #tpu.memory_space<semaphore_mem>>)
    %dma_wait3A = arith.constant 0 : i32
    %dma_wait3A_7 = tpu.memref_slice %arg5[%dma_wait3A] : memref<256xi32, #tpu.memory_space<vmem>> -> memref<64xi32, #tpu.memory_space<vmem>>
    %dma_wait3A_8 = arith.constant 0 : i32
    %dma_wait3A_9 = arith.constant 0 : i32
    %dma_wait3A_10 = tpu.memref_slice %arg2[%dma_wait3A_8, %dma_wait3A_9] : memref<50368x768xf32, #tpu.memory_space<hbm>> -> memref<50368x768xf32, #tpu.memory_space<hbm>>
    tpu.wait_indirect_dma semaphore(%arg8 : memref<!tpu.dma_semaphore, #tpu.memory_space<semaphore_mem>>) src(%dma_wait3A_10 : memref<50368x768xf32, #tpu.memory_space<hbm>>) dst(%arg6 : memref<64x768xf32, #tpu.memory_space<vmem>>)
    %dma_start3A_11 = arith.constant 64 : i32
    %dma_start3A_12 = tpu.memref_slice %arg5[%dma_start3A_11] : memref<256xi32, #tpu.memory_space<vmem>> -> memref<64xi32, #tpu.memory_space<vmem>>
    %dma_start3A_13 = arith.constant 0 : i32
    %dma_start3A_14 = arith.constant 0 : i32
    %dma_start3A_15 = tpu.memref_slice %arg2[%dma_start3A_13, %dma_start3A_14] : memref<50368x768xf32, #tpu.memory_space<hbm>> -> memref<50368x768xf32, #tpu.memory_space<hbm>>
    tpu.enqueue_indirect_dma source(%dma_start3A_15 : memref<50368x768xf32, #tpu.memory_space<hbm>>) target(%arg7 : memref<64x768xf32, #tpu.memory_space<vmem>>) offsets(%dma_start3A_12 : memref<64xi32, #tpu.memory_space<vmem>>) semaphore(%arg9 : memref<!tpu.dma_semaphore, #tpu.memory_space<semaphore_mem>>)
    %add3A_16 = arith.constant 0 : i32
    %add3A_17 = arith.addi %mul3A_2, %add3A_16 : i32
    "tpu.region"() ({
      %run_scoped3A = tpu.sem_alloc : memref<!tpu.dma_semaphore, #tpu.memory_space<semaphore_mem>>
      %dma_start3A_49 = arith.constant 0 : i32
      %dma_start3A_50 = tpu.memref_slice %arg4[%add3A_17, %dma_start3A_49] : memref<8192x768xf32, #tpu.memory_space<hbm>> -> memref<64x768xf32, #tpu.memory_space<hbm>>
      %dma_start3A_51 = arith.constant 0 : i32
      %dma_start3A_52 = tpu.memref_slice %arg4[%add3A_17, %dma_start3A_51] : memref<8192x768xf32, #tpu.memory_space<hbm>> -> memref<64x768xf32, #tpu.memory_space<hbm>>
      tpu.enqueue_dma source(%arg6 : memref<64x768xf32, #tpu.memory_space<vmem>>) target(%dma_start3A_52 : memref<64x768xf32, #tpu.memory_space<hbm>>) target_semaphore(%run_scoped3A : memref<!tpu.dma_semaphore, #tpu.memory_space<semaphore_mem>>)
      %dma_wait3A_53 = arith.constant 0 : i32
      %dma_wait3A_54 = tpu.memref_slice %arg4[%add3A_17, %dma_wait3A_53] : memref<8192x768xf32, #tpu.memory_space<hbm>> -> memref<64x768xf32, #tpu.memory_space<hbm>>
      %dma_wait3A_55 = arith.constant 0 : i32
      %dma_wait3A_56 = tpu.memref_slice %arg4[%add3A_17, %dma_wait3A_55] : memref<8192x768xf32, #tpu.memory_space<hbm>> -> memref<64x768xf32, #tpu.memory_space<hbm>>
      tpu.wait_dma2 semaphore(%run_scoped3A : memref<!tpu.dma_semaphore, #tpu.memory_space<semaphore_mem>>) src(%arg6 : memref<64x768xf32, #tpu.memory_space<vmem>>) dst(%dma_wait3A_56 : memref<64x768xf32, #tpu.memory_space<hbm>>)
      tpu.yield
    }) : () -> ()
    %dma_wait3A_18 = arith.constant 64 : i32
    %dma_wait3A_19 = tpu.memref_slice %arg5[%dma_wait3A_18] : memref<256xi32, #tpu.memory_space<vmem>> -> memref<64xi32, #tpu.memory_space<vmem>>
    %dma_wait3A_20 = arith.constant 0 : i32
    %dma_wait3A_21 = arith.constant 0 : i32
    %dma_wait3A_22 = tpu.memref_slice %arg2[%dma_wait3A_20, %dma_wait3A_21] : memref<50368x768xf32, #tpu.memory_space<hbm>> -> memref<50368x768xf32, #tpu.memory_space<hbm>>
    tpu.wait_indirect_dma semaphore(%arg9 : memref<!tpu.dma_semaphore, #tpu.memory_space<semaphore_mem>>) src(%dma_wait3A_22 : memref<50368x768xf32, #tpu.memory_space<hbm>>) dst(%arg7 : memref<64x768xf32, #tpu.memory_space<vmem>>)
    %dma_start3A_23 = arith.constant 128 : i32
    %dma_start3A_24 = tpu.memref_slice %arg5[%dma_start3A_23] : memref<256xi32, #tpu.memory_space<vmem>> -> memref<64xi32, #tpu.memory_space<vmem>>
    %dma_start3A_25 = arith.constant 0 : i32
    %dma_start3A_26 = arith.constant 0 : i32
    %dma_start3A_27 = tpu.memref_slice %arg2[%dma_start3A_25, %dma_start3A_26] : memref<50368x768xf32, #tpu.memory_space<hbm>> -> memref<50368x768xf32, #tpu.memory_space<hbm>>
    tpu.enqueue_indirect_dma source(%dma_start3A_27 : memref<50368x768xf32, #tpu.memory_space<hbm>>) target(%arg6 : memref<64x768xf32, #tpu.memory_space<vmem>>) offsets(%dma_start3A_24 : memref<64xi32, #tpu.memory_space<vmem>>) semaphore(%arg8 : memref<!tpu.dma_semaphore, #tpu.memory_space<semaphore_mem>>)
    %add3A_28 = arith.constant 64 : i32
    %add3A_29 = arith.addi %mul3A_2, %add3A_28 : i32
    "tpu.region"() ({
      %run_scoped3A = tpu.sem_alloc : memref<!tpu.dma_semaphore, #tpu.memory_space<semaphore_mem>>
      %dma_start3A_49 = arith.constant 0 : i32
      %dma_start3A_50 = tpu.memref_slice %arg4[%add3A_29, %dma_start3A_49] : memref<8192x768xf32, #tpu.memory_space<hbm>> -> memref<64x768xf32, #tpu.memory_space<hbm>>
      %dma_start3A_51 = arith.constant 0 : i32
      %dma_start3A_52 = tpu.memref_slice %arg4[%add3A_29, %dma_start3A_51] : memref<8192x768xf32, #tpu.memory_space<hbm>> -> memref<64x768xf32, #tpu.memory_space<hbm>>
      tpu.enqueue_dma source(%arg7 : memref<64x768xf32, #tpu.memory_space<vmem>>) target(%dma_start3A_52 : memref<64x768xf32, #tpu.memory_space<hbm>>) target_semaphore(%run_scoped3A : memref<!tpu.dma_semaphore, #tpu.memory_space<semaphore_mem>>)
      %dma_wait3A_53 = arith.constant 0 : i32
      %dma_wait3A_54 = tpu.memref_slice %arg4[%add3A_29, %dma_wait3A_53] : memref<8192x768xf32, #tpu.memory_space<hbm>> -> memref<64x768xf32, #tpu.memory_space<hbm>>
      %dma_wait3A_55 = arith.constant 0 : i32
      %dma_wait3A_56 = tpu.memref_slice %arg4[%add3A_29, %dma_wait3A_55] : memref<8192x768xf32, #tpu.memory_space<hbm>> -> memref<64x768xf32, #tpu.memory_space<hbm>>
      tpu.wait_dma2 semaphore(%run_scoped3A : memref<!tpu.dma_semaphore, #tpu.memory_space<semaphore_mem>>) src(%arg7 : memref<64x768xf32, #tpu.memory_space<vmem>>) dst(%dma_wait3A_56 : memref<64x768xf32, #tpu.memory_space<hbm>>)
      tpu.yield
    }) : () -> ()
    %dma_wait3A_30 = arith.constant 128 : i32
    %dma_wait3A_31 = tpu.memref_slice %arg5[%dma_wait3A_30] : memref<256xi32, #tpu.memory_space<vmem>> -> memref<64xi32, #tpu.memory_space<vmem>>
    %dma_wait3A_32 = arith.constant 0 : i32
    %dma_wait3A_33 = arith.constant 0 : i32
    %dma_wait3A_34 = tpu.memref_slice %arg2[%dma_wait3A_32, %dma_wait3A_33] : memref<50368x768xf32, #tpu.memory_space<hbm>> -> memref<50368x768xf32, #tpu.memory_space<hbm>>
    tpu.wait_indirect_dma semaphore(%arg8 : memref<!tpu.dma_semaphore, #tpu.memory_space<semaphore_mem>>) src(%dma_wait3A_34 : memref<50368x768xf32, #tpu.memory_space<hbm>>) dst(%arg6 : memref<64x768xf32, #tpu.memory_space<vmem>>)
    %dma_start3A_35 = arith.constant 192 : i32
    %dma_start3A_36 = tpu.memref_slice %arg5[%dma_start3A_35] : memref<256xi32, #tpu.memory_space<vmem>> -> memref<64xi32, #tpu.memory_space<vmem>>
    %dma_start3A_37 = arith.constant 0 : i32
    %dma_start3A_38 = arith.constant 0 : i32
    %dma_start3A_39 = tpu.memref_slice %arg2[%dma_start3A_37, %dma_start3A_38] : memref<50368x768xf32, #tpu.memory_space<hbm>> -> memref<50368x768xf32, #tpu.memory_space<hbm>>
    tpu.enqueue_indirect_dma source(%dma_start3A_39 : memref<50368x768xf32, #tpu.memory_space<hbm>>) target(%arg7 : memref<64x768xf32, #tpu.memory_space<vmem>>) offsets(%dma_start3A_36 : memref<64xi32, #tpu.memory_space<vmem>>) semaphore(%arg9 : memref<!tpu.dma_semaphore, #tpu.memory_space<semaphore_mem>>)
    %add3A_40 = arith.constant 128 : i32
    %add3A_41 = arith.addi %mul3A_2, %add3A_40 : i32
    "tpu.region"() ({
      %run_scoped3A = tpu.sem_alloc : memref<!tpu.dma_semaphore, #tpu.memory_space<semaphore_mem>>
      %dma_start3A_49 = arith.constant 0 : i32
      %dma_start3A_50 = tpu.memref_slice %arg4[%add3A_41, %dma_start3A_49] : memref<8192x768xf32, #tpu.memory_space<hbm>> -> memref<64x768xf32, #tpu.memory_space<hbm>>
      %dma_start3A_51 = arith.constant 0 : i32
      %dma_start3A_52 = tpu.memref_slice %arg4[%add3A_41, %dma_start3A_51] : memref<8192x768xf32, #tpu.memory_space<hbm>> -> memref<64x768xf32, #tpu.memory_space<hbm>>
      tpu.enqueue_dma source(%arg6 : memref<64x768xf32, #tpu.memory_space<vmem>>) target(%dma_start3A_52 : memref<64x768xf32, #tpu.memory_space<hbm>>) target_semaphore(%run_scoped3A : memref<!tpu.dma_semaphore, #tpu.memory_space<semaphore_mem>>)
      %dma_wait3A_53 = arith.constant 0 : i32
      %dma_wait3A_54 = tpu.memref_slice %arg4[%add3A_41, %dma_wait3A_53] : memref<8192x768xf32, #tpu.memory_space<hbm>> -> memref<64x768xf32, #tpu.memory_space<hbm>>
      %dma_wait3A_55 = arith.constant 0 : i32
      %dma_wait3A_56 = tpu.memref_slice %arg4[%add3A_41, %dma_wait3A_55] : memref<8192x768xf32, #tpu.memory_space<hbm>> -> memref<64x768xf32, #tpu.memory_space<hbm>>
      tpu.wait_dma2 semaphore(%run_scoped3A : memref<!tpu.dma_semaphore, #tpu.memory_space<semaphore_mem>>) src(%arg6 : memref<64x768xf32, #tpu.memory_space<vmem>>) dst(%dma_wait3A_56 : memref<64x768xf32, #tpu.memory_space<hbm>>)
      tpu.yield
    }) : () -> ()
    %dma_wait3A_42 = arith.constant 192 : i32
    %dma_wait3A_43 = tpu.memref_slice %arg5[%dma_wait3A_42] : memref<256xi32, #tpu.memory_space<vmem>> -> memref<64xi32, #tpu.memory_space<vmem>>
    %dma_wait3A_44 = arith.constant 0 : i32
    %dma_wait3A_45 = arith.constant 0 : i32
    %dma_wait3A_46 = tpu.memref_slice %arg2[%dma_wait3A_44, %dma_wait3A_45] : memref<50368x768xf32, #tpu.memory_space<hbm>> -> memref<50368x768xf32, #tpu.memory_space<hbm>>
    tpu.wait_indirect_dma semaphore(%arg9 : memref<!tpu.dma_semaphore, #tpu.memory_space<semaphore_mem>>) src(%dma_wait3A_46 : memref<50368x768xf32, #tpu.memory_space<hbm>>) dst(%arg7 : memref<64x768xf32, #tpu.memory_space<vmem>>)
    %add3A_47 = arith.constant 192 : i32
    %add3A_48 = arith.addi %mul3A_2, %add3A_47 : i32
    "tpu.region"() ({
      %run_scoped3A = tpu.sem_alloc : memref<!tpu.dma_semaphore, #tpu.memory_space<semaphore_mem>>
      %dma_start3A_49 = arith.constant 0 : i32
      %dma_start3A_50 = tpu.memref_slice %arg4[%add3A_48, %dma_start3A_49] : memref<8192x768xf32, #tpu.memory_space<hbm>> -> memref<64x768xf32, #tpu.memory_space<hbm>>
      %dma_start3A_51 = arith.constant 0 : i32
      %dma_start3A_52 = tpu.memref_slice %arg4[%add3A_48, %dma_start3A_51] : memref<8192x768xf32, #tpu.memory_space<hbm>> -> memref<64x768xf32, #tpu.memory_space<hbm>>
      tpu.enqueue_dma source(%arg7 : memref<64x768xf32, #tpu.memory_space<vmem>>) target(%dma_start3A_52 : memref<64x768xf32, #tpu.memory_space<hbm>>) target_semaphore(%run_scoped3A : memref<!tpu.dma_semaphore, #tpu.memory_space<semaphore_mem>>)
      %dma_wait3A_53 = arith.constant 0 : i32
      %dma_wait3A_54 = tpu.memref_slice %arg4[%add3A_48, %dma_wait3A_53] : memref<8192x768xf32, #tpu.memory_space<hbm>> -> memref<64x768xf32, #tpu.memory_space<hbm>>
      %dma_wait3A_55 = arith.constant 0 : i32
      %dma_wait3A_56 = tpu.memref_slice %arg4[%add3A_48, %dma_wait3A_55] : memref<8192x768xf32, #tpu.memory_space<hbm>> -> memref<64x768xf32, #tpu.memory_space<hbm>>
      tpu.wait_dma2 semaphore(%run_scoped3A : memref<!tpu.dma_semaphore, #tpu.memory_space<semaphore_mem>>) src(%arg7 : memref<64x768xf32, #tpu.memory_space<vmem>>) dst(%dma_wait3A_56 : memref<64x768xf32, #tpu.memory_space<hbm>>)
      tpu.yield
    }) : () -> ()
    return
  }
}

module attributes {stable_mosaic.version = 14 : i64} {
  func.func @_ln_body_chain(%arg0: i32, %arg1: memref<1024x768xf32, #tpu.memory_space<vmem>>, %arg2: memref<1x768xf32, #tpu.memory_space<vmem>>, %arg3: memref<32768x768xf32, #tpu.memory_space<hbm>>, %arg4: memref<1024x768xf32, #tpu.memory_space<vmem>>) attributes {dimension_semantics = [#tpu.dimension_semantics<arbitrary>], iteration_bounds = array<i64: 8>, scalar_prefetch = 0 : i64, scratch_operands = 0 : i64, tpu.core_type = #tpu.core_type<tc>, window_params = [{transform_indices = @transform_0, window_bounds = array<i64: 1024, 768>}, {pipeline_mode = #tpu.pipeline_mode<synchronous>, transform_indices = @transform_1, window_bounds = array<i64: 1, 768>}, {}, {transform_indices = @transform_3, window_bounds = array<i64: 1024, 768>}]} {
    %get3A = arith.constant 0 : index
    %get3A_0 = arith.constant 0 : index
    %get3A_1 = vector.load %arg1[%get3A, %get3A_0] : memref<1024x768xf32, #tpu.memory_space<vmem>>, vector<1024x768xf32>
    %reduce_sum3A = arith.constant dense<0.000000e+00> : vector<1024xf32>
    %reduce_sum3A_2 = vector.multi_reduction <add>, %get3A_1, %reduce_sum3A [1] : vector<1024x768xf32> to vector<1024xf32>
    %broadcast_in_dim3A = vector.shape_cast %reduce_sum3A_2 : vector<1024xf32> to vector<1024x1xf32>
    %div3A = arith.constant 7.680000e+02 : f32
    %div3A_3 = vector.broadcast %div3A : f32 to vector<1024x1xf32>
    %div3A_4 = arith.divf %broadcast_in_dim3A, %div3A_3 : vector<1024x1xf32>
    %sub3A = vector.broadcast %div3A_4 : vector<1024x1xf32> to vector<1024x768xf32>
    %sub3A_5 = arith.subf %get3A_1, %sub3A : vector<1024x768xf32>
    %mul3A = arith.mulf %sub3A_5, %sub3A_5 : vector<1024x768xf32>
    %reduce_sum3A_6 = arith.constant dense<0.000000e+00> : vector<1024xf32>
    %reduce_sum3A_7 = vector.multi_reduction <add>, %mul3A, %reduce_sum3A_6 [1] : vector<1024x768xf32> to vector<1024xf32>
    %broadcast_in_dim3A_8 = vector.shape_cast %reduce_sum3A_7 : vector<1024xf32> to vector<1024x1xf32>
    %div3A_9 = arith.constant 7.680000e+02 : f32
    %div3A_10 = vector.broadcast %div3A_9 : f32 to vector<1024x1xf32>
    %div3A_11 = arith.divf %broadcast_in_dim3A_8, %div3A_10 : vector<1024x1xf32>
    %add3A = arith.constant 9.99999974E-6 : f32
    %add3A_12 = vector.broadcast %add3A : f32 to vector<1024x1xf32>
    %add3A_13 = arith.addf %div3A_11, %add3A_12 : vector<1024x1xf32>
    %rsqrt3A = math.rsqrt %add3A_13 : vector<1024x1xf32>
    %mul3A_14 = vector.broadcast %rsqrt3A : vector<1024x1xf32> to vector<1024x768xf32>
    %mul3A_15 = arith.mulf %sub3A_5, %mul3A_14 : vector<1024x768xf32>
    %get3A_16 = arith.constant 0 : index
    %get3A_17 = arith.constant 0 : index
    %get3A_18 = vector.load %arg2[%get3A_16, %get3A_17] : memref<1x768xf32, #tpu.memory_space<vmem>>, vector<1x768xf32>
    %mul3A_19 = vector.broadcast %get3A_18 : vector<1x768xf32> to vector<1024x768xf32>
    %mul3A_20 = arith.mulf %mul3A_15, %mul3A_19 : vector<1024x768xf32>
    %swap3A = arith.constant 0 : index
    %swap3A_21 = arith.constant 0 : index
    %swap3A_22 = vector.load %arg4[%swap3A, %swap3A_21] : memref<1024x768xf32, #tpu.memory_space<vmem>>, vector<1024x768xf32>
    tpu.vector_store %arg4[%swap3A, %swap3A_21], %mul3A_20 {strides = array<i32>} : memref<1024x768xf32, #tpu.memory_space<vmem>>, vector<1024x768xf32>,
    return
  }
  func.func @transform_0(%arg0: i32) -> (i32, i32) {
    %c0_i32 = arith.constant 0 : i32
    %c0_i32_0 = arith.constant 0 : i32
    return %arg0, %c0_i32 : i32, i32
  }
  func.func @transform_1(%arg0: i32) -> (i32, i32) {
    %c0_i32 = arith.constant 0 : i32
    %c0_i32_0 = arith.constant 0 : i32
    %c0_i32_1 = arith.constant 0 : i32
    return %c0_i32, %c0_i32_0 : i32, i32
  }
  func.func @transform_3(%arg0: i32) -> (i32, i32) {
    %add3A = arith.constant 16 : i32
    %add3A_0 = arith.addi %add3A, %arg0 : i32
    %c0_i32 = arith.constant 0 : i32
    %c0_i32_1 = arith.constant 0 : i32
    return %add3A_0, %c0_i32 : i32, i32
  }
}

module attributes {stable_mosaic.version = 14 : i64} {
  func.func @_ln_body_first(%arg0: i32, %arg1: memref<1024x768xf32, #tpu.memory_space<vmem>>, %arg2: memref<1x768xf32, #tpu.memory_space<vmem>>, %arg3: memref<1024x768xf32, #tpu.memory_space<vmem>>) attributes {dimension_semantics = [#tpu.dimension_semantics<arbitrary>], iteration_bounds = array<i64: 8>, scalar_prefetch = 0 : i64, scratch_operands = 0 : i64, tpu.core_type = #tpu.core_type<tc>, window_params = [{transform_indices = @transform_0, window_bounds = array<i64: 1024, 768>}, {pipeline_mode = #tpu.pipeline_mode<synchronous>, transform_indices = @transform_1, window_bounds = array<i64: 1, 768>}, {transform_indices = @transform_2, window_bounds = array<i64: 1024, 768>}]} {
    %get3A = arith.constant 0 : index
    %get3A_0 = arith.constant 0 : index
    %get3A_1 = vector.load %arg1[%get3A, %get3A_0] : memref<1024x768xf32, #tpu.memory_space<vmem>>, vector<1024x768xf32>
    %reduce_sum3A = arith.constant dense<0.000000e+00> : vector<1024xf32>
    %reduce_sum3A_2 = vector.multi_reduction <add>, %get3A_1, %reduce_sum3A [1] : vector<1024x768xf32> to vector<1024xf32>
    %broadcast_in_dim3A = vector.shape_cast %reduce_sum3A_2 : vector<1024xf32> to vector<1024x1xf32>
    %div3A = arith.constant 7.680000e+02 : f32
    %div3A_3 = vector.broadcast %div3A : f32 to vector<1024x1xf32>
    %div3A_4 = arith.divf %broadcast_in_dim3A, %div3A_3 : vector<1024x1xf32>
    %sub3A = vector.broadcast %div3A_4 : vector<1024x1xf32> to vector<1024x768xf32>
    %sub3A_5 = arith.subf %get3A_1, %sub3A : vector<1024x768xf32>
    %mul3A = arith.mulf %sub3A_5, %sub3A_5 : vector<1024x768xf32>
    %reduce_sum3A_6 = arith.constant dense<0.000000e+00> : vector<1024xf32>
    %reduce_sum3A_7 = vector.multi_reduction <add>, %mul3A, %reduce_sum3A_6 [1] : vector<1024x768xf32> to vector<1024xf32>
    %broadcast_in_dim3A_8 = vector.shape_cast %reduce_sum3A_7 : vector<1024xf32> to vector<1024x1xf32>
    %div3A_9 = arith.constant 7.680000e+02 : f32
    %div3A_10 = vector.broadcast %div3A_9 : f32 to vector<1024x1xf32>
    %div3A_11 = arith.divf %broadcast_in_dim3A_8, %div3A_10 : vector<1024x1xf32>
    %add3A = arith.constant 9.99999974E-6 : f32
    %add3A_12 = vector.broadcast %add3A : f32 to vector<1024x1xf32>
    %add3A_13 = arith.addf %div3A_11, %add3A_12 : vector<1024x1xf32>
    %rsqrt3A = math.rsqrt %add3A_13 : vector<1024x1xf32>
    %mul3A_14 = vector.broadcast %rsqrt3A : vector<1024x1xf32> to vector<1024x768xf32>
    %mul3A_15 = arith.mulf %sub3A_5, %mul3A_14 : vector<1024x768xf32>
    %get3A_16 = arith.constant 0 : index
    %get3A_17 = arith.constant 0 : index
    %get3A_18 = vector.load %arg2[%get3A_16, %get3A_17] : memref<1x768xf32, #tpu.memory_space<vmem>>, vector<1x768xf32>
    %mul3A_19 = vector.broadcast %get3A_18 : vector<1x768xf32> to vector<1024x768xf32>
    %mul3A_20 = arith.mulf %mul3A_15, %mul3A_19 : vector<1024x768xf32>
    %swap3A = arith.constant 0 : index
    %swap3A_21 = arith.constant 0 : index
    %swap3A_22 = vector.load %arg3[%swap3A, %swap3A_21] : memref<1024x768xf32, #tpu.memory_space<vmem>>, vector<1024x768xf32>
    tpu.vector_store %arg3[%swap3A, %swap3A_21], %mul3A_20 {strides = array<i32>} : memref<1024x768xf32, #tpu.memory_space<vmem>>, vector<1024x768xf32>,
    return
  }
  func.func @transform_0(%arg0: i32) -> (i32, i32) {
    %c0_i32 = arith.constant 0 : i32
    %c0_i32_0 = arith.constant 0 : i32
    return %arg0, %c0_i32 : i32, i32
  }
  func.func @transform_1(%arg0: i32) -> (i32, i32) {
    %c0_i32 = arith.constant 0 : i32
    %c0_i32_0 = arith.constant 0 : i32
    %c0_i32_1 = arith.constant 0 : i32
    return %c0_i32, %c0_i32_0 : i32, i32
  }
  func.func @transform_2(%arg0: i32) -> (i32, i32) {
    %add3A = arith.constant 0 : i32
    %add3A_0 = arith.addi %add3A, %arg0 : i32
    %c0_i32 = arith.constant 0 : i32
    %c0_i32_1 = arith.constant 0 : i32
    return %add3A_0, %c0_i32 : i32, i32
  }
}

module attributes {stable_mosaic.version = 14 : i64} {
  func.func @_ln_body_chain(%arg0: i32, %arg1: memref<1024x768xf32, #tpu.memory_space<vmem>>, %arg2: memref<1x768xf32, #tpu.memory_space<vmem>>, %arg3: memref<32768x768xf32, #tpu.memory_space<hbm>>, %arg4: memref<1024x768xf32, #tpu.memory_space<vmem>>) attributes {dimension_semantics = [#tpu.dimension_semantics<arbitrary>], iteration_bounds = array<i64: 8>, scalar_prefetch = 0 : i64, scratch_operands = 0 : i64, tpu.core_type = #tpu.core_type<tc>, window_params = [{transform_indices = @transform_0, window_bounds = array<i64: 1024, 768>}, {pipeline_mode = #tpu.pipeline_mode<synchronous>, transform_indices = @transform_1, window_bounds = array<i64: 1, 768>}, {}, {transform_indices = @transform_3, window_bounds = array<i64: 1024, 768>}]} {
    %get3A = arith.constant 0 : index
    %get3A_0 = arith.constant 0 : index
    %get3A_1 = vector.load %arg1[%get3A, %get3A_0] : memref<1024x768xf32, #tpu.memory_space<vmem>>, vector<1024x768xf32>
    %reduce_sum3A = arith.constant dense<0.000000e+00> : vector<1024xf32>
    %reduce_sum3A_2 = vector.multi_reduction <add>, %get3A_1, %reduce_sum3A [1] : vector<1024x768xf32> to vector<1024xf32>
    %broadcast_in_dim3A = vector.shape_cast %reduce_sum3A_2 : vector<1024xf32> to vector<1024x1xf32>
    %div3A = arith.constant 7.680000e+02 : f32
    %div3A_3 = vector.broadcast %div3A : f32 to vector<1024x1xf32>
    %div3A_4 = arith.divf %broadcast_in_dim3A, %div3A_3 : vector<1024x1xf32>
    %sub3A = vector.broadcast %div3A_4 : vector<1024x1xf32> to vector<1024x768xf32>
    %sub3A_5 = arith.subf %get3A_1, %sub3A : vector<1024x768xf32>
    %mul3A = arith.mulf %sub3A_5, %sub3A_5 : vector<1024x768xf32>
    %reduce_sum3A_6 = arith.constant dense<0.000000e+00> : vector<1024xf32>
    %reduce_sum3A_7 = vector.multi_reduction <add>, %mul3A, %reduce_sum3A_6 [1] : vector<1024x768xf32> to vector<1024xf32>
    %broadcast_in_dim3A_8 = vector.shape_cast %reduce_sum3A_7 : vector<1024xf32> to vector<1024x1xf32>
    %div3A_9 = arith.constant 7.680000e+02 : f32
    %div3A_10 = vector.broadcast %div3A_9 : f32 to vector<1024x1xf32>
    %div3A_11 = arith.divf %broadcast_in_dim3A_8, %div3A_10 : vector<1024x1xf32>
    %add3A = arith.constant 9.99999974E-6 : f32
    %add3A_12 = vector.broadcast %add3A : f32 to vector<1024x1xf32>
    %add3A_13 = arith.addf %div3A_11, %add3A_12 : vector<1024x1xf32>
    %rsqrt3A = math.rsqrt %add3A_13 : vector<1024x1xf32>
    %mul3A_14 = vector.broadcast %rsqrt3A : vector<1024x1xf32> to vector<1024x768xf32>
    %mul3A_15 = arith.mulf %sub3A_5, %mul3A_14 : vector<1024x768xf32>
    %get3A_16 = arith.constant 0 : index
    %get3A_17 = arith.constant 0 : index
    %get3A_18 = vector.load %arg2[%get3A_16, %get3A_17] : memref<1x768xf32, #tpu.memory_space<vmem>>, vector<1x768xf32>
    %mul3A_19 = vector.broadcast %get3A_18 : vector<1x768xf32> to vector<1024x768xf32>
    %mul3A_20 = arith.mulf %mul3A_15, %mul3A_19 : vector<1024x768xf32>
    %swap3A = arith.constant 0 : index
    %swap3A_21 = arith.constant 0 : index
    %swap3A_22 = vector.load %arg4[%swap3A, %swap3A_21] : memref<1024x768xf32, #tpu.memory_space<vmem>>, vector<1024x768xf32>
    tpu.vector_store %arg4[%swap3A, %swap3A_21], %mul3A_20 {strides = array<i32>} : memref<1024x768xf32, #tpu.memory_space<vmem>>, vector<1024x768xf32>,
    return
  }
  func.func @transform_0(%arg0: i32) -> (i32, i32) {
    %c0_i32 = arith.constant 0 : i32
    %c0_i32_0 = arith.constant 0 : i32
    return %arg0, %c0_i32 : i32, i32
  }
  func.func @transform_1(%arg0: i32) -> (i32, i32) {
    %c0_i32 = arith.constant 0 : i32
    %c0_i32_0 = arith.constant 0 : i32
    %c0_i32_1 = arith.constant 0 : i32
    return %c0_i32, %c0_i32_0 : i32, i32
  }
  func.func @transform_3(%arg0: i32) -> (i32, i32) {
    %add3A = arith.constant 24 : i32
    %add3A_0 = arith.addi %add3A, %arg0 : i32
    %c0_i32 = arith.constant 0 : i32
    %c0_i32_1 = arith.constant 0 : i32
    return %add3A_0, %c0_i32 : i32, i32
  }
}

module attributes {stable_mosaic.version = 14 : i64} {
  func.func @_ln_body_chain(%arg0: i32, %arg1: memref<1024x768xf32, #tpu.memory_space<vmem>>, %arg2: memref<1x768xf32, #tpu.memory_space<vmem>>, %arg3: memref<32768x768xf32, #tpu.memory_space<hbm>>, %arg4: memref<1024x768xf32, #tpu.memory_space<vmem>>) attributes {dimension_semantics = [#tpu.dimension_semantics<arbitrary>], iteration_bounds = array<i64: 8>, scalar_prefetch = 0 : i64, scratch_operands = 0 : i64, tpu.core_type = #tpu.core_type<tc>, window_params = [{transform_indices = @transform_0, window_bounds = array<i64: 1024, 768>}, {pipeline_mode = #tpu.pipeline_mode<synchronous>, transform_indices = @transform_1, window_bounds = array<i64: 1, 768>}, {}, {transform_indices = @transform_3, window_bounds = array<i64: 1024, 768>}]} {
    %get3A = arith.constant 0 : index
    %get3A_0 = arith.constant 0 : index
    %get3A_1 = vector.load %arg1[%get3A, %get3A_0] : memref<1024x768xf32, #tpu.memory_space<vmem>>, vector<1024x768xf32>
    %reduce_sum3A = arith.constant dense<0.000000e+00> : vector<1024xf32>
    %reduce_sum3A_2 = vector.multi_reduction <add>, %get3A_1, %reduce_sum3A [1] : vector<1024x768xf32> to vector<1024xf32>
    %broadcast_in_dim3A = vector.shape_cast %reduce_sum3A_2 : vector<1024xf32> to vector<1024x1xf32>
    %div3A = arith.constant 7.680000e+02 : f32
    %div3A_3 = vector.broadcast %div3A : f32 to vector<1024x1xf32>
    %div3A_4 = arith.divf %broadcast_in_dim3A, %div3A_3 : vector<1024x1xf32>
    %sub3A = vector.broadcast %div3A_4 : vector<1024x1xf32> to vector<1024x768xf32>
    %sub3A_5 = arith.subf %get3A_1, %sub3A : vector<1024x768xf32>
    %mul3A = arith.mulf %sub3A_5, %sub3A_5 : vector<1024x768xf32>
    %reduce_sum3A_6 = arith.constant dense<0.000000e+00> : vector<1024xf32>
    %reduce_sum3A_7 = vector.multi_reduction <add>, %mul3A, %reduce_sum3A_6 [1] : vector<1024x768xf32> to vector<1024xf32>
    %broadcast_in_dim3A_8 = vector.shape_cast %reduce_sum3A_7 : vector<1024xf32> to vector<1024x1xf32>
    %div3A_9 = arith.constant 7.680000e+02 : f32
    %div3A_10 = vector.broadcast %div3A_9 : f32 to vector<1024x1xf32>
    %div3A_11 = arith.divf %broadcast_in_dim3A_8, %div3A_10 : vector<1024x1xf32>
    %add3A = arith.constant 9.99999974E-6 : f32
    %add3A_12 = vector.broadcast %add3A : f32 to vector<1024x1xf32>
    %add3A_13 = arith.addf %div3A_11, %add3A_12 : vector<1024x1xf32>
    %rsqrt3A = math.rsqrt %add3A_13 : vector<1024x1xf32>
    %mul3A_14 = vector.broadcast %rsqrt3A : vector<1024x1xf32> to vector<1024x768xf32>
    %mul3A_15 = arith.mulf %sub3A_5, %mul3A_14 : vector<1024x768xf32>
    %get3A_16 = arith.constant 0 : index
    %get3A_17 = arith.constant 0 : index
    %get3A_18 = vector.load %arg2[%get3A_16, %get3A_17] : memref<1x768xf32, #tpu.memory_space<vmem>>, vector<1x768xf32>
    %mul3A_19 = vector.broadcast %get3A_18 : vector<1x768xf32> to vector<1024x768xf32>
    %mul3A_20 = arith.mulf %mul3A_15, %mul3A_19 : vector<1024x768xf32>
    %swap3A = arith.constant 0 : index
    %swap3A_21 = arith.constant 0 : index
    %swap3A_22 = vector.load %arg4[%swap3A, %swap3A_21] : memref<1024x768xf32, #tpu.memory_space<vmem>>, vector<1024x768xf32>
    tpu.vector_store %arg4[%swap3A, %swap3A_21], %mul3A_20 {strides = array<i32>} : memref<1024x768xf32, #tpu.memory_space<vmem>>, vector<1024x768xf32>,
    return
  }
  func.func @transform_0(%arg0: i32) -> (i32, i32) {
    %c0_i32 = arith.constant 0 : i32
    %c0_i32_0 = arith.constant 0 : i32
    return %arg0, %c0_i32 : i32, i32
  }
  func.func @transform_1(%arg0: i32) -> (i32, i32) {
    %c0_i32 = arith.constant 0 : i32
    %c0_i32_0 = arith.constant 0 : i32
    %c0_i32_1 = arith.constant 0 : i32
    return %c0_i32, %c0_i32_0 : i32, i32
  }
  func.func @transform_3(%arg0: i32) -> (i32, i32) {
    %add3A = arith.constant 8 : i32
    %add3A_0 = arith.addi %add3A, %arg0 : i32
    %c0_i32 = arith.constant 0 : i32
    %c0_i32_1 = arith.constant 0 : i32
    return %add3A_0, %c0_i32 : i32, i32
  }
}

</mosaic_0001>

<sc_bundles>
// kernel: kernel.10.cloned.1.call-start
scs
__scs_entry_jumppad:
0x0: {  	(pc) =	sbr.rel $0x88, $3  }
0x1: {  	(tag) =	ssettag $0x0;
	lr =	simm.s32 $0x1  }
0x2: {  	[smem:$0x3F9E] =	sst lr;
	_ =	strace $0xD0000000  }
0x3: {  	_ = 	snop  }
0x4: {  	_ = 	snop  }
0x5: {  	_ = 	snop  }
0x6: {  	_ = 	snop  }
0x7: {  	_ = 	snop  }
__scs_overlays_trampoline_lowered:
0x8: {  	[smem:$0x3FAD] =	sst s0  }
0x9: {  	[smem:$0x3FAE] =	sst s1  }
0xa: {  	[smem:$0x3FAF] =	sst s2  }
0xb: {  	[smem:$0x3FB0] =	sst s3  }
0xc: {  	[smem:$0x3FB1] =	sst s4  }
0xd: {  	[smem:$0x3FB2] =	sst s5  }
0xe: {  	[smem:$0x3FB3] =	sst s6  }
0xf: {  	[smem:$0x3FB4] =	sst s7  }
0x10: {  	[smem:$0x3FB5] =	sst s8  }
0x11: {  	[smem:$0x3FB6] =	sst s9;
	s0 =	simm.s32 @!p0 $0x0  }
0x12: {  	s1 =	sld [smem:$0x3F9C];
	s0 =	simm.s32 @p0 $0x1  }
0x13: {  	[smem:$0x3FB7] =	sst s0;
	s0 =	simm.s32 @!p1 $0x0  }
0x14: {  	s2 =	sld [smem:$0x3F9B];
	s0 =	simm.s32 @p1 $0x1  }
0x15: {  	[smem:$0x3FB8] =	sst s0;
	s0 =	simm.s32 @!p2 $0x0  }
0x16: {  	s3 =	sld [smem:$0x3FDB];
	s0 =	simm.s32 @p2 $0x1  }
0x17: {  	s4 =	simm.s32 $0x1BF5;
	[smem:$0x3FBA] =	sst s0  }
0x18: {  	s0 =	sld [smem:$0x3F9D];
	_ =	swait.ge [sflag:s4], $0x0  }
0x19: {  	s7 =	sld [smem:$0x3F9E]  }
0x1a: {  	s8 =	sadd.s32 $0xFFFFE003, lr  }
0x1b: {  	s9 =	sadd.s32 $0xFFFFFEF7, lr;
	s5 =	simm.s32 $0xFFFFFFFF;
	p2 =	slt.u32 s8, $0xFFFFF086  }
0x1c: {  	p1 =	slt.u32 s9, $0xF7A;
	s5 =	simm.s32 @!p2 $0x0  }
0x1d: {  	s5 =	simm.s32 @p1 $0x1;
	p0 =	seq.s32 s7, s2  }
0x1e: {  	s7 =	smul.u32 @!p0 $0xF7A, s2;
	p2 =	seq.s32 @!p0 s5, $0x0  }
0x1f: {  	s9 =	smul.u32 $0xF7A, s1;
	s8 =	simm.s32 @!p0 $0x1BF5;
	p2 =	por !p2, p0  }
0x20: {  	[sflag:s8] =	ssyncset.s32 @!p0 $0xFFFFF086;
	s6 =	sadd.s32 @!p0 s3, s7;
	s7 =	simm.s32 @!p0 $0x108  }
0x21: {  	s3 =	sadd.s32 s3, s9;
	s6 =	sadd.s32 @!p0 $0x88, s6;
	s7 =	simm.s32 @p2 $0x1082  }
0x22: {  	[simem:s7], [sflag:s8] =	dma.local @!p0 [hbm:s6], $0xF7A  }
0x23: {  	s9 =	sor.u32 $0xD0000000, s2;
	s6 =	simm.s32 $0x108;
	_ =	swait.ge @!p0 [sflag:s8], $0x0  }
0x24: {  	s3 =	sadd.s32 $0x88, s3;
	s6 =	simm.s32 @!p1 $0x1082;
	[sflag:s4] =	ssyncset.s32 $0xFFFFF086  }
0x25: {  	[simem:s6], [sflag:s4] =	dma.local [hbm:s3], $0xF7A  }
0x26: {  	[smem:$0x3F9E] =	sst s1;
	(tag) =	ssettag s2;
	_ =	strace s9  }
0x27: {  	s1 =	sld [smem:$0x3FAE]  }
0x28: {  	s2 =	sld [smem:$0x3FAF]  }
0x29: {  	s4 =	sld [smem:$0x3FB1]  }
0x2a: {  	p0 =	seq.s32 s5, $0x0;
	s5 =	sld [smem:$0x3FB2]  }
0x2b: {  	s6 =	sld [smem:$0x3FB3]  }
0x2c: {  	s7 =	sld [smem:$0x3FB4]  }
0x2d: {  	s3 =	simm.s32 $0x108;
	s8 =	sld [smem:$0x3FB5]  }
0x2e: {  	s3 =	simm.s32 @!p0 $0x1082;
	s9 =	sld [smem:$0x3FB6]  }
0x2f: {  	lr =	sadd.s32 s0, s3;
	s0 =	sld [smem:$0x3FAD]  }
0x30: {  	s3 =	sld [smem:$0x3FB0]  }
0x31: {  	[smem:$0x3FB9] =	sst s10  }
0x32: {  	s10 =	sld [smem:$0x3FB7];
	_ =	sdelay $0x3  }
0x33: {  	p0 =	seq.s32 s10, $0x1;
	s10 =	sld [smem:$0x3FB9];
	_ =	sdelay $0x3  }
0x34: {  	[smem:$0x3FB9] =	sst s10  }
0x35: {  	s10 =	sld [smem:$0x3FB8];
	_ =	sdelay $0x3  }
0x36: {  	p1 =	seq.s32 s10, $0x1;
	s10 =	sld [smem:$0x3FB9];
	_ =	sdelay $0x3  }
0x37: {  	[smem:$0x3FB9] =	sst s10  }
0x38: {  	s10 =	sld [smem:$0x3FBA]  }
0x39: {  	_ = 	snop;
	(pc) =	sbr.ind lr, $3  }
0x3a: {  	_ = 	snop  }
0x3b: {  	_ = 	snop  }
0x3c: {  	p2 =	seq.s32 s10, $0x1;
	s10 =	sld [smem:$0x3FB9]  }
0x3d: {  	_ =	shalt  }
0x3e: {  	_ =	shalt  }
0x3f: {  	_ =	shalt  }
0x40: {  	_ =	shalt  }
0x41: {  	_ =	shalt  }
0x42: {  	_ =	shalt  }
0x43: {  	_ =	shalt  }
0x44: {  	_ =	shalt  }
0x45: {  	_ =	shalt  }
0x46: {  	_ =	shalt  }
0x47: {  	_ =	shalt  }
0x48: {  	_ =	shalt  }
0x49: {  	_ =	shalt  }
0x4a: {  	_ =	shalt  }
0x4b: {  	_ =	shalt  }
0x4c: {  	_ =	shalt  }
0x4d: {  	_ =	shalt  }
0x4e: {  	_ =	shalt  }
0x4f: {  	_ =	shalt  }
0x50: {  	_ =	shalt  }
0x51: {  	_ =	shalt  }
0x52: {  	_ =	shalt  }
0x53: {  	_ =	shalt  }
0x54: {  	_ =	shalt  }
0x55: {  	_ =	shalt  }
0x56: {  	_ =	shalt  }
0x57: {  	_ =	shalt  }
0x58: {  	_ =	shalt  }
0x59: {  	_ =	shalt  }
0x5a: {  	_ =	shalt  }
0x5b: {  	_ =	shalt  }
0x5c: {  	_ =	shalt  }
0x5d: {  	_ =	shalt  }
0x5e: {  	_ =	shalt  }
0x5f: {  	_ =	shalt  }
0x60: {  	_ =	shalt  }
0x61: {  	_ =	shalt  }
0x62: {  	_ =	shalt  }
0x63: {  	_ =	shalt  }
0x64: {  	_ =	shalt  }
0x65: {  	_ =	shalt  }
0x66: {  	_ =	shalt  }
0x67: {  	_ =	shalt  }
0x68: {  	_ =	shalt  }
0x69: {  	_ =	shalt  }
0x6a: {  	_ =	shalt  }
0x6b: {  	_ =	shalt  }
0x6c: {  	_ =	shalt  }
0x6d: {  	_ =	shalt  }
0x6e: {  	_ =	shalt  }
0x6f: {  	_ =	shalt  }
0x70: {  	_ =	shalt  }
0x71: {  	_ =	shalt  }
0x72: {  	_ =	shalt  }
0x73: {  	_ =	shalt  }
0x74: {  	_ =	shalt  }
0x75: {  	_ =	shalt  }
0x76: {  	_ =	shalt  }
0x77: {  	_ =	shalt  }
0x78: {  	_ =	shalt  }
0x79: {  	_ =	shalt  }
0x7a: {  	_ =	shalt  }
0x7b: {  	_ =	shalt  }
0x7c: {  	_ =	shalt  }
0x7d: {  	_ =	shalt  }
0x7e: {  	_ =	shalt  }
0x7f: {  	_ =	shalt  }
0x80: {  	_ =	shalt  }
0x81: {  	_ =	shalt  }
0x82: {  	_ =	shalt  }
0x83: {  	_ =	shalt  }
0x84: {  	_ =	shalt  }
0x85: {  	_ =	shalt  }
0x86: {  	_ =	shalt  }
0x87: {  	_ =	shalt  }
.Lfunc_end0:
.L_simem_size_0:
called_computation_lowered:
.L_overlay_start_0:
0x88: {  	s2 =	sld [smem:$0x3FD9]  }
0x89: {  	s3 =	sld [smem:$0x3FFE];
	_ =	sdelay $0x1  }
0x8a: {  	s1 =	srdreg.scid  }
0x8b: {  	s0 =	sand.u32 $0x1, s1  }
0x8c: {  	s17 =	sshll.u32 s0, $0xA;
	s2 =	sadd.s32 s3, s2  }
0x8d: {  	s2 =	sadd.s32 s2, s17  }
0x8e: {  	[smem:$0x3FC5] =	sst s2  }
0x8f: {  	_ = 	snop  }
0x90: {  	s2 =	sld [smem:$0x3FC8]  }
0x91: {  	s18 =	sld [smem:$0x3FD0];
	(tm) =	ssettm $0x1  }
0x92: {  	s4 =	sld [smem:$0x3FFB];
	_ =	sdelay $0x3  }
0x93: {  	_ =	strace s4  }
0x94: {  	s4 =	sld [smem:$0x3FFC];
	_ =	sdelay $0x3  }
0x95: {  	_ =	strace s4  }
0x96: {  	s4 =	sld [smem:$0x3FFD];
	_ =	sdelay $0x3  }
0x97: {  	_ =	strace s4  }
0x98: {  	_ =	strace $0x8FFFFFFF  }
0x99: {  	s19 =	sld [smem:$0x3FDB];
	_ =	sdelay $0x1  }
0x9a: {  	s5 =	simm.s32 $_scs_section_size  }
0x9b: {  	s6 =	simm.s32 $_size__tile_overlayer_lowered;
	s7 =	simm.s32 $_tile_overlayer_lowered  }
0x9c: {  	s22 =	simm.s32 $0x1BFF;
	s21 =	sshll.u32 s7, $0x1;
	s4 =	sadd.s32 s5, s19  }
0x9d: {  	s8 =	simm.s32 $0x0;
	s20 =	sshll.u32 s6, $0x1;
	s6 =	sadd.s32 s21, s4  }
0x9e: {  	[timem:s8], [sflag:s22] =	dma.local [hbm:s6], s20  }
0x9f: {  	_ =	swait.ge [sflag:s22], s20  }
0xa0: {  	s5 =	ssub.s32 $0x0, s20;
	[sflag:s22] =	ssyncset.done $0x0  }
0xa1: {  	[sflag:s22] =	ssyncadd.s32 s5;
	_ =	sdelay $0x1  }
0xa2: {  	s23 =	simm.s32 $0x1B8B  }
0xa3: {  	_ =	swait.ge [sflag:s23], $0x1  }
0xa4: {  	[sflag:s23] =	ssyncset.done $0x0  }
0xa5: {  	s25 =	simm.s32 $0x1B8E;
	s24 =	sld [smem:$0x3FFE];
	[sflag:s23] =	ssyncadd.s32 $0xFFFFFFFF  }
0xa6: {  	s26 =	simm.s32 $execute0_lowered;
	[smem:$0x3FD2] =	sst s25  }
0xa7: {  	s6 =	sshll.u32 s26, $0x1;
	_ =	strace $0x80000046;
	[dreg:$0x1] =	wrdreg $0xFFFFFFFF  }
0xa8: {  	s28 =	simm.s32 $_size_execute0_lowered;
	s4 =	sadd.s32 s4, s6;
	[dreg:$0x0] =	wrdreg $0x0  }
0xa9: {  	s6 =	sshll.u32 s28, $0x1;
	[dreg:$0x2] =	wrdreg s4  }
0xaa: {  	[dreg:$0x3] =	wrdreg s6  }
0xab: {  	[dreg:$0x4] =	wrdreg $0xC0  }
0xac: {  	_ =	task [dreg:s8], $0x5FFFF  }
0xad: {  	[dreg:$0x1] =	wrdreg $0xFFFFFFFF  }
0xae: {  	[dreg:$0x0] =	wrdreg $0x60  }
0xaf: {  	[dreg:$0x2] =	wrdreg s2  }
0xb0: {  	[dreg:$0x3] =	wrdreg s18  }
0xb1: {  	[dreg:$0x4] =	wrdreg s24  }
0xb2: {  	[dreg:$0x5] =	wrdreg $0x9  }
0xb3: {  	_ =	task.clear_ibuf [dreg:s8], $0x6FFFF;
	_ =	strace $0x90000046  }
0xb4: {  	s29 =	simm.s32 $0x9;
	_ =	strace $0x80000048  }
0xb5: {  	_ =	swait.ge [sflag:s29], $0x1  }
0xb6: {  	[sflag:s29] =	ssyncadd.s32 $0xFFFFFFFF  }
0xb7: {  	_ =	strace $0x90000048  }
0xb8: {  	_ =	sfence  }
0xb9: {  	s30 =	sld [smem:$0x0];
	_ =	sdelay $0x2  }
0xba: {  	s31 =	sshll.u32 s1, $0xD;
	s1 =	sshrl.u32 s1, $0x2  }
0xbb: {  	s3 =	sand.u32 $0x4000, s31;
	s1 =	sadd.s32 s1, s30  }
0xbc: {  	s0 =	sor.u32 s3, s0;
	s1 =	sshll.u32 s1, $0x11  }
0xbd: {  	s0 =	sor.u32 s1, s0  }
0xbe: {  	s0 =	sadd.s32 $0x8F2B, s0  }
0xbf: {  	[sflag:s0] =	ssyncadd.remote.s32 $0x1  }
0xc0: {  	_ =	sfence.sel $0xFFFF  }
0xc1: {  	[dreg:$0x0] =	wrdreg $0xFFFFFFFF;
	(pc) =	sbr.abs _section_cstart, $3  }
0xc2: {  	[dreg:$0x1] =	wrdreg $0xFFFFFFFF  }
0xc3: {  	_ =	task.clear_ibuf [dreg:s8], $0x2FFFF;
	_ =	strace $0x9FFFFFFF  }
0xc4: {  	(tm) =	ssettm $0x7FFFFFFF  }
0xc5: {  	_ =	shalt  }
tec
execute0_lowered:
.L_overlay_start_1:
0x0: {  	(tag) =	ssettag $0x1  }
0x1: {  	s0 =	srdreg.scid;
	s1 =	rddreg [dreg:$0x0]  }
0x2: {  	s3 =	stileid.u32;
	s2 =	rddreg [dreg:$0x1]  }
0x3: {  	s5 =	rddreg [dreg:$0x2];
	s14 =	simm.s32 $0x900;
	s15 =	simm.s32 $0x1100  }
0x4: {  	s16 =	simm.s32 $0x1900;
	s17 =	simm.s32 $0x2100;
	s18 =	simm.s32 $0x2900  }
0x5: {  	s19 =	simm.s32 $0x3100;
	s20 =	simm.s32 $0x3900;
	s21 =	simm.s32 $0x4100  }
0x6: {  	s22 =	simm.s32 $0x4900;
	s28 =	simm.s32 $0x7100;
	s29 =	simm.s32 $0x7900  }
0x7: {  	s30 =	simm.s32 $0x8100;
	s31 =	simm.s32 $0x8900;
	s0 =	sand.u32 $0x1, s0  }
0x8: {  	s11 =	simm.s32 $0xA100;
	s3 =	sshll.u32 s3, $0x6;
	s4 =	sshll.u32 s0, $0x5  }
0x9: {  	s10 =	simm.s32 $0xB100;
	s5 =	sadd.s32 $0x1600, s5;
	s4 =	sor.u32 s4, s3  }
0xa: {  	s0 =	ssub.s32 $0x2, s0;
	s3 =	simm.s32 $0x0;
	s6 =	smul.u32 $0x300, s4  }
0xb: {  	s8 =	sshrl.u32 s0, $0x1;
	[smem:$0x7FF] =	sst s3;
	s7 =	smul.u32 $0x1800, s4  }
0xc: {  	s2 =	sadd.s32 s2, s4;
	s0 =	ssub.s32 s0, s8;
	s8 =	simm.s32 $0x3  }
0xd: {  	_ =	strace $0x80000047;
	[dreg:$0x4] =	wrdreg s2;
	s2 =	simm.s32 $0xC100  }
0xe: {  	s6 =	sadd.s32 s5, s6;
	s23 =	sshrl.u32 s7, $0x3;
	s7 =	smax.u32 s0, $0x1  }
0xf: {  	[dreg:$0x8] =	wrdreg s6;
	s24 =	sadd.s32 $0x1800, s6;
	s4 =	sadd.s32 s5, s23  }
0x10: {  	s5 =	sadd.s32 $0x100, s1;
	s6 =	sadd.s32 $0x200, s1;
	s23 =	simm.s32 $0x5100  }
0x11: {  	v2 =	vlaneseq.u32;
	[dreg:$0x5] =	wrdreg s24;
	s25 =	sadd.s32 $0x3000, s4;
	s26 =	sadd.s32 $0x4800, s4  }
0x12: {  	vm0 =	vmmov $0xffff;
	v1 =	vshrl.u32 v2, $0x3;
	s4 =	simm.s32 $0x2;
	s24 =	simm.s32 $0x5900;
	[dreg:$0x6] =	wrdreg s25  }
0x13: {  	v0 =	vand.u32 $0x7, v2;
	v2 =	vor.u32 $0x8, v2;
	v1 =	vmul.u32 $0x8, v1;
	[dreg:$0x7] =	wrdreg s26;
	s25 =	simm.s32 $0x6100;
	s26 =	simm.s32 $0x6900  }
.LBB2_1:
0x14: {  	s13 =	rddreg [dreg:$0x4]  }
0x15: {  	[tilespmem:s3], [sflag:$0x3] =	stream.linear.gather [hbm4b:s13+s3], $0x100, $0x38;
	[tilespmem:$0x18100] =	vst v63  }
0x16: {  	_ =	swait.ge [sflag:s8], $0x100  }
0x17: {  	[sflag:s8] =	ssyncset.done $0x0  }
0x18: {  	[sflag:s8] =	ssyncadd.s32 $0xFFFFFF00  }
0x19: {  	v3 =	vld [tilespmem:$0x0];
	_ =	sdelay $0x4  }
0x1a: {  	v4 =	vshrl.u32 v3, $0x3  }
0x1b: {  	v4 =	vmul.u32 $0x30, v4  }
0x1c: {  	v3 =	vand.u32 $0x7, v3  }
0x1d: {  	v3 =	vor.u32 v3, v4  }
0x1e: {  	v4 =	vperm.xlane v3, v0;
	_ =	sdelay $0x1  }
0x1f: {  	v4 =	vadd.s32 v1, v4;
	_ =	sdelay $0x3  }
0x20: {  	s0 =	simm.s32 $0x100;
	v3 =	vperm.xlane v3, v2  }
0x21: {  	[tilespmem:s0], [sflag:$0x1] =	stream.indirect_vreg.gather [hbm4b:s1+s3], $0x80, v4, vm0, $0xb8;
	[tilespmem:$0x18100] =	vst v63  }
0x22: {  	v3 =	vadd.s32 v1, v3  }
0x23: {  	[tilespmem:s14], [sflag:$0x1] =	stream.indirect_vreg.gather [hbm4b:s5+s3], $0x80, v4, vm0, $0xb8;
	[tilespmem:$0x18100] =	vst v63  }
0x24: {  	_ = 	snop  }
0x25: {  	[tilespmem:s15], [sflag:$0x1] =	stream.indirect_vreg.gather [hbm4b:s6+s3], $0x80, v4, vm0, $0xb8;
	[tilespmem:$0x18100] =	vst v63  }
0x26: {  	_ = 	snop  }
0x27: {  	[tilespmem:s16], [sflag:$0x1] =	stream.indirect_vreg.gather [hbm4b:s1+s3], $0x80, v3, vm0, $0xb8;
	[tilespmem:$0x18100] =	vst v63  }
0x28: {  	_ = 	snop  }
0x29: {  	[tilespmem:s17], [sflag:$0x1] =	stream.indirect_vreg.gather [hbm4b:s5+s3], $0x80, v3, vm0, $0xb8;
	[tilespmem:$0x18100] =	vst v63  }
0x2a: {  	_ = 	snop  }
0x2b: {  	[tilespmem:s18], [sflag:$0x1] =	stream.indirect_vreg.gather [hbm4b:s6+s3], $0x80, v3, vm0, $0xb8;
	[tilespmem:$0x18100] =	vst v63  }
0x2c: {  	v3 =	vld [tilespmem:$0x10];
	_ =	sdelay $0x4  }
0x2d: {  	v49 =	vshrl.u32 v3, $0x3  }
0x2e: {  	v4 =	vmul.u32 $0x30, v49  }
0x2f: {  	v3 =	vand.u32 $0x7, v3  }
0x30: {  	v3 =	vor.u32 v3, v4  }
0x31: {  	v4 =	vperm.xlane v3, v0;
	_ =	sdelay $0x1  }
0x32: {  	v4 =	vadd.s32 v1, v4;
	_ =	sdelay $0x3  }
0x33: {  	v3 =	vperm.xlane v3, v2  }
0x34: {  	[tilespmem:s19], [sflag:$0x1] =	stream.indirect_vreg.gather [hbm4b:s1+s3], $0x80, v4, vm0, $0xb8;
	[tilespmem:$0x18100] =	vst v63  }
0x35: {  	v3 =	vadd.s32 v1, v3  }
0x36: {  	[tilespmem:s20], [sflag:$0x1] =	stream.indirect_vreg.gather [hbm4b:s5+s3], $0x80, v4, vm0, $0xb8;
	[tilespmem:$0x18100] =	vst v63  }
0x37: {  	_ = 	snop  }
0x38: {  	[tilespmem:s21], [sflag:$0x1] =	stream.indirect_vreg.gather [hbm4b:s6+s3], $0x80, v4, vm0, $0xb8;
	[tilespmem:$0x18100] =	vst v63  }
0x39: {  	_ = 	snop  }
0x3a: {  	[tilespmem:s22], [sflag:$0x1] =	stream.indirect_vreg.gather [hbm4b:s1+s3], $0x80, v3, vm0, $0xb8;
	[tilespmem:$0x18100] =	vst v63  }
0x3b: {  	_ = 	snop  }
0x3c: {  	[tilespmem:s23], [sflag:$0x1] =	stream.indirect_vreg.gather [hbm4b:s5+s3], $0x80, v3, vm0, $0xb8;
	[tilespmem:$0x18100] =	vst v63  }
0x3d: {  	_ = 	snop  }
0x3e: {  	[tilespmem:s24], [sflag:$0x1] =	stream.indirect_vreg.gather [hbm4b:s6+s3], $0x80, v3, vm0, $0xb8;
	[tilespmem:$0x18100] =	vst v63  }
0x3f: {  	v3 =	vld [tilespmem:$0x20];
	_ =	sdelay $0x4  }
0x40: {  	v50 =	vshrl.u32 v3, $0x3  }
0x41: {  	v4 =	vmul.u32 $0x30, v50  }
0x42: {  	v3 =	vand.u32 $0x7, v3  }
0x43: {  	v3 =	vor.u32 v3, v4  }
0x44: {  	v4 =	vperm.xlane v3, v0;
	_ =	sdelay $0x1  }
0x45: {  	v4 =	vadd.s32 v1, v4;
	_ =	sdelay $0x3  }
0x46: {  	v3 =	vperm.xlane v3, v2  }
0x47: {  	[tilespmem:s25], [sflag:$0x1] =	stream.indirect_vreg.gather [hbm4b:s1+s3], $0x80, v4, vm0, $0xb8;
	[tilespmem:$0x18100] =	vst v63  }
0x48: {  	v3 =	vadd.s32 v1, v3  }
0x49: {  	[tilespmem:s26], [sflag:$0x1] =	stream.indirect_vreg.gather [hbm4b:s5+s3], $0x80, v4, vm0, $0xb8;
	[tilespmem:$0x18100] =	vst v63  }
0x4a: {  	_ = 	snop  }
0x4b: {  	[tilespmem:s28], [sflag:$0x1] =	stream.indirect_vreg.gather [hbm4b:s6+s3], $0x80, v4, vm0, $0xb8;
	[tilespmem:$0x18100] =	vst v63  }
0x4c: {  	_ = 	snop  }
0x4d: {  	[tilespmem:s29], [sflag:$0x1] =	stream.indirect_vreg.gather [hbm4b:s1+s3], $0x80, v3, vm0, $0xb8;
	[tilespmem:$0x18100] =	vst v63  }
0x4e: {  	_ = 	snop  }
0x4f: {  	[tilespmem:s30], [sflag:$0x1] =	stream.indirect_vreg.gather [hbm4b:s5+s3], $0x80, v3, vm0, $0xb8;
	[tilespmem:$0x18100] =	vst v63  }
0x50: {  	_ = 	snop  }
0x51: {  	[tilespmem:s31], [sflag:$0x1] =	stream.indirect_vreg.gather [hbm4b:s6+s3], $0x80, v3, vm0, $0xb8;
	[tilespmem:$0x18100] =	vst v63  }
0x52: {  	v3 =	vld [tilespmem:$0x30];
	_ =	sdelay $0x4  }
0x53: {  	v51 =	vshrl.u32 v3, $0x3  }
0x54: {  	v4 =	vmul.u32 $0x30, v51  }
0x55: {  	v3 =	vand.u32 $0x7, v3  }
0x56: {  	v3 =	vor.u32 v3, v4  }
0x57: {  	v4 =	vperm.xlane v3, v0;
	_ =	sdelay $0x1  }
0x58: {  	v4 =	vadd.s32 v1, v4;
	_ =	sdelay $0x3  }
0x59: {  	s13 =	simm.s32 $0x9100;
	v3 =	vperm.xlane v3, v2  }
0x5a: {  	[tilespmem:s13], [sflag:$0x1] =	stream.indirect_vreg.gather [hbm4b:s1+s3], $0x80, v4, vm0, $0xb8;
	[tilespmem:$0x18100] =	vst v63  }
0x5b: {  	s9 =	simm.s32 $0x9900;
	v3 =	vadd.s32 v1, v3  }
0x5c: {  	[tilespmem:s9], [sflag:$0x1] =	stream.indirect_vreg.gather [hbm4b:s5+s3], $0x80, v4, vm0, $0xb8;
	[tilespmem:$0x18100] =	vst v63  }
0x5d: {  	_ = 	snop  }
0x5e: {  	[tilespmem:s11], [sflag:$0x1] =	stream.indirect_vreg.gather [hbm4b:s6+s3], $0x80, v4, vm0, $0xb8;
	[tilespmem:$0x18100] =	vst v63  }
0x5f: {  	s9 =	simm.s32 $0xA900  }
0x60: {  	[tilespmem:s9], [sflag:$0x1] =	stream.indirect_vreg.gather [hbm4b:s1+s3], $0x80, v3, vm0, $0xb8;
	[tilespmem:$0x18100] =	vst v63  }
0x61: {  	_ = 	snop  }
0x62: {  	[tilespmem:s10], [sflag:$0x1] =	stream.indirect_vreg.gather [hbm4b:s5+s3], $0x80, v3, vm0, $0xb8;
	[tilespmem:$0x18100] =	vst v63  }
0x63: {  	s12 =	simm.s32 $0xB900;
	s0 =	simm.s32 $0x1  }
0x64: {  	[tilespmem:s12], [sflag:$0x1] =	stream.indirect_vreg.gather [hbm4b:s6+s3], $0x80, v3, vm0, $0xb8;
	[tilespmem:$0x18100] =	vst v63  }
0x65: {  	_ =	swait.ge [sflag:s0], $0xC000  }
0x66: {  	[sflag:s0] =	ssyncset.done $0x0  }
0x67: {  	[sflag:s0] =	ssyncadd.s32 $0xFFFF4000  }
0x68: {  	v3 =	vld [tilespmem:$0x40];
	_ =	sdelay $0x4  }
0x69: {  	v52 =	vshrl.u32 v3, $0x3  }
0x6a: {  	v4 =	vmul.u32 $0x30, v52  }
0x6b: {  	v3 =	vand.u32 $0x7, v3  }
0x6c: {  	v3 =	vor.u32 v3, v4  }
0x6d: {  	v4 =	vperm.xlane v3, v0;
	_ =	sdelay $0x1  }
0x6e: {  	v4 =	vadd.s32 v1, v4;
	_ =	sdelay $0x3  }
0x6f: {  	v3 =	vperm.xlane v3, v2  }
0x70: {  	[tilespmem:s2], [sflag:$0x2] =	stream.indirect_vreg.gather [hbm4b:s1+s3], $0x80, v4, vm0, $0xb8;
	[tilespmem:$0x18100] =	vst v63  }
0x71: {  	s12 =	simm.s32 $0xC900;
	v3 =	vadd.s32 v1, v3  }
0x72: {  	[tilespmem:s12], [sflag:$0x2] =	stream.indirect_vreg.gather [hbm4b:s5+s3], $0x80, v4, vm0, $0xb8;
	[tilespmem:$0x18100] =	vst v63  }
0x73: {  	s13 =	simm.s32 $0xD100  }
0x74: {  	[tilespmem:s13], [sflag:$0x2] =	stream.indirect_vreg.gather [hbm4b:s6+s3], $0x80, v4, vm0, $0xb8;
	[tilespmem:$0x18100] =	vst v63  }
0x75: {  	s13 =	simm.s32 $0xD900  }
0x76: {  	[tilespmem:s13], [sflag:$0x2] =	stream.indirect_vreg.gather [hbm4b:s1+s3], $0x80, v3, vm0, $0xb8;
	[tilespmem:$0x18100] =	vst v63  }
0x77: {  	s13 =	simm.s32 $0xE100  }
0x78: {  	[tilespmem:s13], [sflag:$0x2] =	stream.indirect_vreg.gather [hbm4b:s5+s3], $0x80, v3, vm0, $0xb8;
	[tilespmem:$0x18100] =	vst v63  }
0x79: {  	s13 =	simm.s32 $0xE900  }
0x7a: {  	[tilespmem:s13], [sflag:$0x2] =	stream.indirect_vreg.gather [hbm4b:s6+s3], $0x80, v3, vm0, $0xb8;
	[tilespmem:$0x18100] =	vst v63  }
0x7b: {  	v3 =	vld [tilespmem:$0x50];
	_ =	sdelay $0x4  }
0x7c: {  	v53 =	vshrl.u32 v3, $0x3  }
0x7d: {  	v4 =	vmul.u32 $0x30, v53  }
0x7e: {  	v3 =	vand.u32 $0x7, v3  }
0x7f: {  	v3 =	vor.u32 v3, v4  }
0x80: {  	v4 =	vperm.xlane v3, v0;
	_ =	sdelay $0x1  }
0x81: {  	v4 =	vadd.s32 v1, v4;
	_ =	sdelay $0x3  }
0x82: {  	s13 =	simm.s32 $0xF100;
	v3 =	vperm.xlane v3, v2  }
0x83: {  	[tilespmem:s13], [sflag:$0x2] =	stream.indirect_vreg.gather [hbm4b:s1+s3], $0x80, v4, vm0, $0xb8;
	[tilespmem:$0x18100] =	vst v63  }
0x84: {  	v3 =	vadd.s32 v1, v3;
	s13 =	simm.s32 $0xF900  }
0x85: {  	[tilespmem:s13], [sflag:$0x2] =	stream.indirect_vreg.gather [hbm4b:s5+s3], $0x80, v4, vm0, $0xb8;
	[tilespmem:$0x18100] =	vst v63  }
0x86: {  	s13 =	simm.s32 $0x10100  }
0x87: {  	[tilespmem:s13], [sflag:$0x2] =	stream.indirect_vreg.gather [hbm4b:s6+s3], $0x80, v4, vm0, $0xb8;
	[tilespmem:$0x18100] =	vst v63  }
0x88: {  	s13 =	simm.s32 $0x10900  }
0x89: {  	[tilespmem:s13], [sflag:$0x2] =	stream.indirect_vreg.gather [hbm4b:s1+s3], $0x80, v3, vm0, $0xb8;
	[tilespmem:$0x18100] =	vst v63  }
0x8a: {  	s13 =	simm.s32 $0x11100  }
0x8b: {  	[tilespmem:s13], [sflag:$0x2] =	stream.indirect_vreg.gather [hbm4b:s5+s3], $0x80, v3, vm0, $0xb8;
	[tilespmem:$0x18100] =	vst v63  }
0x8c: {  	s13 =	simm.s32 $0x11900  }
0x8d: {  	[tilespmem:s13], [sflag:$0x2] =	stream.indirect_vreg.gather [hbm4b:s6+s3], $0x80, v3, vm0, $0xb8;
	[tilespmem:$0x18100] =	vst v63  }
0x8e: {  	v3 =	vld [tilespmem:$0x60];
	_ =	sdelay $0x4  }
0x8f: {  	v54 =	vshrl.u32 v3, $0x3  }
0x90: {  	v4 =	vmul.u32 $0x30, v54  }
0x91: {  	v3 =	vand.u32 $0x7, v3  }
0x92: {  	v3 =	vor.u32 v3, v4  }
0x93: {  	v4 =	vperm.xlane v3, v0;
	_ =	sdelay $0x1  }
0x94: {  	v4 =	vadd.s32 v1, v4;
	_ =	sdelay $0x3  }
0x95: {  	s13 =	simm.s32 $0x12100;
	v3 =	vperm.xlane v3, v2  }
0x96: {  	[tilespmem:s13], [sflag:$0x2] =	stream.indirect_vreg.gather [hbm4b:s1+s3], $0x80, v4, vm0, $0xb8;
	[tilespmem:$0x18100] =	vst v63  }
0x97: {  	v3 =	vadd.s32 v1, v3;
	s13 =	simm.s32 $0x12900  }
0x98: {  	[tilespmem:s13], [sflag:$0x2] =	stream.indirect_vreg.gather [hbm4b:s5+s3], $0x80, v4, vm0, $0xb8;
	[tilespmem:$0x18100] =	vst v63  }
0x99: {  	s13 =	simm.s32 $0x13100  }
0x9a: {  	[tilespmem:s13], [sflag:$0x2] =	stream.indirect_vreg.gather [hbm4b:s6+s3], $0x80, v4, vm0, $0xb8;
	[tilespmem:$0x18100] =	vst v63  }
0x9b: {  	s13 =	simm.s32 $0x13900  }
0x9c: {  	[tilespmem:s13], [sflag:$0x2] =	stream.indirect_vreg.gather [hbm4b:s1+s3], $0x80, v3, vm0, $0xb8;
	[tilespmem:$0x18100] =	vst v63  }
0x9d: {  	s13 =	simm.s32 $0x14100  }
0x9e: {  	[tilespmem:s13], [sflag:$0x2] =	stream.indirect_vreg.gather [hbm4b:s5+s3], $0x80, v3, vm0, $0xb8;
	[tilespmem:$0x18100] =	vst v63  }
0x9f: {  	s13 =	simm.s32 $0x14900  }
0xa0: {  	[tilespmem:s13], [sflag:$0x2] =	stream.indirect_vreg.gather [hbm4b:s6+s3], $0x80, v3, vm0, $0xb8;
	[tilespmem:$0x18100] =	vst v63  }
0xa1: {  	v3 =	vld [tilespmem:$0x70];
	_ =	sdelay $0x4  }
0xa2: {  	v55 =	vshrl.u32 v3, $0x3  }
0xa3: {  	v4 =	vmul.u32 $0x30, v55  }
0xa4: {  	v3 =	vand.u32 $0x7, v3  }
0xa5: {  	v3 =	vor.u32 v3, v4  }
0xa6: {  	v4 =	vperm.xlane v3, v0;
	_ =	sdelay $0x1  }
0xa7: {  	v4 =	vadd.s32 v1, v4;
	_ =	sdelay $0x3  }
0xa8: {  	s13 =	simm.s32 $0x15100;
	v3 =	vperm.xlane v3, v2  }
0xa9: {  	[tilespmem:s13], [sflag:$0x2] =	stream.indirect_vreg.gather [hbm4b:s1+s3], $0x80, v4, vm0, $0xb8;
	[tilespmem:$0x18100] =	vst v63  }
0xaa: {  	v3 =	vadd.s32 v1, v3;
	s13 =	simm.s32 $0x15900  }
0xab: {  	[tilespmem:s13], [sflag:$0x2] =	stream.indirect_vreg.gather [hbm4b:s5+s3], $0x80, v4, vm0, $0xb8;
	[tilespmem:$0x18100] =	vst v63  }
0xac: {  	s13 =	simm.s32 $0x16100  }
0xad: {  	[tilespmem:s13], [sflag:$0x2] =	stream.indirect_vreg.gather [hbm4b:s6+s3], $0x80, v4, vm0, $0xb8;
	[tilespmem:$0x18100] =	vst v63  }
0xae: {  	s13 =	simm.s32 $0x16900  }
0xaf: {  	[tilespmem:s13], [sflag:$0x2] =	stream.indirect_vreg.gather [hbm4b:s1+s3], $0x80, v3, vm0, $0xb8;
	[tilespmem:$0x18100] =	vst v63  }
0xb0: {  	s13 =	simm.s32 $0x17100  }
0xb1: {  	[tilespmem:s13], [sflag:$0x2] =	stream.indirect_vreg.gather [hbm4b:s5+s3], $0x80, v3, vm0, $0xb8;
	[tilespmem:$0x18100] =	vst v63  }
0xb2: {  	s13 =	simm.s32 $0x17900  }
0xb3: {  	[tilespmem:s13], [sflag:$0x2] =	stream.indirect_vreg.gather [hbm4b:s6+s3], $0x80, v3, vm0, $0xb8;
	[tilespmem:$0x18100] =	vst v63  }
0xb4: {  	s12 =	simm.s32 $0x100;
	s13 =	rddreg [dreg:$0x8]  }
0xb5: {  	[hbm4b:s13+s3] =	stream.linear.scatter [tilespmem:s12], [sflag:$0x3], $0xC000, $0x38;
	[tilespmem:$0x18100] =	vst v63  }
0xb6: {  	_ =	swait.ge [sflag:s8], $0xC000  }
0xb7: {  	[sflag:s8] =	ssyncset.done $0x0  }
0xb8: {  	[sflag:s8] =	ssyncadd.s32 $0xFFFF4000  }
0xb9: {  	_ =	swait.ge [sflag:s4], $0xC000  }
0xba: {  	[sflag:s4] =	ssyncset.done $0x0  }
0xbb: {  	[sflag:s4] =	ssyncadd.s32 $0xFFFF4000  }
0xbc: {  	v3 =	vld [tilespmem:$0x80];
	_ =	sdelay $0x4  }
0xbd: {  	v56 =	vshrl.u32 v3, $0x3  }
0xbe: {  	v4 =	vmul.u32 $0x30, v56  }
0xbf: {  	v3 =	vand.u32 $0x7, v3  }
0xc0: {  	v3 =	vor.u32 v3, v4  }
0xc1: {  	v4 =	vperm.xlane v3, v0;
	_ =	sdelay $0x1  }
0xc2: {  	v4 =	vadd.s32 v1, v4;
	_ =	sdelay $0x3  }
0xc3: {  	v3 =	vperm.xlane v3, v2  }
0xc4: {  	[tilespmem:s12], [sflag:$0x1] =	stream.indirect_vreg.gather [hbm4b:s1+s3], $0x80, v4, vm0, $0xb8;
	[tilespmem:$0x18100] =	vst v63  }
0xc5: {  	v3 =	vadd.s32 v1, v3  }
0xc6: {  	[tilespmem:s14], [sflag:$0x1] =	stream.indirect_vreg.gather [hbm4b:s5+s3], $0x80, v4, vm0, $0xb8;
	[tilespmem:$0x18100] =	vst v63  }
0xc7: {  	_ = 	snop  }
0xc8: {  	[tilespmem:s15], [sflag:$0x1] =	stream.indirect_vreg.gather [hbm4b:s6+s3], $0x80, v4, vm0, $0xb8;
	[tilespmem:$0x18100] =	vst v63  }
0xc9: {  	_ = 	snop  }
0xca: {  	[tilespmem:s16], [sflag:$0x1] =	stream.indirect_vreg.gather [hbm4b:s1+s3], $0x80, v3, vm0, $0xb8;
	[tilespmem:$0x18100] =	vst v63  }
0xcb: {  	_ = 	snop  }
0xcc: {  	[tilespmem:s17], [sflag:$0x1] =	stream.indirect_vreg.gather [hbm4b:s5+s3], $0x80, v3, vm0, $0xb8;
	[tilespmem:$0x18100] =	vst v63  }
0xcd: {  	_ = 	snop  }
0xce: {  	[tilespmem:s18], [sflag:$0x1] =	stream.indirect_vreg.gather [hbm4b:s6+s3], $0x80, v3, vm0, $0xb8;
	[tilespmem:$0x18100] =	vst v63  }
0xcf: {  	v3 =	vld [tilespmem:$0x90];
	_ =	sdelay $0x4  }
0xd0: {  	v57 =	vshrl.u32 v3, $0x3  }
0xd1: {  	v4 =	vmul.u32 $0x30, v57  }
0xd2: {  	v3 =	vand.u32 $0x7, v3  }
0xd3: {  	v3 =	vor.u32 v3, v4  }
0xd4: {  	v4 =	vperm.xlane v3, v0;
	_ =	sdelay $0x1  }
0xd5: {  	v4 =	vadd.s32 v1, v4;
	_ =	sdelay $0x3  }
0xd6: {  	v3 =	vperm.xlane v3, v2  }
0xd7: {  	[tilespmem:s19], [sflag:$0x1] =	stream.indirect_vreg.gather [hbm4b:s1+s3], $0x80, v4, vm0, $0xb8;
	[tilespmem:$0x18100] =	vst v63  }
0xd8: {  	v3 =	vadd.s32 v1, v3  }
0xd9: {  	[tilespmem:s20], [sflag:$0x1] =	stream.indirect_vreg.gather [hbm4b:s5+s3], $0x80, v4, vm0, $0xb8;
	[tilespmem:$0x18100] =	vst v63  }
0xda: {  	_ = 	snop  }
0xdb: {  	[tilespmem:s21], [sflag:$0x1] =	stream.indirect_vreg.gather [hbm4b:s6+s3], $0x80, v4, vm0, $0xb8;
	[tilespmem:$0x18100] =	vst v63  }
0xdc: {  	_ = 	snop  }
0xdd: {  	[tilespmem:s22], [sflag:$0x1] =	stream.indirect_vreg.gather [hbm4b:s1+s3], $0x80, v3, vm0, $0xb8;
	[tilespmem:$0x18100] =	vst v63  }
0xde: {  	_ = 	snop  }
0xdf: {  	[tilespmem:s23], [sflag:$0x1] =	stream.indirect_vreg.gather [hbm4b:s5+s3], $0x80, v3, vm0, $0xb8;
	[tilespmem:$0x18100] =	vst v63  }
0xe0: {  	_ = 	snop  }
0xe1: {  	[tilespmem:s24], [sflag:$0x1] =	stream.indirect_vreg.gather [hbm4b:s6+s3], $0x80, v3, vm0, $0xb8;
	[tilespmem:$0x18100] =	vst v63  }
0xe2: {  	v3 =	vld [tilespmem:$0xA0];
	_ =	sdelay $0x4  }
0xe3: {  	v58 =	vshrl.u32 v3, $0x3  }
0xe4: {  	v4 =	vmul.u32 $0x30, v58  }
0xe5: {  	v3 =	vand.u32 $0x7, v3  }
0xe6: {  	v3 =	vor.u32 v3, v4  }
0xe7: {  	v4 =	vperm.xlane v3, v0;
	_ =	sdelay $0x1  }
0xe8: {  	v4 =	vadd.s32 v1, v4;
	_ =	sdelay $0x3  }
0xe9: {  	v3 =	vperm.xlane v3, v2  }
0xea: {  	[tilespmem:s25], [sflag:$0x1] =	stream.indirect_vreg.gather [hbm4b:s1+s3], $0x80, v4, vm0, $0xb8;
	[tilespmem:$0x18100] =	vst v63  }
0xeb: {  	v3 =	vadd.s32 v1, v3  }
0xec: {  	[tilespmem:s26], [sflag:$0x1] =	stream.indirect_vreg.gather [hbm4b:s5+s3], $0x80, v4, vm0, $0xb8;
	[tilespmem:$0x18100] =	vst v63  }
0xed: {  	_ = 	snop  }
0xee: {  	[tilespmem:s28], [sflag:$0x1] =	stream.indirect_vreg.gather [hbm4b:s6+s3], $0x80, v4, vm0, $0xb8;
	[tilespmem:$0x18100] =	vst v63  }
0xef: {  	_ = 	snop  }
0xf0: {  	[tilespmem:s29], [sflag:$0x1] =	stream.indirect_vreg.gather [hbm4b:s1+s3], $0x80, v3, vm0, $0xb8;
	[tilespmem:$0x18100] =	vst v63  }
0xf1: {  	_ = 	snop  }
0xf2: {  	[tilespmem:s30], [sflag:$0x1] =	stream.indirect_vreg.gather [hbm4b:s5+s3], $0x80, v3, vm0, $0xb8;
	[tilespmem:$0x18100] =	vst v63  }
0xf3: {  	_ = 	snop  }
0xf4: {  	[tilespmem:s31], [sflag:$0x1] =	stream.indirect_vreg.gather [hbm4b:s6+s3], $0x80, v3, vm0, $0xb8;
	[tilespmem:$0x18100] =	vst v63  }
0xf5: {  	v3 =	vld [tilespmem:$0xB0];
	_ =	sdelay $0x4  }
0xf6: {  	v59 =	vshrl.u32 v3, $0x3  }
0xf7: {  	v4 =	vmul.u32 $0x30, v59  }
0xf8: {  	v3 =	vand.u32 $0x7, v3  }
0xf9: {  	v3 =	vor.u32 v3, v4  }
0xfa: {  	v4 =	vperm.xlane v3, v0;
	_ =	sdelay $0x1  }
0xfb: {  	v4 =	vadd.s32 v1, v4;
	_ =	sdelay $0x3  }
0xfc: {  	s13 =	simm.s32 $0x9100;
	v3 =	vperm.xlane v3, v2  }
0xfd: {  	[tilespmem:s13], [sflag:$0x1] =	stream.indirect_vreg.gather [hbm4b:s1+s3], $0x80, v4, vm0, $0xb8;
	[tilespmem:$0x18100] =	vst v63  }
0xfe: {  	v3 =	vadd.s32 v1, v3;
	s13 =	simm.s32 $0x9900  }
0xff: {  	[tilespmem:s13], [sflag:$0x1] =	stream.indirect_vreg.gather [hbm4b:s5+s3], $0x80, v4, vm0, $0xb8;
	[tilespmem:$0x18100] =	vst v63  }
0x100: {  	_ = 	snop  }
0x101: {  	[tilespmem:s11], [sflag:$0x1] =	stream.indirect_vreg.gather [hbm4b:s6+s3], $0x80, v4, vm0, $0xb8;
	[tilespmem:$0x18100] =	vst v63  }
0x102: {  	_ = 	snop  }
0x103: {  	[tilespmem:s9], [sflag:$0x1] =	stream.indirect_vreg.gather [hbm4b:s1+s3], $0x80, v3, vm0, $0xb8;
	[tilespmem:$0x18100] =	vst v63  }
0x104: {  	_ = 	snop  }
0x105: {  	[tilespmem:s10], [sflag:$0x1] =	stream.indirect_vreg.gather [hbm4b:s5+s3], $0x80, v3, vm0, $0xb8;
	[tilespmem:$0x18100] =	vst v63  }
0x106: {  	s12 =	simm.s32 $0xB900  }
0x107: {  	[tilespmem:s12], [sflag:$0x1] =	stream.indirect_vreg.gather [hbm4b:s6+s3], $0x80, v3, vm0, $0xb8;
	[tilespmem:$0x18100] =	vst v63  }
0x108: {  	s13 =	rddreg [dreg:$0x5]  }
0x109: {  	[hbm4b:s13+s3] =	stream.linear.scatter [tilespmem:s2], [sflag:$0x3], $0xC000, $0x38;
	[tilespmem:$0x18100] =	vst v63  }
0x10a: {  	_ =	swait.ge [sflag:s8], $0xC000  }
0x10b: {  	[sflag:s8] =	ssyncset.done $0x0  }
0x10c: {  	[sflag:s8] =	ssyncadd.s32 $0xFFFF4000  }
0x10d: {  	_ =	swait.ge [sflag:s0], $0xC000  }
0x10e: {  	[sflag:s0] =	ssyncset.done $0x0  }
0x10f: {  	[sflag:s0] =	ssyncadd.s32 $0xFFFF4000  }
0x110: {  	v3 =	vld [tilespmem:$0xC0];
	_ =	sdelay $0x4  }
0x111: {  	v60 =	vshrl.u32 v3, $0x3  }
0x112: {  	v4 =	vmul.u32 $0x30, v60  }
0x113: {  	v3 =	vand.u32 $0x7, v3  }
0x114: {  	v3 =	vor.u32 v3, v4  }
0x115: {  	v4 =	vperm.xlane v3, v0;
	_ =	sdelay $0x1  }
0x116: {  	v4 =	vadd.s32 v1, v4;
	_ =	sdelay $0x3  }
0x117: {  	v3 =	vperm.xlane v3, v2  }
0x118: {  	[tilespmem:s2], [sflag:$0x2] =	stream.indirect_vreg.gather [hbm4b:s1+s3], $0x80, v4, vm0, $0xb8;
	[tilespmem:$0x18100] =	vst v63  }
0x119: {  	s9 =	simm.s32 $0xC900;
	v3 =	vadd.s32 v1, v3  }
0x11a: {  	[tilespmem:s9], [sflag:$0x2] =	stream.indirect_vreg.gather [hbm4b:s5+s3], $0x80, v4, vm0, $0xb8;
	[tilespmem:$0x18100] =	vst v63  }
0x11b: {  	s12 =	simm.s32 $0xD100  }
0x11c: {  	[tilespmem:s12], [sflag:$0x2] =	stream.indirect_vreg.gather [hbm4b:s6+s3], $0x80, v4, vm0, $0xb8;
	[tilespmem:$0x18100] =	vst v63  }
0x11d: {  	s13 =	simm.s32 $0xD900  }
0x11e: {  	[tilespmem:s13], [sflag:$0x2] =	stream.indirect_vreg.gather [hbm4b:s1+s3], $0x80, v3, vm0, $0xb8;
	[tilespmem:$0x18100] =	vst v63  }
0x11f: {  	s9 =	simm.s32 $0xE100  }
0x120: {  	[tilespmem:s9], [sflag:$0x2] =	stream.indirect_vreg.gather [hbm4b:s5+s3], $0x80, v3, vm0, $0xb8;
	[tilespmem:$0x18100] =	vst v63  }
0x121: {  	s12 =	simm.s32 $0xE900  }
0x122: {  	[tilespmem:s12], [sflag:$0x2] =	stream.indirect_vreg.gather [hbm4b:s6+s3], $0x80, v3, vm0, $0xb8;
	[tilespmem:$0x18100] =	vst v63  }
0x123: {  	v3 =	vld [tilespmem:$0xD0];
	_ =	sdelay $0x4  }
0x124: {  	v61 =	vshrl.u32 v3, $0x3  }
0x125: {  	v4 =	vmul.u32 $0x30, v61  }
0x126: {  	v3 =	vand.u32 $0x7, v3  }
0x127: {  	v3 =	vor.u32 v3, v4  }
0x128: {  	v4 =	vperm.xlane v3, v0;
	_ =	sdelay $0x1  }
0x129: {  	v4 =	vadd.s32 v1, v4;
	_ =	sdelay $0x3  }
0x12a: {  	s13 =	simm.s32 $0xF100;
	v3 =	vperm.xlane v3, v2  }
0x12b: {  	[tilespmem:s13], [sflag:$0x2] =	stream.indirect_vreg.gather [hbm4b:s1+s3], $0x80, v4, vm0, $0xb8;
	[tilespmem:$0x18100] =	vst v63  }
0x12c: {  	s9 =	simm.s32 $0xF900;
	v3 =	vadd.s32 v1, v3  }
0x12d: {  	[tilespmem:s9], [sflag:$0x2] =	stream.indirect_vreg.gather [hbm4b:s5+s3], $0x80, v4, vm0, $0xb8;
	[tilespmem:$0x18100] =	vst v63  }
0x12e: {  	s12 =	simm.s32 $0x10100  }
0x12f: {  	[tilespmem:s12], [sflag:$0x2] =	stream.indirect_vreg.gather [hbm4b:s6+s3], $0x80, v4, vm0, $0xb8;
	[tilespmem:$0x18100] =	vst v63  }
0x130: {  	s13 =	simm.s32 $0x10900  }
0x131: {  	[tilespmem:s13], [sflag:$0x2] =	stream.indirect_vreg.gather [hbm4b:s1+s3], $0x80, v3, vm0, $0xb8;
	[tilespmem:$0x18100] =	vst v63  }
0x132: {  	s9 =	simm.s32 $0x11100  }
0x133: {  	[tilespmem:s9], [sflag:$0x2] =	stream.indirect_vreg.gather [hbm4b:s5+s3], $0x80, v3, vm0, $0xb8;
	[tilespmem:$0x18100] =	vst v63  }
0x134: {  	s12 =	simm.s32 $0x11900  }
0x135: {  	[tilespmem:s12], [sflag:$0x2] =	stream.indirect_vreg.gather [hbm4b:s6+s3], $0x80, v3, vm0, $0xb8;
	[tilespmem:$0x18100] =	vst v63  }
0x136: {  	v3 =	vld [tilespmem:$0xE0];
	_ =	sdelay $0x4  }
0x137: {  	v62 =	vshrl.u32 v3, $0x3  }
0x138: {  	v4 =	vmul.u32 $0x30, v62  }
0x139: {  	v3 =	vand.u32 $0x7, v3  }
0x13a: {  	v3 =	vor.u32 v3, v4  }
0x13b: {  	v4 =	vperm.xlane v3, v0;
	_ =	sdelay $0x1  }
0x13c: {  	v4 =	vadd.s32 v1, v4;
	_ =	sdelay $0x3  }
0x13d: {  	s13 =	simm.s32 $0x12100;
	v3 =	vperm.xlane v3, v2  }
0x13e: {  	[tilespmem:s13], [sflag:$0x2] =	stream.indirect_vreg.gather [hbm4b:s1+s3], $0x80, v4, vm0, $0xb8;
	[tilespmem:$0x18100] =	vst v63  }
0x13f: {  	s9 =	simm.s32 $0x12900;
	v3 =	vadd.s32 v1, v3  }
0x140: {  	[tilespmem:s9], [sflag:$0x2] =	stream.indirect_vreg.gather [hbm4b:s5+s3], $0x80, v4, vm0, $0xb8;
	[tilespmem:$0x18100] =	vst v63  }
0x141: {  	s12 =	simm.s32 $0x13100  }
0x142: {  	[tilespmem:s12], [sflag:$0x2] =	stream.indirect_vreg.gather [hbm4b:s6+s3], $0x80, v4, vm0, $0xb8;
	[tilespmem:$0x18100] =	vst v63  }
0x143: {  	s13 =	simm.s32 $0x13900  }
0x144: {  	[tilespmem:s13], [sflag:$0x2] =	stream.indirect_vreg.gather [hbm4b:s1+s3], $0x80, v3, vm0, $0xb8;
	[tilespmem:$0x18100] =	vst v63  }
0x145: {  	s9 =	simm.s32 $0x14100  }
0x146: {  	[tilespmem:s9], [sflag:$0x2] =	stream.indirect_vreg.gather [hbm4b:s5+s3], $0x80, v3, vm0, $0xb8;
	[tilespmem:$0x18100] =	vst v63  }
0x147: {  	s12 =	simm.s32 $0x14900  }
0x148: {  	[tilespmem:s12], [sflag:$0x2] =	stream.indirect_vreg.gather [hbm4b:s6+s3], $0x80, v3, vm0, $0xb8;
	[tilespmem:$0x18100] =	vst v63  }
0x149: {  	v3 =	vld [tilespmem:$0xF0];
	_ =	sdelay $0x4  }
0x14a: {  	v63 =	vshrl.u32 v3, $0x3  }
0x14b: {  	v4 =	vmul.u32 $0x30, v63  }
0x14c: {  	v3 =	vand.u32 $0x7, v3  }
0x14d: {  	v3 =	vor.u32 v3, v4  }
0x14e: {  	v4 =	vperm.xlane v3, v0;
	_ =	sdelay $0x1  }
0x14f: {  	v4 =	vadd.s32 v1, v4;
	_ =	sdelay $0x3  }
0x150: {  	s13 =	simm.s32 $0x15100;
	v3 =	vperm.xlane v3, v2  }
0x151: {  	[tilespmem:s13], [sflag:$0x2] =	stream.indirect_vreg.gather [hbm4b:s1+s3], $0x80, v4, vm0, $0xb8;
	[tilespmem:$0x18100] =	vst v63  }
0x152: {  	s9 =	simm.s32 $0x15900;
	v3 =	vadd.s32 v1, v3  }
0x153: {  	[tilespmem:s9], [sflag:$0x2] =	stream.indirect_vreg.gather [hbm4b:s5+s3], $0x80, v4, vm0, $0xb8;
	[tilespmem:$0x18100] =	vst v63  }
0x154: {  	s12 =	simm.s32 $0x16100  }
0x155: {  	[tilespmem:s12], [sflag:$0x2] =	stream.indirect_vreg.gather [hbm4b:s6+s3], $0x80, v4, vm0, $0xb8;
	[tilespmem:$0x18100] =	vst v63  }
0x156: {  	s13 =	simm.s32 $0x16900  }
0x157: {  	[tilespmem:s13], [sflag:$0x2] =	stream.indirect_vreg.gather [hbm4b:s1+s3], $0x80, v3, vm0, $0xb8;
	[tilespmem:$0x18100] =	vst v63  }
0x158: {  	s9 =	simm.s32 $0x17100  }
0x159: {  	[tilespmem:s9], [sflag:$0x2] =	stream.indirect_vreg.gather [hbm4b:s5+s3], $0x80, v3, vm0, $0xb8;
	[tilespmem:$0x18100] =	vst v63  }
0x15a: {  	s12 =	simm.s32 $0x17900  }
0x15b: {  	[tilespmem:s12], [sflag:$0x2] =	stream.indirect_vreg.gather [hbm4b:s6+s3], $0x80, v3, vm0, $0xb8;
	[tilespmem:$0x18100] =	vst v63  }
0x15c: {  	s13 =	rddreg [dreg:$0x6];
	s9 =	simm.s32 $0x100  }
0x15d: {  	[hbm4b:s13+s3] =	stream.linear.scatter [tilespmem:s9], [sflag:$0x3], $0xC000, $0x38;
	[tilespmem:$0x18100] =	vst v63  }
0x15e: {  	_ =	swait.ge [sflag:s8], $0xC000  }
0x15f: {  	[sflag:s8] =	ssyncset.done $0x0  }
0x160: {  	[sflag:s8] =	ssyncadd.s32 $0xFFFF4000  }
0x161: {  	_ =	swait.ge [sflag:s4], $0xC000  }
0x162: {  	p0 =	sne.s32 s7, $0x1;
	[sflag:s4] =	ssyncset.done $0x0  }
.Ltmp0:
0x163: {  	s12 =	rddreg [dreg:$0x7];
	[sflag:s4] =	ssyncadd.s32 $0xFFFF4000;
	(pc) =	sbr.rel @p0 .LBB2_1-.Ltmp0, $4  }
0x164: {  	[hbm4b:s12+s3] =	stream.linear.scatter [tilespmem:s2], [sflag:$0x3], $0xC000, $0x38;
	[tilespmem:$0x18100] =	vst v63  }
0x165: {  	_ =	swait.ge [sflag:s8], $0xC000  }
0x166: {  	[sflag:s8] =	ssyncset.done $0x0  }
0x167: {  	s7 =	sadd.s32 $0xFFFFFFFF, s7;
	[sflag:s8] =	ssyncadd.s32 $0xFFFF4000  }
0x168: {  	_ =	sfence.sel $0x180000  }
0x169: {  	[bflag:$0x0] =	sbarrier.arrive $0xFFFF  }
0x16a: {  	_ =	strace $0x90000047  }
0x16b: {  	s0 =	stileid.u32;
	[bflag:$0x2] =	sbarrier.arrive $0xFFFF  }
0x16c: {  	p0 =	sne.s32 s0, $0x0;
	s0 =	rddreg [dreg:$0x3]  }
0x16d: {  	s0 =	sadd.s32 @!p0 $0x100000, s0  }
0x16e: {  	[sflag:s0] =	ssyncadd.tile.s32 @!p0 $0x1;
	_ =	shalt  }
.Lfunc_end2:
_tile_overlayer_lowered:
.L_overlay_start_2:
0x16f: {  	(tag) =	ssettag $0x2  }
0x170: {  	s0 =	rddreg [dreg:$0x0];
	s2 =	stileid.u32  }
0x171: {  	s1 =	rddreg [dreg:$0x1];
	p0 =	sne.s32 s2, $0x0  }
0x172: {  	s3 =	rddreg [dreg:$0x2];
	[bflag:$0x3] =	sbarrier.arrive $0xFFFF;
	s2 =	simm.s32 @!p0 $0x1C03  }
0x173: {  	[timem:s3], [sflag:s2] =	dma.local @!p0 [hbm:s0], s1  }
0x174: {  	s0 =	simm.s32 @!p0 $0x3  }
0x175: {  	_ =	swait.ge @!p0 [sflag:s0], s1  }
0x176: {  	s1 =	ssub.s32 @!p0 $0x0, s1;
	[sflag:s0] =	ssyncset.done @!p0 $0x0  }
0x177: {  	[sflag:s0] =	ssyncadd.s32 @!p0 s1  }
0x178: {  	[bflag:$0x3] =	sbarrier.arrive $0xFFFF  }
0x179: {  	_ =	shalt  }

// kernel: kernel.13.cloned.1.call-start
scs
__scs_entry_jumppad:
0x0: {  	(pc) =	sbr.rel $0x88, $3  }
0x1: {  	(tag) =	ssettag $0x0;
	lr =	simm.s32 $0x1  }
0x2: {  	[smem:$0x3F9E] =	sst lr;
	_ =	strace $0xD0000000  }
0x3: {  	_ = 	snop  }
0x4: {  	_ = 	snop  }
0x5: {  	_ = 	snop  }
0x6: {  	_ = 	snop  }
0x7: {  	_ = 	snop  }
__scs_overlays_trampoline_lowered:
0x8: {  	[smem:$0x3FAD] =	sst s0  }
0x9: {  	[smem:$0x3FAE] =	sst s1  }
0xa: {  	[smem:$0x3FAF] =	sst s2  }
0xb: {  	[smem:$0x3FB0] =	sst s3  }
0xc: {  	[smem:$0x3FB1] =	sst s4  }
0xd: {  	[smem:$0x3FB2] =	sst s5  }
0xe: {  	[smem:$0x3FB3] =	sst s6  }
0xf: {  	[smem:$0x3FB4] =	sst s7  }
0x10: {  	[smem:$0x3FB5] =	sst s8  }
0x11: {  	[smem:$0x3FB6] =	sst s9;
	s0 =	simm.s32 @!p0 $0x0  }
0x12: {  	s1 =	sld [smem:$0x3F9C];
	s0 =	simm.s32 @p0 $0x1  }
0x13: {  	[smem:$0x3FB7] =	sst s0;
	s0 =	simm.s32 @!p1 $0x0  }
0x14: {  	s2 =	sld [smem:$0x3F9B];
	s0 =	simm.s32 @p1 $0x1  }
0x15: {  	[smem:$0x3FB8] =	sst s0;
	s0 =	simm.s32 @!p2 $0x0  }
0x16: {  	s3 =	sld [smem:$0x3FDB];
	s0 =	simm.s32 @p2 $0x1  }
0x17: {  	s4 =	simm.s32 $0x1BF5;
	[smem:$0x3FBA] =	sst s0  }
0x18: {  	s0 =	sld [smem:$0x3F9D];
	_ =	swait.ge [sflag:s4], $0x0  }
0x19: {  	s7 =	sld [smem:$0x3F9E]  }
0x1a: {  	s8 =	sadd.s32 $0xFFFFE003, lr  }
0x1b: {  	s9 =	sadd.s32 $0xFFFFFEF7, lr;
	s5 =	simm.s32 $0xFFFFFFFF;
	p2 =	slt.u32 s8, $0xFFFFF086  }
0x1c: {  	p1 =	slt.u32 s9, $0xF7A;
	s5 =	simm.s32 @!p2 $0x0  }
0x1d: {  	s5 =	simm.s32 @p1 $0x1;
	p0 =	seq.s32 s7, s2  }
0x1e: {  	s7 =	smul.u32 @!p0 $0xF7A, s2;
	p2 =	seq.s32 @!p0 s5, $0x0  }
0x1f: {  	s9 =	smul.u32 $0xF7A, s1;
	s8 =	simm.s32 @!p0 $0x1BF5;
	p2 =	por !p2, p0  }
0x20: {  	[sflag:s8] =	ssyncset.s32 @!p0 $0xFFFFF086;
	s6 =	sadd.s32 @!p0 s3, s7;
	s7 =	simm.s32 @!p0 $0x108  }
0x21: {  	s3 =	sadd.s32 s3, s9;
	s6 =	sadd.s32 @!p0 $0x88, s6;
	s7 =	simm.s32 @p2 $0x1082  }
0x22: {  	[simem:s7], [sflag:s8] =	dma.local @!p0 [hbm:s6], $0xF7A  }
0x23: {  	s9 =	sor.u32 $0xD0000000, s2;
	s6 =	simm.s32 $0x108;
	_ =	swait.ge @!p0 [sflag:s8], $0x0  }
0x24: {  	s3 =	sadd.s32 $0x88, s3;
	s6 =	simm.s32 @!p1 $0x1082;
	[sflag:s4] =	ssyncset.s32 $0xFFFFF086  }
0x25: {  	[simem:s6], [sflag:s4] =	dma.local [hbm:s3], $0xF7A  }
0x26: {  	[smem:$0x3F9E] =	sst s1;
	(tag) =	ssettag s2;
	_ =	strace s9  }
0x27: {  	s1 =	sld [smem:$0x3FAE]  }
0x28: {  	s2 =	sld [smem:$0x3FAF]  }
0x29: {  	s4 =	sld [smem:$0x3FB1]  }
0x2a: {  	p0 =	seq.s32 s5, $0x0;
	s5 =	sld [smem:$0x3FB2]  }
0x2b: {  	s6 =	sld [smem:$0x3FB3]  }
0x2c: {  	s7 =	sld [smem:$0x3FB4]  }
0x2d: {  	s3 =	simm.s32 $0x108;
	s8 =	sld [smem:$0x3FB5]  }
0x2e: {  	s3 =	simm.s32 @!p0 $0x1082;
	s9 =	sld [smem:$0x3FB6]  }
0x2f: {  	lr =	sadd.s32 s0, s3;
	s0 =	sld [smem:$0x3FAD]  }
0x30: {  	s3 =	sld [smem:$0x3FB0]  }
0x31: {  	[smem:$0x3FB9] =	sst s10  }
0x32: {  	s10 =	sld [smem:$0x3FB7];
	_ =	sdelay $0x3  }
0x33: {  	p0 =	seq.s32 s10, $0x1;
	s10 =	sld [smem:$0x3FB9];
	_ =	sdelay $0x3  }
0x34: {  	[smem:$0x3FB9] =	sst s10  }
0x35: {  	s10 =	sld [smem:$0x3FB8];
	_ =	sdelay $0x3  }
0x36: {  	p1 =	seq.s32 s10, $0x1;
	s10 =	sld [smem:$0x3FB9];
	_ =	sdelay $0x3  }
0x37: {  	[smem:$0x3FB9] =	sst s10  }
0x38: {  	s10 =	sld [smem:$0x3FBA]  }
0x39: {  	_ = 	snop;
	(pc) =	sbr.ind lr, $3  }
0x3a: {  	_ = 	snop  }
0x3b: {  	_ = 	snop  }
0x3c: {  	p2 =	seq.s32 s10, $0x1;
	s10 =	sld [smem:$0x3FB9]  }
0x3d: {  	_ =	shalt  }
0x3e: {  	_ =	shalt  }
0x3f: {  	_ =	shalt  }
0x40: {  	_ =	shalt  }
0x41: {  	_ =	shalt  }
0x42: {  	_ =	shalt  }
0x43: {  	_ =	shalt  }
0x44: {  	_ =	shalt  }
0x45: {  	_ =	shalt  }
0x46: {  	_ =	shalt  }
0x47: {  	_ =	shalt  }
0x48: {  	_ =	shalt  }
0x49: {  	_ =	shalt  }
0x4a: {  	_ =	shalt  }
0x4b: {  	_ =	shalt  }
0x4c: {  	_ =	shalt  }
0x4d: {  	_ =	shalt  }
0x4e: {  	_ =	shalt  }
0x4f: {  	_ =	shalt  }
0x50: {  	_ =	shalt  }
0x51: {  	_ =	shalt  }
0x52: {  	_ =	shalt  }
0x53: {  	_ =	shalt  }
0x54: {  	_ =	shalt  }
0x55: {  	_ =	shalt  }
0x56: {  	_ =	shalt  }
0x57: {  	_ =	shalt  }
0x58: {  	_ =	shalt  }
0x59: {  	_ =	shalt  }
0x5a: {  	_ =	shalt  }
0x5b: {  	_ =	shalt  }
0x5c: {  	_ =	shalt  }
0x5d: {  	_ =	shalt  }
0x5e: {  	_ =	shalt  }
0x5f: {  	_ =	shalt  }
0x60: {  	_ =	shalt  }
0x61: {  	_ =	shalt  }
0x62: {  	_ =	shalt  }
0x63: {  	_ =	shalt  }
0x64: {  	_ =	shalt  }
0x65: {  	_ =	shalt  }
0x66: {  	_ =	shalt  }
0x67: {  	_ =	shalt  }
0x68: {  	_ =	shalt  }
0x69: {  	_ =	shalt  }
0x6a: {  	_ =	shalt  }
0x6b: {  	_ =	shalt  }
0x6c: {  	_ =	shalt  }
0x6d: {  	_ =	shalt  }
0x6e: {  	_ =	shalt  }
0x6f: {  	_ =	shalt  }
0x70: {  	_ =	shalt  }
0x71: {  	_ =	shalt  }
0x72: {  	_ =	shalt  }
0x73: {  	_ =	shalt  }
0x74: {  	_ =	shalt  }
0x75: {  	_ =	shalt  }
0x76: {  	_ =	shalt  }
0x77: {  	_ =	shalt  }
0x78: {  	_ =	shalt  }
0x79: {  	_ =	shalt  }
0x7a: {  	_ =	shalt  }
0x7b: {  	_ =	shalt  }
0x7c: {  	_ =	shalt  }
0x7d: {  	_ =	shalt  }
0x7e: {  	_ =	shalt  }
0x7f: {  	_ =	shalt  }
0x80: {  	_ =	shalt  }
0x81: {  	_ =	shalt  }
0x82: {  	_ =	shalt  }
0x83: {  	_ =	shalt  }
0x84: {  	_ =	shalt  }
0x85: {  	_ =	shalt  }
0x86: {  	_ =	shalt  }
0x87: {  	_ =	shalt  }
.Lfunc_end0:
.L_simem_size_0:
called_computation.1_lowered:
.L_overlay_start_0:
0x88: {  	s2 =	sld [smem:$0x3FD9]  }
0x89: {  	s3 =	sld [smem:$0x3FFE];
	_ =	sdelay $0x1  }
0x8a: {  	s1 =	srdreg.scid  }
0x8b: {  	s0 =	sand.u32 $0x1, s1  }
0x8c: {  	s17 =	sshll.u32 s0, $0xA;
	s2 =	sadd.s32 s3, s2  }
0x8d: {  	s2 =	sadd.s32 s2, s17  }
0x8e: {  	[smem:$0x3FC5] =	sst s2  }
0x8f: {  	_ = 	snop  }
0x90: {  	s18 =	sld [smem:$0x3FC8];
	(tm) =	ssettm $0x1  }
0x91: {  	s19 =	sld [smem:$0x3FFB];
	_ =	sdelay $0x3  }
0x92: {  	_ =	strace s19  }
0x93: {  	s2 =	sld [smem:$0x3FFC];
	_ =	sdelay $0x3  }
0x94: {  	_ =	strace s2  }
0x95: {  	s2 =	sld [smem:$0x3FFD];
	_ =	sdelay $0x3  }
0x96: {  	_ =	strace s2  }
0x97: {  	_ =	strace $0x8FFFFFFF  }
0x98: {  	s20 =	sld [smem:$0x3FDB];
	_ =	sdelay $0x1  }
0x99: {  	s4 =	simm.s32 $_scs_section_size  }
0x9a: {  	s5 =	simm.s32 $_size__tile_overlayer_lowered;
	s6 =	simm.s32 $_tile_overlayer_lowered  }
0x9b: {  	s7 =	simm.s32 $0x1BFF;
	s21 =	sshll.u32 s6, $0x1;
	s4 =	sadd.s32 s4, s20  }
0x9c: {  	s22 =	simm.s32 $0x0;
	s5 =	sshll.u32 s5, $0x1;
	s6 =	sadd.s32 s21, s4  }
0x9d: {  	[timem:s22], [sflag:s7] =	dma.local [hbm:s6], s5  }
0x9e: {  	_ =	swait.ge [sflag:s7], s5  }
0x9f: {  	s5 =	ssub.s32 $0x0, s5;
	[sflag:s7] =	ssyncset.done $0x0  }
0xa0: {  	[sflag:s7] =	ssyncadd.s32 s5;
	_ =	sdelay $0x1  }
0xa1: {  	s23 =	simm.s32 $0x1B8B  }
0xa2: {  	_ =	swait.ge [sflag:s23], $0x1  }
0xa3: {  	[sflag:s23] =	ssyncset.done $0x0  }
0xa4: {  	[sflag:s23] =	ssyncadd.s32 $0xFFFFFFFF  }
0xa5: {  	s5 =	sld [smem:$0x0]  }
0xa6: {  	s6 =	sand.u32 $0xFFFFFFFE, s1  }
0xa7: {  	p0 =	sne.s32 s1, s6  }
0xa8: {  	s6 =	sshll.u32 @p0 s6, $0xE  }
0xa9: {  	s6 =	sadd.s32 @p0 $0x11B8D, s6;
	s7 =	sshll.u32 @p0 s5, $0x11  }
0xaa: {  	s6 =	sor.u32 @p0 s7, s6  }
0xab: {  	[sflag:s6] =	ssyncadd.remote.s32 @p0 $0x1;
	_ =	sdelay $0x1  }
0xac: {  	s6 =	simm.s32 @p0 $0x1B8D  }
0xad: {  	_ =	swait.eq @p0 [sflag:s6], $0x1  }
0xae: {  	[sflag:s6] =	ssyncadd.s32 @p0 $0xFFFFFFFF  }
0xaf: {  	s7 =	sshll.u32 @!p0 s1, $0xE  }
0xb0: {  	s7 =	sor.u32 @!p0 $0x4000, s7;
	s6 =	simm.s32 @!p0 $0x1B8D  }
0xb1: {  	s5 =	sshll.u32 @!p0 s5, $0x11;
	s7 =	sadd.s32 @!p0 $0x11B8D, s7;
	_ =	swait.eq @!p0 [sflag:s6], $0x1  }
0xb2: {  	s5 =	sor.u32 @!p0 s5, s7;
	[sflag:s6] =	ssyncadd.s32 @!p0 $0xFFFFFFFF  }
0xb3: {  	s25 =	simm.s32 $0x1B8E;
	s24 =	sld [smem:$0x3FFE];
	[sflag:s5] =	ssyncadd.remote.s32 @!p0 $0x1  }
0xb4: {  	s26 =	simm.s32 $execute0_lowered;
	[smem:$0x3FD2] =	sst s25  }
0xb5: {  	s6 =	sshll.u32 s26, $0x1;
	_ =	strace $0x80000049;
	[dreg:$0x1] =	wrdreg $0xFFFFFFFF  }
0xb6: {  	s28 =	simm.s32 $_size_execute0_lowered;
	s4 =	sadd.s32 s4, s6;
	[dreg:$0x0] =	wrdreg $0x0  }
0xb7: {  	s6 =	sshll.u32 s28, $0x1;
	[dreg:$0x2] =	wrdreg s4  }
0xb8: {  	[dreg:$0x3] =	wrdreg s6  }
0xb9: {  	[dreg:$0x4] =	wrdreg $0xC0  }
0xba: {  	_ =	task [dreg:s22], $0x5FFFF  }
0xbb: {  	[dreg:$0x1] =	wrdreg $0xFFFFFFFF  }
0xbc: {  	[dreg:$0x0] =	wrdreg $0x60  }
0xbd: {  	[dreg:$0x2] =	wrdreg s18  }
0xbe: {  	[dreg:$0x3] =	wrdreg s24  }
0xbf: {  	[dreg:$0x4] =	wrdreg $0xA  }
0xc0: {  	_ =	task.clear_ibuf [dreg:s22], $0x5FFFF;
	_ =	strace $0x90000049  }
0xc1: {  	s29 =	simm.s32 $0xA;
	_ =	strace $0x8000004B  }
0xc2: {  	_ =	swait.ge [sflag:s29], $0x1  }
0xc3: {  	[sflag:s29] =	ssyncadd.s32 $0xFFFFFFFF  }
0xc4: {  	_ =	strace $0x9000004B  }
0xc5: {  	_ =	sfence  }
0xc6: {  	s30 =	sld [smem:$0x0];
	_ =	sdelay $0x2  }
0xc7: {  	s31 =	sshll.u32 s1, $0xD;
	s1 =	sshrl.u32 s1, $0x2  }
0xc8: {  	s4 =	sand.u32 $0x4000, s31;
	s1 =	sadd.s32 s1, s30  }
0xc9: {  	s0 =	sor.u32 s4, s0;
	s1 =	sshll.u32 s1, $0x11  }
0xca: {  	s0 =	sor.u32 s1, s0  }
0xcb: {  	s0 =	sadd.s32 $0x8F2B, s0  }
0xcc: {  	[sflag:s0] =	ssyncadd.remote.s32 $0x1  }
0xcd: {  	_ =	sfence.sel $0xFFFF  }
0xce: {  	[dreg:$0x0] =	wrdreg $0xFFFFFFFF;
	(pc) =	sbr.abs _section_cstart, $3  }
0xcf: {  	[dreg:$0x1] =	wrdreg $0xFFFFFFFF  }
0xd0: {  	_ =	task.clear_ibuf [dreg:s22], $0x2FFFF;
	_ =	strace $0x9FFFFFFF  }
0xd1: {  	(tm) =	ssettm $0x7FFFFFFF  }
tec
execute0_lowered:
.L_overlay_start_1:
0x0: {  	(tag) =	ssettag $0x1  }
0x1: {  	s0 =	srdreg.scid;
	s2 =	rddreg [dreg:$0x0]  }
0x2: {  	s3 =	stileid.u32;
	s1 =	rddreg [dreg:$0x1]  }
0x3: {  	s14 =	simm.s32 $0x900;
	s15 =	simm.s32 $0x1100;
	s16 =	simm.s32 $0x1900  }
0x4: {  	s17 =	simm.s32 $0x2100;
	s18 =	simm.s32 $0x2900;
	s19 =	simm.s32 $0x3100  }
0x5: {  	s20 =	simm.s32 $0x3900;
	s21 =	simm.s32 $0x4100;
	s22 =	simm.s32 $0x4900  }
0x6: {  	s23 =	simm.s32 $0x5100;
	s28 =	simm.s32 $0x7100;
	s29 =	simm.s32 $0x7900  }
0x7: {  	s30 =	simm.s32 $0x8100;
	s31 =	simm.s32 $0x8900;
	s0 =	sand.u32 $0x1, s0  }
0x8: {  	s11 =	simm.s32 $0xA100;
	s4 =	sshll.u32 s3, $0x6;
	s5 =	sshll.u32 s0, $0x5  }
0x9: {  	s10 =	simm.s32 $0xB100;
	s3 =	simm.s32 $0x0;
	s4 =	sor.u32 s5, s4  }
0xa: {  	[smem:$0x7FF] =	sst s3;
	s0 =	ssub.s32 $0x2, s0;
	s5 =	smul.u32 $0x300, s4  }
0xb: {  	_ =	strace $0x8000004A;
	s7 =	sshrl.u32 s0, $0x1;
	s6 =	smul.u32 $0x1800, s4  }
0xc: {  	s4 =	sadd.s32 s4, s1;
	s1 =	sadd.s32 $0xC2200, s1;
	s0 =	ssub.s32 s0, s7  }
0xd: {  	s4 =	sadd.s32 $0xC1600, s4;
	s7 =	smax.u32 s0, $0x1;
	s8 =	sadd.s32 s1, s5  }
0xe: {  	s24 =	sshrl.u32 s6, $0x3;
	[dreg:$0x3] =	wrdreg s4;
	s5 =	sadd.s32 $0x100, s2  }
0xf: {  	s6 =	sadd.s32 $0x200, s2;
	s4 =	simm.s32 $0x2;
	[dreg:$0x7] =	wrdreg s8  }
0x10: {  	s25 =	sadd.s32 $0x1800, s8;
	s1 =	sadd.s32 s1, s24;
	s8 =	simm.s32 $0x3  }
0x11: {  	v2 =	vlaneseq.u32;
	s24 =	simm.s32 $0x5900;
	[dreg:$0x4] =	wrdreg s25;
	s26 =	sadd.s32 $0x3000, s1  }
0x12: {  	vm0 =	vmmov $0xffff;
	v1 =	vshrl.u32 v2, $0x3;
	s1 =	sadd.s32 $0x4800, s1;
	s25 =	simm.s32 $0x6100;
	[dreg:$0x5] =	wrdreg s26  }
0x13: {  	v0 =	vand.u32 $0x7, v2;
	v2 =	vor.u32 $0x8, v2;
	v1 =	vmul.u32 $0x8, v1;
	[dreg:$0x6] =	wrdreg s1;
	s26 =	simm.s32 $0x6900;
	s1 =	simm.s32 $0xC100  }
.LBB2_1:
0x14: {  	s13 =	rddreg [dreg:$0x3]  }
0x15: {  	[tilespmem:s3], [sflag:$0x3] =	stream.linear.gather [hbm4b:s13+s3], $0x100, $0x38;
	[tilespmem:$0x18100] =	vst v63  }
0x16: {  	_ =	swait.ge [sflag:s8], $0x100  }
0x17: {  	[sflag:s8] =	ssyncset.done $0x0  }
0x18: {  	[sflag:s8] =	ssyncadd.s32 $0xFFFFFF00  }
0x19: {  	v3 =	vld [tilespmem:$0x0];
	_ =	sdelay $0x4  }
0x1a: {  	v4 =	vshrl.u32 v3, $0x3  }
0x1b: {  	v4 =	vmul.u32 $0x30, v4  }
0x1c: {  	v3 =	vand.u32 $0x7, v3  }
0x1d: {  	v3 =	vor.u32 v3, v4  }
0x1e: {  	v4 =	vperm.xlane v3, v0;
	_ =	sdelay $0x1  }
0x1f: {  	v4 =	vadd.s32 v1, v4;
	_ =	sdelay $0x3  }
0x20: {  	s0 =	simm.s32 $0x100;
	v3 =	vperm.xlane v3, v2  }
0x21: {  	[tilespmem:s0], [sflag:$0x1] =	stream.indirect_vreg.gather [hbm4b:s2+s3], $0x80, v4, vm0, $0xb8;
	[tilespmem:$0x18100] =	vst v63  }
0x22: {  	v3 =	vadd.s32 v1, v3  }
0x23: {  	[tilespmem:s14], [sflag:$0x1] =	stream.indirect_vreg.gather [hbm4b:s5+s3], $0x80, v4, vm0, $0xb8;
	[tilespmem:$0x18100] =	vst v63  }
0x24: {  	_ = 	snop  }
0x25: {  	[tilespmem:s15], [sflag:$0x1] =	stream.indirect_vreg.gather [hbm4b:s6+s3], $0x80, v4, vm0, $0xb8;
	[tilespmem:$0x18100] =	vst v63  }
0x26: {  	_ = 	snop  }
0x27: {  	[tilespmem:s16], [sflag:$0x1] =	stream.indirect_vreg.gather [hbm4b:s2+s3], $0x80, v3, vm0, $0xb8;
	[tilespmem:$0x18100] =	vst v63  }
0x28: {  	_ = 	snop  }
0x29: {  	[tilespmem:s17], [sflag:$0x1] =	stream.indirect_vreg.gather [hbm4b:s5+s3], $0x80, v3, vm0, $0xb8;
	[tilespmem:$0x18100] =	vst v63  }
0x2a: {  	_ = 	snop  }
0x2b: {  	[tilespmem:s18], [sflag:$0x1] =	stream.indirect_vreg.gather [hbm4b:s6+s3], $0x80, v3, vm0, $0xb8;
	[tilespmem:$0x18100] =	vst v63  }
0x2c: {  	v3 =	vld [tilespmem:$0x10];
	_ =	sdelay $0x4  }
0x2d: {  	v49 =	vshrl.u32 v3, $0x3  }
0x2e: {  	v4 =	vmul.u32 $0x30, v49  }
0x2f: {  	v3 =	vand.u32 $0x7, v3  }
0x30: {  	v3 =	vor.u32 v3, v4  }
0x31: {  	v4 =	vperm.xlane v3, v0;
	_ =	sdelay $0x1  }
0x32: {  	v4 =	vadd.s32 v1, v4;
	_ =	sdelay $0x3  }
0x33: {  	v3 =	vperm.xlane v3, v2  }
0x34: {  	[tilespmem:s19], [sflag:$0x1] =	stream.indirect_vreg.gather [hbm4b:s2+s3], $0x80, v4, vm0, $0xb8;
	[tilespmem:$0x18100] =	vst v63  }
0x35: {  	v3 =	vadd.s32 v1, v3  }
0x36: {  	[tilespmem:s20], [sflag:$0x1] =	stream.indirect_vreg.gather [hbm4b:s5+s3], $0x80, v4, vm0, $0xb8;
	[tilespmem:$0x18100] =	vst v63  }
0x37: {  	_ = 	snop  }
0x38: {  	[tilespmem:s21], [sflag:$0x1] =	stream.indirect_vreg.gather [hbm4b:s6+s3], $0x80, v4, vm0, $0xb8;
	[tilespmem:$0x18100] =	vst v63  }
0x39: {  	_ = 	snop  }
0x3a: {  	[tilespmem:s22], [sflag:$0x1] =	stream.indirect_vreg.gather [hbm4b:s2+s3], $0x80, v3, vm0, $0xb8;
	[tilespmem:$0x18100] =	vst v63  }
0x3b: {  	_ = 	snop  }
0x3c: {  	[tilespmem:s23], [sflag:$0x1] =	stream.indirect_vreg.gather [hbm4b:s5+s3], $0x80, v3, vm0, $0xb8;
	[tilespmem:$0x18100] =	vst v63  }
0x3d: {  	_ = 	snop  }
0x3e: {  	[tilespmem:s24], [sflag:$0x1] =	stream.indirect_vreg.gather [hbm4b:s6+s3], $0x80, v3, vm0, $0xb8;
	[tilespmem:$0x18100] =	vst v63  }
0x3f: {  	v3 =	vld [tilespmem:$0x20];
	_ =	sdelay $0x4  }
0x40: {  	v50 =	vshrl.u32 v3, $0x3  }
0x41: {  	v4 =	vmul.u32 $0x30, v50  }
0x42: {  	v3 =	vand.u32 $0x7, v3  }
0x43: {  	v3 =	vor.u32 v3, v4  }
0x44: {  	v4 =	vperm.xlane v3, v0;
	_ =	sdelay $0x1  }
0x45: {  	v4 =	vadd.s32 v1, v4;
	_ =	sdelay $0x3  }
0x46: {  	v3 =	vperm.xlane v3, v2  }
0x47: {  	[tilespmem:s25], [sflag:$0x1] =	stream.indirect_vreg.gather [hbm4b:s2+s3], $0x80, v4, vm0, $0xb8;
	[tilespmem:$0x18100] =	vst v63  }
0x48: {  	v3 =	vadd.s32 v1, v3  }
0x49: {  	[tilespmem:s26], [sflag:$0x1] =	stream.indirect_vreg.gather [hbm4b:s5+s3], $0x80, v4, vm0, $0xb8;
	[tilespmem:$0x18100] =	vst v63  }
0x4a: {  	_ = 	snop  }
0x4b: {  	[tilespmem:s28], [sflag:$0x1] =	stream.indirect_vreg.gather [hbm4b:s6+s3], $0x80, v4, vm0, $0xb8;
	[tilespmem:$0x18100] =	vst v63  }
0x4c: {  	_ = 	snop  }
0x4d: {  	[tilespmem:s29], [sflag:$0x1] =	stream.indirect_vreg.gather [hbm4b:s2+s3], $0x80, v3, vm0, $0xb8;
	[tilespmem:$0x18100] =	vst v63  }
0x4e: {  	_ = 	snop  }
0x4f: {  	[tilespmem:s30], [sflag:$0x1] =	stream.indirect_vreg.gather [hbm4b:s5+s3], $0x80, v3, vm0, $0xb8;
	[tilespmem:$0x18100] =	vst v63  }
0x50: {  	_ = 	snop  }
0x51: {  	[tilespmem:s31], [sflag:$0x1] =	stream.indirect_vreg.gather [hbm4b:s6+s3], $0x80, v3, vm0, $0xb8;
	[tilespmem:$0x18100] =	vst v63  }
0x52: {  	v3 =	vld [tilespmem:$0x30];
	_ =	sdelay $0x4  }
0x53: {  	v51 =	vshrl.u32 v3, $0x3  }
0x54: {  	v4 =	vmul.u32 $0x30, v51  }
0x55: {  	v3 =	vand.u32 $0x7, v3  }
0x56: {  	v3 =	vor.u32 v3, v4  }
0x57: {  	v4 =	vperm.xlane v3, v0;
	_ =	sdelay $0x1  }
0x58: {  	v4 =	vadd.s32 v1, v4;
	_ =	sdelay $0x3  }
0x59: {  	s13 =	simm.s32 $0x9100;
	v3 =	vperm.xlane v3, v2  }
0x5a: {  	[tilespmem:s13], [sflag:$0x1] =	stream.indirect_vreg.gather [hbm4b:s2+s3], $0x80, v4, vm0, $0xb8;
	[tilespmem:$0x18100] =	vst v63  }
0x5b: {  	s9 =	simm.s32 $0x9900;
	v3 =	vadd.s32 v1, v3  }
0x5c: {  	[tilespmem:s9], [sflag:$0x1] =	stream.indirect_vreg.gather [hbm4b:s5+s3], $0x80, v4, vm0, $0xb8;
	[tilespmem:$0x18100] =	vst v63  }
0x5d: {  	_ = 	snop  }
0x5e: {  	[tilespmem:s11], [sflag:$0x1] =	stream.indirect_vreg.gather [hbm4b:s6+s3], $0x80, v4, vm0, $0xb8;
	[tilespmem:$0x18100] =	vst v63  }
0x5f: {  	s9 =	simm.s32 $0xA900  }
0x60: {  	[tilespmem:s9], [sflag:$0x1] =	stream.indirect_vreg.gather [hbm4b:s2+s3], $0x80, v3, vm0, $0xb8;
	[tilespmem:$0x18100] =	vst v63  }
0x61: {  	_ = 	snop  }
0x62: {  	[tilespmem:s10], [sflag:$0x1] =	stream.indirect_vreg.gather [hbm4b:s5+s3], $0x80, v3, vm0, $0xb8;
	[tilespmem:$0x18100] =	vst v63  }
0x63: {  	s12 =	simm.s32 $0xB900;
	s0 =	simm.s32 $0x1  }
0x64: {  	[tilespmem:s12], [sflag:$0x1] =	stream.indirect_vreg.gather [hbm4b:s6+s3], $0x80, v3, vm0, $0xb8;
	[tilespmem:$0x18100] =	vst v63  }
0x65: {  	_ =	swait.ge [sflag:s0], $0xC000  }
0x66: {  	[sflag:s0] =	ssyncset.done $0x0  }
0x67: {  	[sflag:s0] =	ssyncadd.s32 $0xFFFF4000  }
0x68: {  	v3 =	vld [tilespmem:$0x40];
	_ =	sdelay $0x4  }
0x69: {  	v52 =	vshrl.u32 v3, $0x3  }
0x6a: {  	v4 =	vmul.u32 $0x30, v52  }
0x6b: {  	v3 =	vand.u32 $0x7, v3  }
0x6c: {  	v3 =	vor.u32 v3, v4  }
0x6d: {  	v4 =	vperm.xlane v3, v0;
	_ =	sdelay $0x1  }
0x6e: {  	v4 =	vadd.s32 v1, v4;
	_ =	sdelay $0x3  }
0x6f: {  	v3 =	vperm.xlane v3, v2  }
0x70: {  	[tilespmem:s1], [sflag:$0x2] =	stream.indirect_vreg.gather [hbm4b:s2+s3], $0x80, v4, vm0, $0xb8;
	[tilespmem:$0x18100] =	vst v63  }
0x71: {  	s12 =	simm.s32 $0xC900;
	v3 =	vadd.s32 v1, v3  }
0x72: {  	[tilespmem:s12], [sflag:$0x2] =	stream.indirect_vreg.gather [hbm4b:s5+s3], $0x80, v4, vm0, $0xb8;
	[tilespmem:$0x18100] =	vst v63  }
0x73: {  	s13 =	simm.s32 $0xD100  }
0x74: {  	[tilespmem:s13], [sflag:$0x2] =	stream.indirect_vreg.gather [hbm4b:s6+s3], $0x80, v4, vm0, $0xb8;
	[tilespmem:$0x18100] =	vst v63  }
0x75: {  	s13 =	simm.s32 $0xD900  }
0x76: {  	[tilespmem:s13], [sflag:$0x2] =	stream.indirect_vreg.gather [hbm4b:s2+s3], $0x80, v3, vm0, $0xb8;
	[tilespmem:$0x18100] =	vst v63  }
0x77: {  	s13 =	simm.s32 $0xE100  }
0x78: {  	[tilespmem:s13], [sflag:$0x2] =	stream.indirect_vreg.gather [hbm4b:s5+s3], $0x80, v3, vm0, $0xb8;
	[tilespmem:$0x18100] =	vst v63  }
0x79: {  	s13 =	simm.s32 $0xE900  }
0x7a: {  	[tilespmem:s13], [sflag:$0x2] =	stream.indirect_vreg.gather [hbm4b:s6+s3], $0x80, v3, vm0, $0xb8;
	[tilespmem:$0x18100] =	vst v63  }
0x7b: {  	v3 =	vld [tilespmem:$0x50];
	_ =	sdelay $0x4  }
0x7c: {  	v53 =	vshrl.u32 v3, $0x3  }
0x7d: {  	v4 =	vmul.u32 $0x30, v53  }
0x7e: {  	v3 =	vand.u32 $0x7, v3  }
0x7f: {  	v3 =	vor.u32 v3, v4  }
0x80: {  	v4 =	vperm.xlane v3, v0;
	_ =	sdelay $0x1  }
0x81: {  	v4 =	vadd.s32 v1, v4;
	_ =	sdelay $0x3  }
0x82: {  	s13 =	simm.s32 $0xF100;
	v3 =	vperm.xlane v3, v2  }
0x83: {  	[tilespmem:s13], [sflag:$0x2] =	stream.indirect_vreg.gather [hbm4b:s2+s3], $0x80, v4, vm0, $0xb8;
	[tilespmem:$0x18100] =	vst v63  }
0x84: {  	v3 =	vadd.s32 v1, v3;
	s13 =	simm.s32 $0xF900  }
0x85: {  	[tilespmem:s13], [sflag:$0x2] =	stream.indirect_vreg.gather [hbm4b:s5+s3], $0x80, v4, vm0, $0xb8;
	[tilespmem:$0x18100] =	vst v63  }
0x86: {  	s13 =	simm.s32 $0x10100  }
0x87: {  	[tilespmem:s13], [sflag:$0x2] =	stream.indirect_vreg.gather [hbm4b:s6+s3], $0x80, v4, vm0, $0xb8;
	[tilespmem:$0x18100] =	vst v63  }
0x88: {  	s13 =	simm.s32 $0x10900  }
0x89: {  	[tilespmem:s13], [sflag:$0x2] =	stream.indirect_vreg.gather [hbm4b:s2+s3], $0x80, v3, vm0, $0xb8;
	[tilespmem:$0x18100] =	vst v63  }
0x8a: {  	s13 =	simm.s32 $0x11100  }
0x8b: {  	[tilespmem:s13], [sflag:$0x2] =	stream.indirect_vreg.gather [hbm4b:s5+s3], $0x80, v3, vm0, $0xb8;
	[tilespmem:$0x18100] =	vst v63  }
0x8c: {  	s13 =	simm.s32 $0x11900  }
0x8d: {  	[tilespmem:s13], [sflag:$0x2] =	stream.indirect_vreg.gather [hbm4b:s6+s3], $0x80, v3, vm0, $0xb8;
	[tilespmem:$0x18100] =	vst v63  }
0x8e: {  	v3 =	vld [tilespmem:$0x60];
	_ =	sdelay $0x4  }
0x8f: {  	v54 =	vshrl.u32 v3, $0x3  }
0x90: {  	v4 =	vmul.u32 $0x30, v54  }
0x91: {  	v3 =	vand.u32 $0x7, v3  }
0x92: {  	v3 =	vor.u32 v3, v4  }
0x93: {  	v4 =	vperm.xlane v3, v0;
	_ =	sdelay $0x1  }
0x94: {  	v4 =	vadd.s32 v1, v4;
	_ =	sdelay $0x3  }
0x95: {  	s13 =	simm.s32 $0x12100;
	v3 =	vperm.xlane v3, v2  }
0x96: {  	[tilespmem:s13], [sflag:$0x2] =	stream.indirect_vreg.gather [hbm4b:s2+s3], $0x80, v4, vm0, $0xb8;
	[tilespmem:$0x18100] =	vst v63  }
0x97: {  	v3 =	vadd.s32 v1, v3;
	s13 =	simm.s32 $0x12900  }
0x98: {  	[tilespmem:s13], [sflag:$0x2] =	stream.indirect_vreg.gather [hbm4b:s5+s3], $0x80, v4, vm0, $0xb8;
	[tilespmem:$0x18100] =	vst v63  }
0x99: {  	s13 =	simm.s32 $0x13100  }
0x9a: {  	[tilespmem:s13], [sflag:$0x2] =	stream.indirect_vreg.gather [hbm4b:s6+s3], $0x80, v4, vm0, $0xb8;
	[tilespmem:$0x18100] =	vst v63  }
0x9b: {  	s13 =	simm.s32 $0x13900  }
0x9c: {  	[tilespmem:s13], [sflag:$0x2] =	stream.indirect_vreg.gather [hbm4b:s2+s3], $0x80, v3, vm0, $0xb8;
	[tilespmem:$0x18100] =	vst v63  }
0x9d: {  	s13 =	simm.s32 $0x14100  }
0x9e: {  	[tilespmem:s13], [sflag:$0x2] =	stream.indirect_vreg.gather [hbm4b:s5+s3], $0x80, v3, vm0, $0xb8;
	[tilespmem:$0x18100] =	vst v63  }
0x9f: {  	s13 =	simm.s32 $0x14900  }
0xa0: {  	[tilespmem:s13], [sflag:$0x2] =	stream.indirect_vreg.gather [hbm4b:s6+s3], $0x80, v3, vm0, $0xb8;
	[tilespmem:$0x18100] =	vst v63  }
0xa1: {  	v3 =	vld [tilespmem:$0x70];
	_ =	sdelay $0x4  }
0xa2: {  	v55 =	vshrl.u32 v3, $0x3  }
0xa3: {  	v4 =	vmul.u32 $0x30, v55  }
0xa4: {  	v3 =	vand.u32 $0x7, v3  }
0xa5: {  	v3 =	vor.u32 v3, v4  }
0xa6: {  	v4 =	vperm.xlane v3, v0;
	_ =	sdelay $0x1  }
0xa7: {  	v4 =	vadd.s32 v1, v4;
	_ =	sdelay $0x3  }
0xa8: {  	s13 =	simm.s32 $0x15100;
	v3 =	vperm.xlane v3, v2  }
0xa9: {  	[tilespmem:s13], [sflag:$0x2] =	stream.indirect_vreg.gather [hbm4b:s2+s3], $0x80, v4, vm0, $0xb8;
	[tilespmem:$0x18100] =	vst v63  }
0xaa: {  	v3 =	vadd.s32 v1, v3;
	s13 =	simm.s32 $0x15900  }
0xab: {  	[tilespmem:s13], [sflag:$0x2] =	stream.indirect_vreg.gather [hbm4b:s5+s3], $0x80, v4, vm0, $0xb8;
	[tilespmem:$0x18100] =	vst v63  }
0xac: {  	s13 =	simm.s32 $0x16100  }
0xad: {  	[tilespmem:s13], [sflag:$0x2] =	stream.indirect_vreg.gather [hbm4b:s6+s3], $0x80, v4, vm0, $0xb8;
	[tilespmem:$0x18100] =	vst v63  }
0xae: {  	s13 =	simm.s32 $0x16900  }
0xaf: {  	[tilespmem:s13], [sflag:$0x2] =	stream.indirect_vreg.gather [hbm4b:s2+s3], $0x80, v3, vm0, $0xb8;
	[tilespmem:$0x18100] =	vst v63  }
0xb0: {  	s13 =	simm.s32 $0x17100  }
0xb1: {  	[tilespmem:s13], [sflag:$0x2] =	stream.indirect_vreg.gather [hbm4b:s5+s3], $0x80, v3, vm0, $0xb8;
	[tilespmem:$0x18100] =	vst v63  }
0xb2: {  	s13 =	simm.s32 $0x17900  }
0xb3: {  	[tilespmem:s13], [sflag:$0x2] =	stream.indirect_vreg.gather [hbm4b:s6+s3], $0x80, v3, vm0, $0xb8;
	[tilespmem:$0x18100] =	vst v63  }
0xb4: {  	s12 =	simm.s32 $0x100;
	s13 =	rddreg [dreg:$0x7]  }
0xb5: {  	[hbm4b:s13+s3] =	stream.linear.scatter [tilespmem:s12], [sflag:$0x3], $0xC000, $0x38;
	[tilespmem:$0x18100] =	vst v63  }
0xb6: {  	_ =	swait.ge [sflag:s8], $0xC000  }
0xb7: {  	[sflag:s8] =	ssyncset.done $0x0  }
0xb8: {  	[sflag:s8] =	ssyncadd.s32 $0xFFFF4000  }
0xb9: {  	_ =	swait.ge [sflag:s4], $0xC000  }
0xba: {  	[sflag:s4] =	ssyncset.done $0x0  }
0xbb: {  	[sflag:s4] =	ssyncadd.s32 $0xFFFF4000  }
0xbc: {  	v3 =	vld [tilespmem:$0x80];
	_ =	sdelay $0x4  }
0xbd: {  	v56 =	vshrl.u32 v3, $0x3  }
0xbe: {  	v4 =	vmul.u32 $0x30, v56  }
0xbf: {  	v3 =	vand.u32 $0x7, v3  }
0xc0: {  	v3 =	vor.u32 v3, v4  }
0xc1: {  	v4 =	vperm.xlane v3, v0;
	_ =	sdelay $0x1  }
0xc2: {  	v4 =	vadd.s32 v1, v4;
	_ =	sdelay $0x3  }
0xc3: {  	v3 =	vperm.xlane v3, v2  }
0xc4: {  	[tilespmem:s12], [sflag:$0x1] =	stream.indirect_vreg.gather [hbm4b:s2+s3], $0x80, v4, vm0, $0xb8;
	[tilespmem:$0x18100] =	vst v63  }
0xc5: {  	v3 =	vadd.s32 v1, v3  }
0xc6: {  	[tilespmem:s14], [sflag:$0x1] =	stream.indirect_vreg.gather [hbm4b:s5+s3], $0x80, v4, vm0, $0xb8;
	[tilespmem:$0x18100] =	vst v63  }
0xc7: {  	_ = 	snop  }
0xc8: {  	[tilespmem:s15], [sflag:$0x1] =	stream.indirect_vreg.gather [hbm4b:s6+s3], $0x80, v4, vm0, $0xb8;
	[tilespmem:$0x18100] =	vst v63  }
0xc9: {  	_ = 	snop  }
0xca: {  	[tilespmem:s16], [sflag:$0x1] =	stream.indirect_vreg.gather [hbm4b:s2+s3], $0x80, v3, vm0, $0xb8;
	[tilespmem:$0x18100] =	vst v63  }
0xcb: {  	_ = 	snop  }
0xcc: {  	[tilespmem:s17], [sflag:$0x1] =	stream.indirect_vreg.gather [hbm4b:s5+s3], $0x80, v3, vm0, $0xb8;
	[tilespmem:$0x18100] =	vst v63  }
0xcd: {  	_ = 	snop  }
0xce: {  	[tilespmem:s18], [sflag:$0x1] =	stream.indirect_vreg.gather [hbm4b:s6+s3], $0x80, v3, vm0, $0xb8;
	[tilespmem:$0x18100] =	vst v63  }
0xcf: {  	v3 =	vld [tilespmem:$0x90];
	_ =	sdelay $0x4  }
0xd0: {  	v57 =	vshrl.u32 v3, $0x3  }
0xd1: {  	v4 =	vmul.u32 $0x30, v57  }
0xd2: {  	v3 =	vand.u32 $0x7, v3  }
0xd3: {  	v3 =	vor.u32 v3, v4  }
0xd4: {  	v4 =	vperm.xlane v3, v0;
	_ =	sdelay $0x1  }
0xd5: {  	v4 =	vadd.s32 v1, v4;
	_ =	sdelay $0x3  }
0xd6: {  	v3 =	vperm.xlane v3, v2  }
0xd7: {  	[tilespmem:s19], [sflag:$0x1] =	stream.indirect_vreg.gather [hbm4b:s2+s3], $0x80, v4, vm0, $0xb8;
	[tilespmem:$0x18100] =	vst v63  }
0xd8: {  	v3 =	vadd.s32 v1, v3  }
0xd9: {  	[tilespmem:s20], [sflag:$0x1] =	stream.indirect_vreg.gather [hbm4b:s5+s3], $0x80, v4, vm0, $0xb8;
	[tilespmem:$0x18100] =	vst v63  }
0xda: {  	_ = 	snop  }
0xdb: {  	[tilespmem:s21], [sflag:$0x1] =	stream.indirect_vreg.gather [hbm4b:s6+s3], $0x80, v4, vm0, $0xb8;
	[tilespmem:$0x18100] =	vst v63  }
0xdc: {  	_ = 	snop  }
0xdd: {  	[tilespmem:s22], [sflag:$0x1] =	stream.indirect_vreg.gather [hbm4b:s2+s3], $0x80, v3, vm0, $0xb8;
	[tilespmem:$0x18100] =	vst v63  }
0xde: {  	_ = 	snop  }
0xdf: {  	[tilespmem:s23], [sflag:$0x1] =	stream.indirect_vreg.gather [hbm4b:s5+s3], $0x80, v3, vm0, $0xb8;
	[tilespmem:$0x18100] =	vst v63  }
0xe0: {  	_ = 	snop  }
0xe1: {  	[tilespmem:s24], [sflag:$0x1] =	stream.indirect_vreg.gather [hbm4b:s6+s3], $0x80, v3, vm0, $0xb8;
	[tilespmem:$0x18100] =	vst v63  }
0xe2: {  	v3 =	vld [tilespmem:$0xA0];
	_ =	sdelay $0x4  }
0xe3: {  	v58 =	vshrl.u32 v3, $0x3  }
0xe4: {  	v4 =	vmul.u32 $0x30, v58  }
0xe5: {  	v3 =	vand.u32 $0x7, v3  }
0xe6: {  	v3 =	vor.u32 v3, v4  }
0xe7: {  	v4 =	vperm.xlane v3, v0;
	_ =	sdelay $0x1  }
0xe8: {  	v4 =	vadd.s32 v1, v4;
	_ =	sdelay $0x3  }
0xe9: {  	v3 =	vperm.xlane v3, v2  }
0xea: {  	[tilespmem:s25], [sflag:$0x1] =	stream.indirect_vreg.gather [hbm4b:s2+s3], $0x80, v4, vm0, $0xb8;
	[tilespmem:$0x18100] =	vst v63  }
0xeb: {  	v3 =	vadd.s32 v1, v3  }
0xec: {  	[tilespmem:s26], [sflag:$0x1] =	stream.indirect_vreg.gather [hbm4b:s5+s3], $0x80, v4, vm0, $0xb8;
	[tilespmem:$0x18100] =	vst v63  }
0xed: {  	_ = 	snop  }
0xee: {  	[tilespmem:s28], [sflag:$0x1] =	stream.indirect_vreg.gather [hbm4b:s6+s3], $0x80, v4, vm0, $0xb8;
	[tilespmem:$0x18100] =	vst v63  }
0xef: {  	_ = 	snop  }
0xf0: {  	[tilespmem:s29], [sflag:$0x1] =	stream.indirect_vreg.gather [hbm4b:s2+s3], $0x80, v3, vm0, $0xb8;
	[tilespmem:$0x18100] =	vst v63  }
0xf1: {  	_ = 	snop  }
0xf2: {  	[tilespmem:s30], [sflag:$0x1] =	stream.indirect_vreg.gather [hbm4b:s5+s3], $0x80, v3, vm0, $0xb8;
	[tilespmem:$0x18100] =	vst v63  }
0xf3: {  	_ = 	snop  }
0xf4: {  	[tilespmem:s31], [sflag:$0x1] =	stream.indirect_vreg.gather [hbm4b:s6+s3], $0x80, v3, vm0, $0xb8;
	[tilespmem:$0x18100] =	vst v63  }
0xf5: {  	v3 =	vld [tilespmem:$0xB0];
	_ =	sdelay $0x4  }
0xf6: {  	v59 =	vshrl.u32 v3, $0x3  }
0xf7: {  	v4 =	vmul.u32 $0x30, v59  }
0xf8: {  	v3 =	vand.u32 $0x7, v3  }
0xf9: {  	v3 =	vor.u32 v3, v4  }
0xfa: {  	v4 =	vperm.xlane v3, v0;
	_ =	sdelay $0x1  }
0xfb: {  	v4 =	vadd.s32 v1, v4;
	_ =	sdelay $0x3  }
0xfc: {  	s13 =	simm.s32 $0x9100;
	v3 =	vperm.xlane v3, v2  }
0xfd: {  	[tilespmem:s13], [sflag:$0x1] =	stream.indirect_vreg.gather [hbm4b:s2+s3], $0x80, v4, vm0, $0xb8;
	[tilespmem:$0x18100] =	vst v63  }
0xfe: {  	v3 =	vadd.s32 v1, v3;
	s13 =	simm.s32 $0x9900  }
0xff: {  	[tilespmem:s13], [sflag:$0x1] =	stream.indirect_vreg.gather [hbm4b:s5+s3], $0x80, v4, vm0, $0xb8;
	[tilespmem:$0x18100] =	vst v63  }
0x100: {  	_ = 	snop  }
0x101: {  	[tilespmem:s11], [sflag:$0x1] =	stream.indirect_vreg.gather [hbm4b:s6+s3], $0x80, v4, vm0, $0xb8;
	[tilespmem:$0x18100] =	vst v63  }
0x102: {  	_ = 	snop  }
0x103: {  	[tilespmem:s9], [sflag:$0x1] =	stream.indirect_vreg.gather [hbm4b:s2+s3], $0x80, v3, vm0, $0xb8;
	[tilespmem:$0x18100] =	vst v63  }
0x104: {  	_ = 	snop  }
0x105: {  	[tilespmem:s10], [sflag:$0x1] =	stream.indirect_vreg.gather [hbm4b:s5+s3], $0x80, v3, vm0, $0xb8;
	[tilespmem:$0x18100] =	vst v63  }
0x106: {  	s12 =	simm.s32 $0xB900  }
0x107: {  	[tilespmem:s12], [sflag:$0x1] =	stream.indirect_vreg.gather [hbm4b:s6+s3], $0x80, v3, vm0, $0xb8;
	[tilespmem:$0x18100] =	vst v63  }
0x108: {  	s13 =	rddreg [dreg:$0x4]  }
0x109: {  	[hbm4b:s13+s3] =	stream.linear.scatter [tilespmem:s1], [sflag:$0x3], $0xC000, $0x38;
	[tilespmem:$0x18100] =	vst v63  }
0x10a: {  	_ =	swait.ge [sflag:s8], $0xC000  }
0x10b: {  	[sflag:s8] =	ssyncset.done $0x0  }
0x10c: {  	[sflag:s8] =	ssyncadd.s32 $0xFFFF4000  }
0x10d: {  	_ =	swait.ge [sflag:s0], $0xC000  }
0x10e: {  	[sflag:s0] =	ssyncset.done $0x0  }
0x10f: {  	[sflag:s0] =	ssyncadd.s32 $0xFFFF4000  }
0x110: {  	v3 =	vld [tilespmem:$0xC0];
	_ =	sdelay $0x4  }
0x111: {  	v60 =	vshrl.u32 v3, $0x3  }
0x112: {  	v4 =	vmul.u32 $0x30, v60  }
0x113: {  	v3 =	vand.u32 $0x7, v3  }
0x114: {  	v3 =	vor.u32 v3, v4  }
0x115: {  	v4 =	vperm.xlane v3, v0;
	_ =	sdelay $0x1  }
0x116: {  	v4 =	vadd.s32 v1, v4;
	_ =	sdelay $0x3  }
0x117: {  	v3 =	vperm.xlane v3, v2  }
0x118: {  	[tilespmem:s1], [sflag:$0x2] =	stream.indirect_vreg.gather [hbm4b:s2+s3], $0x80, v4, vm0, $0xb8;
	[tilespmem:$0x18100] =	vst v63  }
0x119: {  	s9 =	simm.s32 $0xC900;
	v3 =	vadd.s32 v1, v3  }
0x11a: {  	[tilespmem:s9], [sflag:$0x2] =	stream.indirect_vreg.gather [hbm4b:s5+s3], $0x80, v4, vm0, $0xb8;
	[tilespmem:$0x18100] =	vst v63  }
0x11b: {  	s12 =	simm.s32 $0xD100  }
0x11c: {  	[tilespmem:s12], [sflag:$0x2] =	stream.indirect_vreg.gather [hbm4b:s6+s3], $0x80, v4, vm0, $0xb8;
	[tilespmem:$0x18100] =	vst v63  }
0x11d: {  	s13 =	simm.s32 $0xD900  }
0x11e: {  	[tilespmem:s13], [sflag:$0x2] =	stream.indirect_vreg.gather [hbm4b:s2+s3], $0x80, v3, vm0, $0xb8;
	[tilespmem:$0x18100] =	vst v63  }
0x11f: {  	s9 =	simm.s32 $0xE100  }
0x120: {  	[tilespmem:s9], [sflag:$0x2] =	stream.indirect_vreg.gather [hbm4b:s5+s3], $0x80, v3, vm0, $0xb8;
	[tilespmem:$0x18100] =	vst v63  }
0x121: {  	s12 =	simm.s32 $0xE900  }
0x122: {  	[tilespmem:s12], [sflag:$0x2] =	stream.indirect_vreg.gather [hbm4b:s6+s3], $0x80, v3, vm0, $0xb8;
	[tilespmem:$0x18100] =	vst v63  }
0x123: {  	v3 =	vld [tilespmem:$0xD0];
	_ =	sdelay $0x4  }
0x124: {  	v61 =	vshrl.u32 v3, $0x3  }
0x125: {  	v4 =	vmul.u32 $0x30, v61  }
0x126: {  	v3 =	vand.u32 $0x7, v3  }
0x127: {  	v3 =	vor.u32 v3, v4  }
0x128: {  	v4 =	vperm.xlane v3, v0;
	_ =	sdelay $0x1  }
0x129: {  	v4 =	vadd.s32 v1, v4;
	_ =	sdelay $0x3  }
0x12a: {  	s13 =	simm.s32 $0xF100;
	v3 =	vperm.xlane v3, v2  }
0x12b: {  	[tilespmem:s13], [sflag:$0x2] =	stream.indirect_vreg.gather [hbm4b:s2+s3], $0x80, v4, vm0, $0xb8;
	[tilespmem:$0x18100] =	vst v63  }
0x12c: {  	s9 =	simm.s32 $0xF900;
	v3 =	vadd.s32 v1, v3  }
0x12d: {  	[tilespmem:s9], [sflag:$0x2] =	stream.indirect_vreg.gather [hbm4b:s5+s3], $0x80, v4, vm0, $0xb8;
	[tilespmem:$0x18100] =	vst v63  }
0x12e: {  	s12 =	simm.s32 $0x10100  }
0x12f: {  	[tilespmem:s12], [sflag:$0x2] =	stream.indirect_vreg.gather [hbm4b:s6+s3], $0x80, v4, vm0, $0xb8;
	[tilespmem:$0x18100] =	vst v63  }
0x130: {  	s13 =	simm.s32 $0x10900  }
0x131: {  	[tilespmem:s13], [sflag:$0x2] =	stream.indirect_vreg.gather [hbm4b:s2+s3], $0x80, v3, vm0, $0xb8;
	[tilespmem:$0x18100] =	vst v63  }
0x132: {  	s9 =	simm.s32 $0x11100  }
0x133: {  	[tilespmem:s9], [sflag:$0x2] =	stream.indirect_vreg.gather [hbm4b:s5+s3], $0x80, v3, vm0, $0xb8;
	[tilespmem:$0x18100] =	vst v63  }
0x134: {  	s12 =	simm.s32 $0x11900  }
0x135: {  	[tilespmem:s12], [sflag:$0x2] =	stream.indirect_vreg.gather [hbm4b:s6+s3], $0x80, v3, vm0, $0xb8;
	[tilespmem:$0x18100] =	vst v63  }
0x136: {  	v3 =	vld [tilespmem:$0xE0];
	_ =	sdelay $0x4  }
0x137: {  	v62 =	vshrl.u32 v3, $0x3  }
0x138: {  	v4 =	vmul.u32 $0x30, v62  }
0x139: {  	v3 =	vand.u32 $0x7, v3  }
0x13a: {  	v3 =	vor.u32 v3, v4  }
0x13b: {  	v4 =	vperm.xlane v3, v0;
	_ =	sdelay $0x1  }
0x13c: {  	v4 =	vadd.s32 v1, v4;
	_ =	sdelay $0x3  }
0x13d: {  	s13 =	simm.s32 $0x12100;
	v3 =	vperm.xlane v3, v2  }
0x13e: {  	[tilespmem:s13], [sflag:$0x2] =	stream.indirect_vreg.gather [hbm4b:s2+s3], $0x80, v4, vm0, $0xb8;
	[tilespmem:$0x18100] =	vst v63  }
0x13f: {  	s9 =	simm.s32 $0x12900;
	v3 =	vadd.s32 v1, v3  }
0x140: {  	[tilespmem:s9], [sflag:$0x2] =	stream.indirect_vreg.gather [hbm4b:s5+s3], $0x80, v4, vm0, $0xb8;
	[tilespmem:$0x18100] =	vst v63  }
0x141: {  	s12 =	simm.s32 $0x13100  }
0x142: {  	[tilespmem:s12], [sflag:$0x2] =	stream.indirect_vreg.gather [hbm4b:s6+s3], $0x80, v4, vm0, $0xb8;
	[tilespmem:$0x18100] =	vst v63  }
0x143: {  	s13 =	simm.s32 $0x13900  }
0x144: {  	[tilespmem:s13], [sflag:$0x2] =	stream.indirect_vreg.gather [hbm4b:s2+s3], $0x80, v3, vm0, $0xb8;
	[tilespmem:$0x18100] =	vst v63  }
0x145: {  	s9 =	simm.s32 $0x14100  }
0x146: {  	[tilespmem:s9], [sflag:$0x2] =	stream.indirect_vreg.gather [hbm4b:s5+s3], $0x80, v3, vm0, $0xb8;
	[tilespmem:$0x18100] =	vst v63  }
0x147: {  	s12 =	simm.s32 $0x14900  }
0x148: {  	[tilespmem:s12], [sflag:$0x2] =	stream.indirect_vreg.gather [hbm4b:s6+s3], $0x80, v3, vm0, $0xb8;
	[tilespmem:$0x18100] =	vst v63  }
0x149: {  	v3 =	vld [tilespmem:$0xF0];
	_ =	sdelay $0x4  }
0x14a: {  	v63 =	vshrl.u32 v3, $0x3  }
0x14b: {  	v4 =	vmul.u32 $0x30, v63  }
0x14c: {  	v3 =	vand.u32 $0x7, v3  }
0x14d: {  	v3 =	vor.u32 v3, v4  }
0x14e: {  	v4 =	vperm.xlane v3, v0;
	_ =	sdelay $0x1  }
0x14f: {  	v4 =	vadd.s32 v1, v4;
	_ =	sdelay $0x3  }
0x150: {  	s13 =	simm.s32 $0x15100;
	v3 =	vperm.xlane v3, v2  }
0x151: {  	[tilespmem:s13], [sflag:$0x2] =	stream.indirect_vreg.gather [hbm4b:s2+s3], $0x80, v4, vm0, $0xb8;
	[tilespmem:$0x18100] =	vst v63  }
0x152: {  	s9 =	simm.s32 $0x15900;
	v3 =	vadd.s32 v1, v3  }
0x153: {  	[tilespmem:s9], [sflag:$0x2] =	stream.indirect_vreg.gather [hbm4b:s5+s3], $0x80, v4, vm0, $0xb8;
	[tilespmem:$0x18100] =	vst v63  }
0x154: {  	s12 =	simm.s32 $0x16100  }
0x155: {  	[tilespmem:s12], [sflag:$0x2] =	stream.indirect_vreg.gather [hbm4b:s6+s3], $0x80, v4, vm0, $0xb8;
	[tilespmem:$0x18100] =	vst v63  }
0x156: {  	s13 =	simm.s32 $0x16900  }
0x157: {  	[tilespmem:s13], [sflag:$0x2] =	stream.indirect_vreg.gather [hbm4b:s2+s3], $0x80, v3, vm0, $0xb8;
	[tilespmem:$0x18100] =	vst v63  }
0x158: {  	s9 =	simm.s32 $0x17100  }
0x159: {  	[tilespmem:s9], [sflag:$0x2] =	stream.indirect_vreg.gather [hbm4b:s5+s3], $0x80, v3, vm0, $0xb8;
	[tilespmem:$0x18100] =	vst v63  }
0x15a: {  	s12 =	simm.s32 $0x17900  }
0x15b: {  	[tilespmem:s12], [sflag:$0x2] =	stream.indirect_vreg.gather [hbm4b:s6+s3], $0x80, v3, vm0, $0xb8;
	[tilespmem:$0x18100] =	vst v63  }
0x15c: {  	s13 =	rddreg [dreg:$0x5];
	s9 =	simm.s32 $0x100  }
0x15d: {  	[hbm4b:s13+s3] =	stream.linear.scatter [tilespmem:s9], [sflag:$0x3], $0xC000, $0x38;
	[tilespmem:$0x18100] =	vst v63  }
0x15e: {  	_ =	swait.ge [sflag:s8], $0xC000  }
0x15f: {  	[sflag:s8] =	ssyncset.done $0x0  }
0x160: {  	[sflag:s8] =	ssyncadd.s32 $0xFFFF4000  }
0x161: {  	_ =	swait.ge [sflag:s4], $0xC000  }
0x162: {  	p0 =	sne.s32 s7, $0x1;
	[sflag:s4] =	ssyncset.done $0x0  }
.Ltmp0:
0x163: {  	s12 =	rddreg [dreg:$0x6];
	[sflag:s4] =	ssyncadd.s32 $0xFFFF4000;
	(pc) =	sbr.rel @p0 .LBB2_1-.Ltmp0, $4  }
0x164: {  	[hbm4b:s12+s3] =	stream.linear.scatter [tilespmem:s1], [sflag:$0x3], $0xC000, $0x38;
	[tilespmem:$0x18100] =	vst v63  }
0x165: {  	_ =	swait.ge [sflag:s8], $0xC000  }
0x166: {  	[sflag:s8] =	ssyncset.done $0x0  }
0x167: {  	s7 =	sadd.s32 $0xFFFFFFFF, s7;
	[sflag:s8] =	ssyncadd.s32 $0xFFFF4000  }
0x168: {  	_ =	sfence.sel $0x180000  }
0x169: {  	[bflag:$0x0] =	sbarrier.arrive $0xFFFF  }
0x16a: {  	_ =	strace $0x9000004A  }
0x16b: {  	s0 =	stileid.u32;
	[bflag:$0x2] =	sbarrier.arrive $0xFFFF  }
0x16c: {  	p0 =	sne.s32 s0, $0x0;
	s0 =	rddreg [dreg:$0x2]  }
0x16d: {  	s0 =	sadd.s32 @!p0 $0x100000, s0  }
0x16e: {  	[sflag:s0] =	ssyncadd.tile.s32 @!p0 $0x1;
	_ =	shalt  }
.Lfunc_end2:
_tile_overlayer_lowered:
.L_overlay_start_2:
0x16f: {  	(tag) =	ssettag $0x2  }
0x170: {  	s0 =	rddreg [dreg:$0x0];
	s2 =	stileid.u32  }
0x171: {  	s1 =	rddreg [dreg:$0x1];
	p0 =	sne.s32 s2, $0x0  }
0x172: {  	s3 =	rddreg [dreg:$0x2];
	[bflag:$0x3] =	sbarrier.arrive $0xFFFF;
	s2 =	simm.s32 @!p0 $0x1C03  }
0x173: {  	[timem:s3], [sflag:s2] =	dma.local @!p0 [hbm:s0], s1  }
0x174: {  	s0 =	simm.s32 @!p0 $0x3  }
0x175: {  	_ =	swait.ge @!p0 [sflag:s0], s1  }
0x176: {  	s1 =	ssub.s32 @!p0 $0x0, s1;
	[sflag:s0] =	ssyncset.done @!p0 $0x0  }
0x177: {  	[sflag:s0] =	ssyncadd.s32 @!p0 s1  }
0x178: {  	[bflag:$0x3] =	sbarrier.arrive $0xFFFF  }
0x179: {  	_ =	shalt  }

// kernel: kernel.16.cloned.1.call-start
scs
__scs_entry_jumppad:
0x0: {  	(pc) =	sbr.rel $0x88, $3  }
0x1: {  	(tag) =	ssettag $0x0;
	lr =	simm.s32 $0x1  }
0x2: {  	[smem:$0x3F9E] =	sst lr;
	_ =	strace $0xD0000000  }
0x3: {  	_ = 	snop  }
0x4: {  	_ = 	snop  }
0x5: {  	_ = 	snop  }
0x6: {  	_ = 	snop  }
0x7: {  	_ = 	snop  }
__scs_overlays_trampoline_lowered:
0x8: {  	[smem:$0x3FAD] =	sst s0  }
0x9: {  	[smem:$0x3FAE] =	sst s1  }
0xa: {  	[smem:$0x3FAF] =	sst s2  }
0xb: {  	[smem:$0x3FB0] =	sst s3  }
0xc: {  	[smem:$0x3FB1] =	sst s4  }
0xd: {  	[smem:$0x3FB2] =	sst s5  }
0xe: {  	[smem:$0x3FB3] =	sst s6  }
0xf: {  	[smem:$0x3FB4] =	sst s7  }
0x10: {  	[smem:$0x3FB5] =	sst s8  }
0x11: {  	[smem:$0x3FB6] =	sst s9;
	s0 =	simm.s32 @!p0 $0x0  }
0x12: {  	s1 =	sld [smem:$0x3F9C];
	s0 =	simm.s32 @p0 $0x1  }
0x13: {  	[smem:$0x3FB7] =	sst s0;
	s0 =	simm.s32 @!p1 $0x0  }
0x14: {  	s2 =	sld [smem:$0x3F9B];
	s0 =	simm.s32 @p1 $0x1  }
0x15: {  	[smem:$0x3FB8] =	sst s0;
	s0 =	simm.s32 @!p2 $0x0  }
0x16: {  	s3 =	sld [smem:$0x3FDB];
	s0 =	simm.s32 @p2 $0x1  }
0x17: {  	s4 =	simm.s32 $0x1BF5;
	[smem:$0x3FBA] =	sst s0  }
0x18: {  	s0 =	sld [smem:$0x3F9D];
	_ =	swait.ge [sflag:s4], $0x0  }
0x19: {  	s7 =	sld [smem:$0x3F9E]  }
0x1a: {  	s8 =	sadd.s32 $0xFFFFE003, lr  }
0x1b: {  	s9 =	sadd.s32 $0xFFFFFEF7, lr;
	s5 =	simm.s32 $0xFFFFFFFF;
	p2 =	slt.u32 s8, $0xFFFFF086  }
0x1c: {  	p1 =	slt.u32 s9, $0xF7A;
	s5 =	simm.s32 @!p2 $0x0  }
0x1d: {  	s5 =	simm.s32 @p1 $0x1;
	p0 =	seq.s32 s7, s2  }
0x1e: {  	s7 =	smul.u32 @!p0 $0xF7A, s2;
	p2 =	seq.s32 @!p0 s5, $0x0  }
0x1f: {  	s9 =	smul.u32 $0xF7A, s1;
	s8 =	simm.s32 @!p0 $0x1BF5;
	p2 =	por !p2, p0  }
0x20: {  	[sflag:s8] =	ssyncset.s32 @!p0 $0xFFFFF086;
	s6 =	sadd.s32 @!p0 s3, s7;
	s7 =	simm.s32 @!p0 $0x108  }
0x21: {  	s3 =	sadd.s32 s3, s9;
	s6 =	sadd.s32 @!p0 $0x88, s6;
	s7 =	simm.s32 @p2 $0x1082  }
0x22: {  	[simem:s7], [sflag:s8] =	dma.local @!p0 [hbm:s6], $0xF7A  }
0x23: {  	s9 =	sor.u32 $0xD0000000, s2;
	s6 =	simm.s32 $0x108;
	_ =	swait.ge @!p0 [sflag:s8], $0x0  }
0x24: {  	s3 =	sadd.s32 $0x88, s3;
	s6 =	simm.s32 @!p1 $0x1082;
	[sflag:s4] =	ssyncset.s32 $0xFFFFF086  }
0x25: {  	[simem:s6], [sflag:s4] =	dma.local [hbm:s3], $0xF7A  }
0x26: {  	[smem:$0x3F9E] =	sst s1;
	(tag) =	ssettag s2;
	_ =	strace s9  }
0x27: {  	s1 =	sld [smem:$0x3FAE]  }
0x28: {  	s2 =	sld [smem:$0x3FAF]  }
0x29: {  	s4 =	sld [smem:$0x3FB1]  }
0x2a: {  	p0 =	seq.s32 s5, $0x0;
	s5 =	sld [smem:$0x3FB2]  }
0x2b: {  	s6 =	sld [smem:$0x3FB3]  }
0x2c: {  	s7 =	sld [smem:$0x3FB4]  }
0x2d: {  	s3 =	simm.s32 $0x108;
	s8 =	sld [smem:$0x3FB5]  }
0x2e: {  	s3 =	simm.s32 @!p0 $0x1082;
	s9 =	sld [smem:$0x3FB6]  }
0x2f: {  	lr =	sadd.s32 s0, s3;
	s0 =	sld [smem:$0x3FAD]  }
0x30: {  	s3 =	sld [smem:$0x3FB0]  }
0x31: {  	[smem:$0x3FB9] =	sst s10  }
0x32: {  	s10 =	sld [smem:$0x3FB7];
	_ =	sdelay $0x3  }
0x33: {  	p0 =	seq.s32 s10, $0x1;
	s10 =	sld [smem:$0x3FB9];
	_ =	sdelay $0x3  }
0x34: {  	[smem:$0x3FB9] =	sst s10  }
0x35: {  	s10 =	sld [smem:$0x3FB8];
	_ =	sdelay $0x3  }
0x36: {  	p1 =	seq.s32 s10, $0x1;
	s10 =	sld [smem:$0x3FB9];
	_ =	sdelay $0x3  }
0x37: {  	[smem:$0x3FB9] =	sst s10  }
0x38: {  	s10 =	sld [smem:$0x3FBA]  }
0x39: {  	_ = 	snop;
	(pc) =	sbr.ind lr, $3  }
0x3a: {  	_ = 	snop  }
0x3b: {  	_ = 	snop  }
0x3c: {  	p2 =	seq.s32 s10, $0x1;
	s10 =	sld [smem:$0x3FB9]  }
0x3d: {  	_ =	shalt  }
0x3e: {  	_ =	shalt  }
0x3f: {  	_ =	shalt  }
0x40: {  	_ =	shalt  }
0x41: {  	_ =	shalt  }
0x42: {  	_ =	shalt  }
0x43: {  	_ =	shalt  }
0x44: {  	_ =	shalt  }
0x45: {  	_ =	shalt  }
0x46: {  	_ =	shalt  }
0x47: {  	_ =	shalt  }
0x48: {  	_ =	shalt  }
0x49: {  	_ =	shalt  }
0x4a: {  	_ =	shalt  }
0x4b: {  	_ =	shalt  }
0x4c: {  	_ =	shalt  }
0x4d: {  	_ =	shalt  }
0x4e: {  	_ =	shalt  }
0x4f: {  	_ =	shalt  }
0x50: {  	_ =	shalt  }
0x51: {  	_ =	shalt  }
0x52: {  	_ =	shalt  }
0x53: {  	_ =	shalt  }
0x54: {  	_ =	shalt  }
0x55: {  	_ =	shalt  }
0x56: {  	_ =	shalt  }
0x57: {  	_ =	shalt  }
0x58: {  	_ =	shalt  }
0x59: {  	_ =	shalt  }
0x5a: {  	_ =	shalt  }
0x5b: {  	_ =	shalt  }
0x5c: {  	_ =	shalt  }
0x5d: {  	_ =	shalt  }
0x5e: {  	_ =	shalt  }
0x5f: {  	_ =	shalt  }
0x60: {  	_ =	shalt  }
0x61: {  	_ =	shalt  }
0x62: {  	_ =	shalt  }
0x63: {  	_ =	shalt  }
0x64: {  	_ =	shalt  }
0x65: {  	_ =	shalt  }
0x66: {  	_ =	shalt  }
0x67: {  	_ =	shalt  }
0x68: {  	_ =	shalt  }
0x69: {  	_ =	shalt  }
0x6a: {  	_ =	shalt  }
0x6b: {  	_ =	shalt  }
0x6c: {  	_ =	shalt  }
0x6d: {  	_ =	shalt  }
0x6e: {  	_ =	shalt  }
0x6f: {  	_ =	shalt  }
0x70: {  	_ =	shalt  }
0x71: {  	_ =	shalt  }
0x72: {  	_ =	shalt  }
0x73: {  	_ =	shalt  }
0x74: {  	_ =	shalt  }
0x75: {  	_ =	shalt  }
0x76: {  	_ =	shalt  }
0x77: {  	_ =	shalt  }
0x78: {  	_ =	shalt  }
0x79: {  	_ =	shalt  }
0x7a: {  	_ =	shalt  }
0x7b: {  	_ =	shalt  }
0x7c: {  	_ =	shalt  }
0x7d: {  	_ =	shalt  }
0x7e: {  	_ =	shalt  }
0x7f: {  	_ =	shalt  }
0x80: {  	_ =	shalt  }
0x81: {  	_ =	shalt  }
0x82: {  	_ =	shalt  }
0x83: {  	_ =	shalt  }
0x84: {  	_ =	shalt  }
0x85: {  	_ =	shalt  }
0x86: {  	_ =	shalt  }
0x87: {  	_ =	shalt  }
.Lfunc_end0:
.L_simem_size_0:
called_computation.2_lowered:
.L_overlay_start_0:
0x88: {  	s2 =	sld [smem:$0x3FD9]  }
0x89: {  	s3 =	sld [smem:$0x3FFE];
	_ =	sdelay $0x1  }
0x8a: {  	s1 =	srdreg.scid  }
0x8b: {  	s0 =	sand.u32 $0x1, s1  }
0x8c: {  	s17 =	sshll.u32 s0, $0xA;
	s2 =	sadd.s32 s3, s2  }
0x8d: {  	s2 =	sadd.s32 s2, s17  }
0x8e: {  	[smem:$0x3FC5] =	sst s2  }
0x8f: {  	_ = 	snop  }
0x90: {  	s18 =	sld [smem:$0x3FC8];
	(tm) =	ssettm $0x1  }
0x91: {  	s19 =	sld [smem:$0x3FFB];
	_ =	sdelay $0x3  }
0x92: {  	_ =	strace s19  }
0x93: {  	s2 =	sld [smem:$0x3FFC];
	_ =	sdelay $0x3  }
0x94: {  	_ =	strace s2  }
0x95: {  	s2 =	sld [smem:$0x3FFD];
	_ =	sdelay $0x3  }
0x96: {  	_ =	strace s2  }
0x97: {  	_ =	strace $0x8FFFFFFF  }
0x98: {  	s20 =	sld [smem:$0x3FDB];
	_ =	sdelay $0x1  }
0x99: {  	s4 =	simm.s32 $_scs_section_size  }
0x9a: {  	s5 =	simm.s32 $_size__tile_overlayer_lowered;
	s6 =	simm.s32 $_tile_overlayer_lowered  }
0x9b: {  	s7 =	simm.s32 $0x1BFF;
	s21 =	sshll.u32 s6, $0x1;
	s4 =	sadd.s32 s4, s20  }
0x9c: {  	s22 =	simm.s32 $0x0;
	s5 =	sshll.u32 s5, $0x1;
	s6 =	sadd.s32 s21, s4  }
0x9d: {  	[timem:s22], [sflag:s7] =	dma.local [hbm:s6], s5  }
0x9e: {  	_ =	swait.ge [sflag:s7], s5  }
0x9f: {  	s5 =	ssub.s32 $0x0, s5;
	[sflag:s7] =	ssyncset.done $0x0  }
0xa0: {  	[sflag:s7] =	ssyncadd.s32 s5;
	_ =	sdelay $0x1  }
0xa1: {  	s23 =	simm.s32 $0x1B8B  }
0xa2: {  	_ =	swait.ge [sflag:s23], $0x1  }
0xa3: {  	[sflag:s23] =	ssyncset.done $0x0  }
0xa4: {  	[sflag:s23] =	ssyncadd.s32 $0xFFFFFFFF  }
0xa5: {  	s5 =	sld [smem:$0x0]  }
0xa6: {  	s6 =	sand.u32 $0xFFFFFFFE, s1  }
0xa7: {  	p0 =	sne.s32 s1, s6  }
0xa8: {  	s6 =	sshll.u32 @p0 s6, $0xE  }
0xa9: {  	s6 =	sadd.s32 @p0 $0x11B8D, s6;
	s7 =	sshll.u32 @p0 s5, $0x11  }
0xaa: {  	s6 =	sor.u32 @p0 s7, s6  }
0xab: {  	[sflag:s6] =	ssyncadd.remote.s32 @p0 $0x1;
	_ =	sdelay $0x1  }
0xac: {  	s6 =	simm.s32 @p0 $0x1B8D  }
0xad: {  	_ =	swait.eq @p0 [sflag:s6], $0x1  }
0xae: {  	[sflag:s6] =	ssyncadd.s32 @p0 $0xFFFFFFFF  }
0xaf: {  	s7 =	sshll.u32 @!p0 s1, $0xE  }
0xb0: {  	s7 =	sor.u32 @!p0 $0x4000, s7;
	s6 =	simm.s32 @!p0 $0x1B8D  }
0xb1: {  	s5 =	sshll.u32 @!p0 s5, $0x11;
	s7 =	sadd.s32 @!p0 $0x11B8D, s7;
	_ =	swait.eq @!p0 [sflag:s6], $0x1  }
0xb2: {  	s5 =	sor.u32 @!p0 s5, s7;
	[sflag:s6] =	ssyncadd.s32 @!p0 $0xFFFFFFFF  }
0xb3: {  	s25 =	simm.s32 $0x1B8E;
	s24 =	sld [smem:$0x3FFE];
	[sflag:s5] =	ssyncadd.remote.s32 @!p0 $0x1  }
0xb4: {  	s26 =	simm.s32 $execute0_lowered;
	[smem:$0x3FD2] =	sst s25  }
0xb5: {  	s6 =	sshll.u32 s26, $0x1;
	_ =	strace $0x8000004C;
	[dreg:$0x1] =	wrdreg $0xFFFFFFFF  }
0xb6: {  	s28 =	simm.s32 $_size_execute0_lowered;
	s4 =	sadd.s32 s4, s6;
	[dreg:$0x0] =	wrdreg $0x0  }
0xb7: {  	s6 =	sshll.u32 s28, $0x1;
	[dreg:$0x2] =	wrdreg s4  }
0xb8: {  	[dreg:$0x3] =	wrdreg s6  }
0xb9: {  	[dreg:$0x4] =	wrdreg $0xC0  }
0xba: {  	_ =	task [dreg:s22], $0x5FFFF  }
0xbb: {  	[dreg:$0x1] =	wrdreg $0xFFFFFFFF  }
0xbc: {  	[dreg:$0x0] =	wrdreg $0x60  }
0xbd: {  	[dreg:$0x2] =	wrdreg s18  }
0xbe: {  	[dreg:$0x3] =	wrdreg s24  }
0xbf: {  	[dreg:$0x4] =	wrdreg $0xB  }
0xc0: {  	_ =	task.clear_ibuf [dreg:s22], $0x5FFFF;
	_ =	strace $0x9000004C  }
0xc1: {  	s29 =	simm.s32 $0xB;
	_ =	strace $0x8000004E  }
0xc2: {  	_ =	swait.ge [sflag:s29], $0x1  }
0xc3: {  	[sflag:s29] =	ssyncadd.s32 $0xFFFFFFFF  }
0xc4: {  	_ =	strace $0x9000004E  }
0xc5: {  	_ =	sfence  }
0xc6: {  	s30 =	sld [smem:$0x0];
	_ =	sdelay $0x2  }
0xc7: {  	s31 =	sshll.u32 s1, $0xD;
	s1 =	sshrl.u32 s1, $0x2  }
0xc8: {  	s4 =	sand.u32 $0x4000, s31;
	s1 =	sadd.s32 s1, s30  }
0xc9: {  	s0 =	sor.u32 s4, s0;
	s1 =	sshll.u32 s1, $0x11  }
0xca: {  	s0 =	sor.u32 s1, s0  }
0xcb: {  	s0 =	sadd.s32 $0x8F2B, s0  }
0xcc: {  	[sflag:s0] =	ssyncadd.remote.s32 $0x1  }
0xcd: {  	_ =	sfence.sel $0xFFFF  }
0xce: {  	[dreg:$0x0] =	wrdreg $0xFFFFFFFF;
	(pc) =	sbr.abs _section_cstart, $3  }
0xcf: {  	[dreg:$0x1] =	wrdreg $0xFFFFFFFF  }
0xd0: {  	_ =	task.clear_ibuf [dreg:s22], $0x2FFFF;
	_ =	strace $0x9FFFFFFF  }
0xd1: {  	(tm) =	ssettm $0x7FFFFFFF  }
tec
execute0_lowered:
.L_overlay_start_1:
0x0: {  	(tag) =	ssettag $0x1  }
0x1: {  	s0 =	srdreg.scid;
	s2 =	rddreg [dreg:$0x0]  }
0x2: {  	s3 =	stileid.u32;
	s1 =	rddreg [dreg:$0x1]  }
0x3: {  	s14 =	simm.s32 $0x900;
	s15 =	simm.s32 $0x1100;
	s16 =	simm.s32 $0x1900  }
0x4: {  	s17 =	simm.s32 $0x2100;
	s18 =	simm.s32 $0x2900;
	s19 =	simm.s32 $0x3100  }
0x5: {  	s20 =	simm.s32 $0x3900;
	s21 =	simm.s32 $0x4100;
	s22 =	simm.s32 $0x4900  }
0x6: {  	s23 =	simm.s32 $0x5100;
	s28 =	simm.s32 $0x7100;
	s29 =	simm.s32 $0x7900  }
0x7: {  	s30 =	simm.s32 $0x8100;
	s31 =	simm.s32 $0x8900;
	s0 =	sand.u32 $0x1, s0  }
0x8: {  	s11 =	simm.s32 $0xA100;
	s4 =	sshll.u32 s3, $0x6;
	s5 =	sshll.u32 s0, $0x5  }
0x9: {  	s10 =	simm.s32 $0xB100;
	s3 =	simm.s32 $0x0;
	s4 =	sor.u32 s5, s4  }
0xa: {  	[smem:$0x7FF] =	sst s3;
	s0 =	ssub.s32 $0x2, s0;
	s5 =	smul.u32 $0x300, s4  }
0xb: {  	_ =	strace $0x8000004D;
	s7 =	sshrl.u32 s0, $0x1;
	s6 =	smul.u32 $0x1800, s4  }
0xc: {  	s4 =	sadd.s32 s4, s1;
	s1 =	sadd.s32 $0x182200, s1;
	s0 =	ssub.s32 s0, s7  }
0xd: {  	s4 =	sadd.s32 $0xC1A00, s4;
	s7 =	smax.u32 s0, $0x1;
	s8 =	sadd.s32 s1, s5  }
0xe: {  	s24 =	sshrl.u32 s6, $0x3;
	[dreg:$0x3] =	wrdreg s4;
	s5 =	sadd.s32 $0x100, s2  }
0xf: {  	s6 =	sadd.s32 $0x200, s2;
	s4 =	simm.s32 $0x2;
	[dreg:$0x7] =	wrdreg s8  }
0x10: {  	s25 =	sadd.s32 $0x1800, s8;
	s1 =	sadd.s32 s1, s24;
	s8 =	simm.s32 $0x3  }
0x11: {  	v2 =	vlaneseq.u32;
	s24 =	simm.s32 $0x5900;
	[dreg:$0x4] =	wrdreg s25;
	s26 =	sadd.s32 $0x3000, s1  }
0x12: {  	vm0 =	vmmov $0xffff;
	v1 =	vshrl.u32 v2, $0x3;
	s1 =	sadd.s32 $0x4800, s1;
	s25 =	simm.s32 $0x6100;
	[dreg:$0x5] =	wrdreg s26  }
0x13: {  	v0 =	vand.u32 $0x7, v2;
	v2 =	vor.u32 $0x8, v2;
	v1 =	vmul.u32 $0x8, v1;
	[dreg:$0x6] =	wrdreg s1;
	s26 =	simm.s32 $0x6900;
	s1 =	simm.s32 $0xC100  }
.LBB2_1:
0x14: {  	s13 =	rddreg [dreg:$0x3]  }
0x15: {  	[tilespmem:s3], [sflag:$0x3] =	stream.linear.gather [hbm4b:s13+s3], $0x100, $0x38;
	[tilespmem:$0x18100] =	vst v63  }
0x16: {  	_ =	swait.ge [sflag:s8], $0x100  }
0x17: {  	[sflag:s8] =	ssyncset.done $0x0  }
0x18: {  	[sflag:s8] =	ssyncadd.s32 $0xFFFFFF00  }
0x19: {  	v3 =	vld [tilespmem:$0x0];
	_ =	sdelay $0x4  }
0x1a: {  	v4 =	vshrl.u32 v3, $0x3  }
0x1b: {  	v4 =	vmul.u32 $0x30, v4  }
0x1c: {  	v3 =	vand.u32 $0x7, v3  }
0x1d: {  	v3 =	vor.u32 v3, v4  }
0x1e: {  	v4 =	vperm.xlane v3, v0;
	_ =	sdelay $0x1  }
0x1f: {  	v4 =	vadd.s32 v1, v4;
	_ =	sdelay $0x3  }
0x20: {  	s0 =	simm.s32 $0x100;
	v3 =	vperm.xlane v3, v2  }
0x21: {  	[tilespmem:s0], [sflag:$0x1] =	stream.indirect_vreg.gather [hbm4b:s2+s3], $0x80, v4, vm0, $0xb8;
	[tilespmem:$0x18100] =	vst v63  }
0x22: {  	v3 =	vadd.s32 v1, v3  }
0x23: {  	[tilespmem:s14], [sflag:$0x1] =	stream.indirect_vreg.gather [hbm4b:s5+s3], $0x80, v4, vm0, $0xb8;
	[tilespmem:$0x18100] =	vst v63  }
0x24: {  	_ = 	snop  }
0x25: {  	[tilespmem:s15], [sflag:$0x1] =	stream.indirect_vreg.gather [hbm4b:s6+s3], $0x80, v4, vm0, $0xb8;
	[tilespmem:$0x18100] =	vst v63  }
0x26: {  	_ = 	snop  }
0x27: {  	[tilespmem:s16], [sflag:$0x1] =	stream.indirect_vreg.gather [hbm4b:s2+s3], $0x80, v3, vm0, $0xb8;
	[tilespmem:$0x18100] =	vst v63  }
0x28: {  	_ = 	snop  }
0x29: {  	[tilespmem:s17], [sflag:$0x1] =	stream.indirect_vreg.gather [hbm4b:s5+s3], $0x80, v3, vm0, $0xb8;
	[tilespmem:$0x18100] =	vst v63  }
0x2a: {  	_ = 	snop  }
0x2b: {  	[tilespmem:s18], [sflag:$0x1] =	stream.indirect_vreg.gather [hbm4b:s6+s3], $0x80, v3, vm0, $0xb8;
	[tilespmem:$0x18100] =	vst v63  }
0x2c: {  	v3 =	vld [tilespmem:$0x10];
	_ =	sdelay $0x4  }
0x2d: {  	v49 =	vshrl.u32 v3, $0x3  }
0x2e: {  	v4 =	vmul.u32 $0x30, v49  }
0x2f: {  	v3 =	vand.u32 $0x7, v3  }
0x30: {  	v3 =	vor.u32 v3, v4  }
0x31: {  	v4 =	vperm.xlane v3, v0;
	_ =	sdelay $0x1  }
0x32: {  	v4 =	vadd.s32 v1, v4;
	_ =	sdelay $0x3  }
0x33: {  	v3 =	vperm.xlane v3, v2  }
0x34: {  	[tilespmem:s19], [sflag:$0x1] =	stream.indirect_vreg.gather [hbm4b:s2+s3], $0x80, v4, vm0, $0xb8;
	[tilespmem:$0x18100] =	vst v63  }
0x35: {  	v3 =	vadd.s32 v1, v3  }
0x36: {  	[tilespmem:s20], [sflag:$0x1] =	stream.indirect_vreg.gather [hbm4b:s5+s3], $0x80, v4, vm0, $0xb8;
	[tilespmem:$0x18100] =	vst v63  }
0x37: {  	_ = 	snop  }
0x38: {  	[tilespmem:s21], [sflag:$0x1] =	stream.indirect_vreg.gather [hbm4b:s6+s3], $0x80, v4, vm0, $0xb8;
	[tilespmem:$0x18100] =	vst v63  }
0x39: {  	_ = 	snop  }
0x3a: {  	[tilespmem:s22], [sflag:$0x1] =	stream.indirect_vreg.gather [hbm4b:s2+s3], $0x80, v3, vm0, $0xb8;
	[tilespmem:$0x18100] =	vst v63  }
0x3b: {  	_ = 	snop  }
0x3c: {  	[tilespmem:s23], [sflag:$0x1] =	stream.indirect_vreg.gather [hbm4b:s5+s3], $0x80, v3, vm0, $0xb8;
	[tilespmem:$0x18100] =	vst v63  }
0x3d: {  	_ = 	snop  }
0x3e: {  	[tilespmem:s24], [sflag:$0x1] =	stream.indirect_vreg.gather [hbm4b:s6+s3], $0x80, v3, vm0, $0xb8;
	[tilespmem:$0x18100] =	vst v63  }
0x3f: {  	v3 =	vld [tilespmem:$0x20];
	_ =	sdelay $0x4  }
0x40: {  	v50 =	vshrl.u32 v3, $0x3  }
0x41: {  	v4 =	vmul.u32 $0x30, v50  }
0x42: {  	v3 =	vand.u32 $0x7, v3  }
0x43: {  	v3 =	vor.u32 v3, v4  }
0x44: {  	v4 =	vperm.xlane v3, v0;
	_ =	sdelay $0x1  }
0x45: {  	v4 =	vadd.s32 v1, v4;
	_ =	sdelay $0x3  }
0x46: {  	v3 =	vperm.xlane v3, v2  }
0x47: {  	[tilespmem:s25], [sflag:$0x1] =	stream.indirect_vreg.gather [hbm4b:s2+s3], $0x80, v4, vm0, $0xb8;
	[tilespmem:$0x18100] =	vst v63  }
0x48: {  	v3 =	vadd.s32 v1, v3  }
0x49: {  	[tilespmem:s26], [sflag:$0x1] =	stream.indirect_vreg.gather [hbm4b:s5+s3], $0x80, v4, vm0, $0xb8;
	[tilespmem:$0x18100] =	vst v63  }
0x4a: {  	_ = 	snop  }
0x4b: {  	[tilespmem:s28], [sflag:$0x1] =	stream.indirect_vreg.gather [hbm4b:s6+s3], $0x80, v4, vm0, $0xb8;
	[tilespmem:$0x18100] =	vst v63  }
0x4c: {  	_ = 	snop  }
0x4d: {  	[tilespmem:s29], [sflag:$0x1] =	stream.indirect_vreg.gather [hbm4b:s2+s3], $0x80, v3, vm0, $0xb8;
	[tilespmem:$0x18100] =	vst v63  }
0x4e: {  	_ = 	snop  }
0x4f: {  	[tilespmem:s30], [sflag:$0x1] =	stream.indirect_vreg.gather [hbm4b:s5+s3], $0x80, v3, vm0, $0xb8;
	[tilespmem:$0x18100] =	vst v63  }
0x50: {  	_ = 	snop  }
0x51: {  	[tilespmem:s31], [sflag:$0x1] =	stream.indirect_vreg.gather [hbm4b:s6+s3], $0x80, v3, vm0, $0xb8;
	[tilespmem:$0x18100] =	vst v63  }
0x52: {  	v3 =	vld [tilespmem:$0x30];
	_ =	sdelay $0x4  }
0x53: {  	v51 =	vshrl.u32 v3, $0x3  }
0x54: {  	v4 =	vmul.u32 $0x30, v51  }
0x55: {  	v3 =	vand.u32 $0x7, v3  }
0x56: {  	v3 =	vor.u32 v3, v4  }
0x57: {  	v4 =	vperm.xlane v3, v0;
	_ =	sdelay $0x1  }
0x58: {  	v4 =	vadd.s32 v1, v4;
	_ =	sdelay $0x3  }
0x59: {  	s13 =	simm.s32 $0x9100;
	v3 =	vperm.xlane v3, v2  }
0x5a: {  	[tilespmem:s13], [sflag:$0x1] =	stream.indirect_vreg.gather [hbm4b:s2+s3], $0x80, v4, vm0, $0xb8;
	[tilespmem:$0x18100] =	vst v63  }
0x5b: {  	s9 =	simm.s32 $0x9900;
	v3 =	vadd.s32 v1, v3  }
0x5c: {  	[tilespmem:s9], [sflag:$0x1] =	stream.indirect_vreg.gather [hbm4b:s5+s3], $0x80, v4, vm0, $0xb8;
	[tilespmem:$0x18100] =	vst v63  }
0x5d: {  	_ = 	snop  }
0x5e: {  	[tilespmem:s11], [sflag:$0x1] =	stream.indirect_vreg.gather [hbm4b:s6+s3], $0x80, v4, vm0, $0xb8;
	[tilespmem:$0x18100] =	vst v63  }
0x5f: {  	s9 =	simm.s32 $0xA900  }
0x60: {  	[tilespmem:s9], [sflag:$0x1] =	stream.indirect_vreg.gather [hbm4b:s2+s3], $0x80, v3, vm0, $0xb8;
	[tilespmem:$0x18100] =	vst v63  }
0x61: {  	_ = 	snop  }
0x62: {  	[tilespmem:s10], [sflag:$0x1] =	stream.indirect_vreg.gather [hbm4b:s5+s3], $0x80, v3, vm0, $0xb8;
	[tilespmem:$0x18100] =	vst v63  }
0x63: {  	s12 =	simm.s32 $0xB900;
	s0 =	simm.s32 $0x1  }
0x64: {  	[tilespmem:s12], [sflag:$0x1] =	stream.indirect_vreg.gather [hbm4b:s6+s3], $0x80, v3, vm0, $0xb8;
	[tilespmem:$0x18100] =	vst v63  }
0x65: {  	_ =	swait.ge [sflag:s0], $0xC000  }
0x66: {  	[sflag:s0] =	ssyncset.done $0x0  }
0x67: {  	[sflag:s0] =	ssyncadd.s32 $0xFFFF4000  }
0x68: {  	v3 =	vld [tilespmem:$0x40];
	_ =	sdelay $0x4  }
0x69: {  	v52 =	vshrl.u32 v3, $0x3  }
0x6a: {  	v4 =	vmul.u32 $0x30, v52  }
0x6b: {  	v3 =	vand.u32 $0x7, v3  }
0x6c: {  	v3 =	vor.u32 v3, v4  }
0x6d: {  	v4 =	vperm.xlane v3, v0;
	_ =	sdelay $0x1  }
0x6e: {  	v4 =	vadd.s32 v1, v4;
	_ =	sdelay $0x3  }
0x6f: {  	v3 =	vperm.xlane v3, v2  }
0x70: {  	[tilespmem:s1], [sflag:$0x2] =	stream.indirect_vreg.gather [hbm4b:s2+s3], $0x80, v4, vm0, $0xb8;
	[tilespmem:$0x18100] =	vst v63  }
0x71: {  	s12 =	simm.s32 $0xC900;
	v3 =	vadd.s32 v1, v3  }
0x72: {  	[tilespmem:s12], [sflag:$0x2] =	stream.indirect_vreg.gather [hbm4b:s5+s3], $0x80, v4, vm0, $0xb8;
	[tilespmem:$0x18100] =	vst v63  }
0x73: {  	s13 =	simm.s32 $0xD100  }
0x74: {  	[tilespmem:s13], [sflag:$0x2] =	stream.indirect_vreg.gather [hbm4b:s6+s3], $0x80, v4, vm0, $0xb8;
	[tilespmem:$0x18100] =	vst v63  }
0x75: {  	s13 =	simm.s32 $0xD900  }
0x76: {  	[tilespmem:s13], [sflag:$0x2] =	stream.indirect_vreg.gather [hbm4b:s2+s3], $0x80, v3, vm0, $0xb8;
	[tilespmem:$0x18100] =	vst v63  }
0x77: {  	s13 =	simm.s32 $0xE100  }
0x78: {  	[tilespmem:s13], [sflag:$0x2] =	stream.indirect_vreg.gather [hbm4b:s5+s3], $0x80, v3, vm0, $0xb8;
	[tilespmem:$0x18100] =	vst v63  }
0x79: {  	s13 =	simm.s32 $0xE900  }
0x7a: {  	[tilespmem:s13], [sflag:$0x2] =	stream.indirect_vreg.gather [hbm4b:s6+s3], $0x80, v3, vm0, $0xb8;
	[tilespmem:$0x18100] =	vst v63  }
0x7b: {  	v3 =	vld [tilespmem:$0x50];
	_ =	sdelay $0x4  }
0x7c: {  	v53 =	vshrl.u32 v3, $0x3  }
0x7d: {  	v4 =	vmul.u32 $0x30, v53  }
0x7e: {  	v3 =	vand.u32 $0x7, v3  }
0x7f: {  	v3 =	vor.u32 v3, v4  }
0x80: {  	v4 =	vperm.xlane v3, v0;
	_ =	sdelay $0x1  }
0x81: {  	v4 =	vadd.s32 v1, v4;
	_ =	sdelay $0x3  }
0x82: {  	s13 =	simm.s32 $0xF100;
	v3 =	vperm.xlane v3, v2  }
0x83: {  	[tilespmem:s13], [sflag:$0x2] =	stream.indirect_vreg.gather [hbm4b:s2+s3], $0x80, v4, vm0, $0xb8;
	[tilespmem:$0x18100] =	vst v63  }
0x84: {  	v3 =	vadd.s32 v1, v3;
	s13 =	simm.s32 $0xF900  }
0x85: {  	[tilespmem:s13], [sflag:$0x2] =	stream.indirect_vreg.gather [hbm4b:s5+s3], $0x80, v4, vm0, $0xb8;
	[tilespmem:$0x18100] =	vst v63  }
0x86: {  	s13 =	simm.s32 $0x10100  }
0x87: {  	[tilespmem:s13], [sflag:$0x2] =	stream.indirect_vreg.gather [hbm4b:s6+s3], $0x80, v4, vm0, $0xb8;
	[tilespmem:$0x18100] =	vst v63  }
0x88: {  	s13 =	simm.s32 $0x10900  }
0x89: {  	[tilespmem:s13], [sflag:$0x2] =	stream.indirect_vreg.gather [hbm4b:s2+s3], $0x80, v3, vm0, $0xb8;
	[tilespmem:$0x18100] =	vst v63  }
0x8a: {  	s13 =	simm.s32 $0x11100  }
0x8b: {  	[tilespmem:s13], [sflag:$0x2] =	stream.indirect_vreg.gather [hbm4b:s5+s3], $0x80, v3, vm0, $0xb8;
	[tilespmem:$0x18100] =	vst v63  }
0x8c: {  	s13 =	simm.s32 $0x11900  }
0x8d: {  	[tilespmem:s13], [sflag:$0x2] =	stream.indirect_vreg.gather [hbm4b:s6+s3], $0x80, v3, vm0, $0xb8;
	[tilespmem:$0x18100] =	vst v63  }
0x8e: {  	v3 =	vld [tilespmem:$0x60];
	_ =	sdelay $0x4  }
0x8f: {  	v54 =	vshrl.u32 v3, $0x3  }
0x90: {  	v4 =	vmul.u32 $0x30, v54  }
0x91: {  	v3 =	vand.u32 $0x7, v3  }
0x92: {  	v3 =	vor.u32 v3, v4  }
0x93: {  	v4 =	vperm.xlane v3, v0;
	_ =	sdelay $0x1  }
0x94: {  	v4 =	vadd.s32 v1, v4;
	_ =	sdelay $0x3  }
0x95: {  	s13 =	simm.s32 $0x12100;
	v3 =	vperm.xlane v3, v2  }
0x96: {  	[tilespmem:s13], [sflag:$0x2] =	stream.indirect_vreg.gather [hbm4b:s2+s3], $0x80, v4, vm0, $0xb8;
	[tilespmem:$0x18100] =	vst v63  }
0x97: {  	v3 =	vadd.s32 v1, v3;
	s13 =	simm.s32 $0x12900  }
0x98: {  	[tilespmem:s13], [sflag:$0x2] =	stream.indirect_vreg.gather [hbm4b:s5+s3], $0x80, v4, vm0, $0xb8;
	[tilespmem:$0x18100] =	vst v63  }
0x99: {  	s13 =	simm.s32 $0x13100  }
0x9a: {  	[tilespmem:s13], [sflag:$0x2] =	stream.indirect_vreg.gather [hbm4b:s6+s3], $0x80, v4, vm0, $0xb8;
	[tilespmem:$0x18100] =	vst v63  }
0x9b: {  	s13 =	simm.s32 $0x13900  }
0x9c: {  	[tilespmem:s13], [sflag:$0x2] =	stream.indirect_vreg.gather [hbm4b:s2+s3], $0x80, v3, vm0, $0xb8;
	[tilespmem:$0x18100] =	vst v63  }
0x9d: {  	s13 =	simm.s32 $0x14100  }
0x9e: {  	[tilespmem:s13], [sflag:$0x2] =	stream.indirect_vreg.gather [hbm4b:s5+s3], $0x80, v3, vm0, $0xb8;
	[tilespmem:$0x18100] =	vst v63  }
0x9f: {  	s13 =	simm.s32 $0x14900  }
0xa0: {  	[tilespmem:s13], [sflag:$0x2] =	stream.indirect_vreg.gather [hbm4b:s6+s3], $0x80, v3, vm0, $0xb8;
	[tilespmem:$0x18100] =	vst v63  }
0xa1: {  	v3 =	vld [tilespmem:$0x70];
	_ =	sdelay $0x4  }
0xa2: {  	v55 =	vshrl.u32 v3, $0x3  }
0xa3: {  	v4 =	vmul.u32 $0x30, v55  }
0xa4: {  	v3 =	vand.u32 $0x7, v3  }
0xa5: {  	v3 =	vor.u32 v3, v4  }
0xa6: {  	v4 =	vperm.xlane v3, v0;
	_ =	sdelay $0x1  }
0xa7: {  	v4 =	vadd.s32 v1, v4;
	_ =	sdelay $0x3  }
0xa8: {  	s13 =	simm.s32 $0x15100;
	v3 =	vperm.xlane v3, v2  }
0xa9: {  	[tilespmem:s13], [sflag:$0x2] =	stream.indirect_vreg.gather [hbm4b:s2+s3], $0x80, v4, vm0, $0xb8;
	[tilespmem:$0x18100] =	vst v63  }
0xaa: {  	v3 =	vadd.s32 v1, v3;
	s13 =	simm.s32 $0x15900  }
0xab: {  	[tilespmem:s13], [sflag:$0x2] =	stream.indirect_vreg.gather [hbm4b:s5+s3], $0x80, v4, vm0, $0xb8;
	[tilespmem:$0x18100] =	vst v63  }
0xac: {  	s13 =	simm.s32 $0x16100  }
0xad: {  	[tilespmem:s13], [sflag:$0x2] =	stream.indirect_vreg.gather [hbm4b:s6+s3], $0x80, v4, vm0, $0xb8;
	[tilespmem:$0x18100] =	vst v63  }
0xae: {  	s13 =	simm.s32 $0x16900  }
0xaf: {  	[tilespmem:s13], [sflag:$0x2] =	stream.indirect_vreg.gather [hbm4b:s2+s3], $0x80, v3, vm0, $0xb8;
	[tilespmem:$0x18100] =	vst v63  }
0xb0: {  	s13 =	simm.s32 $0x17100  }
0xb1: {  	[tilespmem:s13], [sflag:$0x2] =	stream.indirect_vreg.gather [hbm4b:s5+s3], $0x80, v3, vm0, $0xb8;
	[tilespmem:$0x18100] =	vst v63  }
0xb2: {  	s13 =	simm.s32 $0x17900  }
0xb3: {  	[tilespmem:s13], [sflag:$0x2] =	stream.indirect_vreg.gather [hbm4b:s6+s3], $0x80, v3, vm0, $0xb8;
	[tilespmem:$0x18100] =	vst v63  }
0xb4: {  	s12 =	simm.s32 $0x100;
	s13 =	rddreg [dreg:$0x7]  }
0xb5: {  	[hbm4b:s13+s3] =	stream.linear.scatter [tilespmem:s12], [sflag:$0x3], $0xC000, $0x38;
	[tilespmem:$0x18100] =	vst v63  }
0xb6: {  	_ =	swait.ge [sflag:s8], $0xC000  }
0xb7: {  	[sflag:s8] =	ssyncset.done $0x0  }
0xb8: {  	[sflag:s8] =	ssyncadd.s32 $0xFFFF4000  }
0xb9: {  	_ =	swait.ge [sflag:s4], $0xC000  }
0xba: {  	[sflag:s4] =	ssyncset.done $0x0  }
0xbb: {  	[sflag:s4] =	ssyncadd.s32 $0xFFFF4000  }
0xbc: {  	v3 =	vld [tilespmem:$0x80];
	_ =	sdelay $0x4  }
0xbd: {  	v56 =	vshrl.u32 v3, $0x3  }
0xbe: {  	v4 =	vmul.u32 $0x30, v56  }
0xbf: {  	v3 =	vand.u32 $0x7, v3  }
0xc0: {  	v3 =	vor.u32 v3, v4  }
0xc1: {  	v4 =	vperm.xlane v3, v0;
	_ =	sdelay $0x1  }
0xc2: {  	v4 =	vadd.s32 v1, v4;
	_ =	sdelay $0x3  }
0xc3: {  	v3 =	vperm.xlane v3, v2  }
0xc4: {  	[tilespmem:s12], [sflag:$0x1] =	stream.indirect_vreg.gather [hbm4b:s2+s3], $0x80, v4, vm0, $0xb8;
	[tilespmem:$0x18100] =	vst v63  }
0xc5: {  	v3 =	vadd.s32 v1, v3  }
0xc6: {  	[tilespmem:s14], [sflag:$0x1] =	stream.indirect_vreg.gather [hbm4b:s5+s3], $0x80, v4, vm0, $0xb8;
	[tilespmem:$0x18100] =	vst v63  }
0xc7: {  	_ = 	snop  }
0xc8: {  	[tilespmem:s15], [sflag:$0x1] =	stream.indirect_vreg.gather [hbm4b:s6+s3], $0x80, v4, vm0, $0xb8;
	[tilespmem:$0x18100] =	vst v63  }
0xc9: {  	_ = 	snop  }
0xca: {  	[tilespmem:s16], [sflag:$0x1] =	stream.indirect_vreg.gather [hbm4b:s2+s3], $0x80, v3, vm0, $0xb8;
	[tilespmem:$0x18100] =	vst v63  }
0xcb: {  	_ = 	snop  }
0xcc: {  	[tilespmem:s17], [sflag:$0x1] =	stream.indirect_vreg.gather [hbm4b:s5+s3], $0x80, v3, vm0, $0xb8;
	[tilespmem:$0x18100] =	vst v63  }
0xcd: {  	_ = 	snop  }
0xce: {  	[tilespmem:s18], [sflag:$0x1] =	stream.indirect_vreg.gather [hbm4b:s6+s3], $0x80, v3, vm0, $0xb8;
	[tilespmem:$0x18100] =	vst v63  }
0xcf: {  	v3 =	vld [tilespmem:$0x90];
	_ =	sdelay $0x4  }
0xd0: {  	v57 =	vshrl.u32 v3, $0x3  }
0xd1: {  	v4 =	vmul.u32 $0x30, v57  }
0xd2: {  	v3 =	vand.u32 $0x7, v3  }
0xd3: {  	v3 =	vor.u32 v3, v4  }
0xd4: {  	v4 =	vperm.xlane v3, v0;
	_ =	sdelay $0x1  }
0xd5: {  	v4 =	vadd.s32 v1, v4;
	_ =	sdelay $0x3  }
0xd6: {  	v3 =	vperm.xlane v3, v2  }
0xd7: {  	[tilespmem:s19], [sflag:$0x1] =	stream.indirect_vreg.gather [hbm4b:s2+s3], $0x80, v4, vm0, $0xb8;
	[tilespmem:$0x18100] =	vst v63  }
0xd8: {  	v3 =	vadd.s32 v1, v3  }
0xd9: {  	[tilespmem:s20], [sflag:$0x1] =	stream.indirect_vreg.gather [hbm4b:s5+s3], $0x80, v4, vm0, $0xb8;
	[tilespmem:$0x18100] =	vst v63  }
0xda: {  	_ = 	snop  }
0xdb: {  	[tilespmem:s21], [sflag:$0x1] =	stream.indirect_vreg.gather [hbm4b:s6+s3], $0x80, v4, vm0, $0xb8;
	[tilespmem:$0x18100] =	vst v63  }
0xdc: {  	_ = 	snop  }
0xdd: {  	[tilespmem:s22], [sflag:$0x1] =	stream.indirect_vreg.gather [hbm4b:s2+s3], $0x80, v3, vm0, $0xb8;
	[tilespmem:$0x18100] =	vst v63  }
0xde: {  	_ = 	snop  }
0xdf: {  	[tilespmem:s23], [sflag:$0x1] =	stream.indirect_vreg.gather [hbm4b:s5+s3], $0x80, v3, vm0, $0xb8;
	[tilespmem:$0x18100] =	vst v63  }
0xe0: {  	_ = 	snop  }
0xe1: {  	[tilespmem:s24], [sflag:$0x1] =	stream.indirect_vreg.gather [hbm4b:s6+s3], $0x80, v3, vm0, $0xb8;
	[tilespmem:$0x18100] =	vst v63  }
0xe2: {  	v3 =	vld [tilespmem:$0xA0];
	_ =	sdelay $0x4  }
0xe3: {  	v58 =	vshrl.u32 v3, $0x3  }
0xe4: {  	v4 =	vmul.u32 $0x30, v58  }
0xe5: {  	v3 =	vand.u32 $0x7, v3  }
0xe6: {  	v3 =	vor.u32 v3, v4  }
0xe7: {  	v4 =	vperm.xlane v3, v0;
	_ =	sdelay $0x1  }
0xe8: {  	v4 =	vadd.s32 v1, v4;
	_ =	sdelay $0x3  }
0xe9: {  	v3 =	vperm.xlane v3, v2  }
0xea: {  	[tilespmem:s25], [sflag:$0x1] =	stream.indirect_vreg.gather [hbm4b:s2+s3], $0x80, v4, vm0, $0xb8;
	[tilespmem:$0x18100] =	vst v63  }
0xeb: {  	v3 =	vadd.s32 v1, v3  }
0xec: {  	[tilespmem:s26], [sflag:$0x1] =	stream.indirect_vreg.gather [hbm4b:s5+s3], $0x80, v4, vm0, $0xb8;
	[tilespmem:$0x18100] =	vst v63  }
0xed: {  	_ = 	snop  }
0xee: {  	[tilespmem:s28], [sflag:$0x1] =	stream.indirect_vreg.gather [hbm4b:s6+s3], $0x80, v4, vm0, $0xb8;
	[tilespmem:$0x18100] =	vst v63  }
0xef: {  	_ = 	snop  }
0xf0: {  	[tilespmem:s29], [sflag:$0x1] =	stream.indirect_vreg.gather [hbm4b:s2+s3], $0x80, v3, vm0, $0xb8;
	[tilespmem:$0x18100] =	vst v63  }
0xf1: {  	_ = 	snop  }
0xf2: {  	[tilespmem:s30], [sflag:$0x1] =	stream.indirect_vreg.gather [hbm4b:s5+s3], $0x80, v3, vm0, $0xb8;
	[tilespmem:$0x18100] =	vst v63  }
0xf3: {  	_ = 	snop  }
0xf4: {  	[tilespmem:s31], [sflag:$0x1] =	stream.indirect_vreg.gather [hbm4b:s6+s3], $0x80, v3, vm0, $0xb8;
	[tilespmem:$0x18100] =	vst v63  }
0xf5: {  	v3 =	vld [tilespmem:$0xB0];
	_ =	sdelay $0x4  }
0xf6: {  	v59 =	vshrl.u32 v3, $0x3  }
0xf7: {  	v4 =	vmul.u32 $0x30, v59  }
0xf8: {  	v3 =	vand.u32 $0x7, v3  }
0xf9: {  	v3 =	vor.u32 v3, v4  }
0xfa: {  	v4 =	vperm.xlane v3, v0;
	_ =	sdelay $0x1  }
0xfb: {  	v4 =	vadd.s32 v1, v4;
	_ =	sdelay $0x3  }
0xfc: {  	s13 =	simm.s32 $0x9100;
	v3 =	vperm.xlane v3, v2  }
0xfd: {  	[tilespmem:s13], [sflag:$0x1] =	stream.indirect_vreg.gather [hbm4b:s2+s3], $0x80, v4, vm0, $0xb8;
	[tilespmem:$0x18100] =	vst v63  }
0xfe: {  	v3 =	vadd.s32 v1, v3;
	s13 =	simm.s32 $0x9900  }
0xff: {  	[tilespmem:s13], [sflag:$0x1] =	stream.indirect_vreg.gather [hbm4b:s5+s3], $0x80, v4, vm0, $0xb8;
	[tilespmem:$0x18100] =	vst v63  }
0x100: {  	_ = 	snop  }
0x101: {  	[tilespmem:s11], [sflag:$0x1] =	stream.indirect_vreg.gather [hbm4b:s6+s3], $0x80, v4, vm0, $0xb8;
	[tilespmem:$0x18100] =	vst v63  }
0x102: {  	_ = 	snop  }
0x103: {  	[tilespmem:s9], [sflag:$0x1] =	stream.indirect_vreg.gather [hbm4b:s2+s3], $0x80, v3, vm0, $0xb8;
	[tilespmem:$0x18100] =	vst v63  }
0x104: {  	_ = 	snop  }
0x105: {  	[tilespmem:s10], [sflag:$0x1] =	stream.indirect_vreg.gather [hbm4b:s5+s3], $0x80, v3, vm0, $0xb8;
	[tilespmem:$0x18100] =	vst v63  }
0x106: {  	s12 =	simm.s32 $0xB900  }
0x107: {  	[tilespmem:s12], [sflag:$0x1] =	stream.indirect_vreg.gather [hbm4b:s6+s3], $0x80, v3, vm0, $0xb8;
	[tilespmem:$0x18100] =	vst v63  }
0x108: {  	s13 =	rddreg [dreg:$0x4]  }
0x109: {  	[hbm4b:s13+s3] =	stream.linear.scatter [tilespmem:s1], [sflag:$0x3], $0xC000, $0x38;
	[tilespmem:$0x18100] =	vst v63  }
0x10a: {  	_ =	swait.ge [sflag:s8], $0xC000  }
0x10b: {  	[sflag:s8] =	ssyncset.done $0x0  }
0x10c: {  	[sflag:s8] =	ssyncadd.s32 $0xFFFF4000  }
0x10d: {  	_ =	swait.ge [sflag:s0], $0xC000  }
0x10e: {  	[sflag:s0] =	ssyncset.done $0x0  }
0x10f: {  	[sflag:s0] =	ssyncadd.s32 $0xFFFF4000  }
0x110: {  	v3 =	vld [tilespmem:$0xC0];
	_ =	sdelay $0x4  }
0x111: {  	v60 =	vshrl.u32 v3, $0x3  }
0x112: {  	v4 =	vmul.u32 $0x30, v60  }
0x113: {  	v3 =	vand.u32 $0x7, v3  }
0x114: {  	v3 =	vor.u32 v3, v4  }
0x115: {  	v4 =	vperm.xlane v3, v0;
	_ =	sdelay $0x1  }
0x116: {  	v4 =	vadd.s32 v1, v4;
	_ =	sdelay $0x3  }
0x117: {  	v3 =	vperm.xlane v3, v2  }
0x118: {  	[tilespmem:s1], [sflag:$0x2] =	stream.indirect_vreg.gather [hbm4b:s2+s3], $0x80, v4, vm0, $0xb8;
	[tilespmem:$0x18100] =	vst v63  }
0x119: {  	s9 =	simm.s32 $0xC900;
	v3 =	vadd.s32 v1, v3  }
0x11a: {  	[tilespmem:s9], [sflag:$0x2] =	stream.indirect_vreg.gather [hbm4b:s5+s3], $0x80, v4, vm0, $0xb8;
	[tilespmem:$0x18100] =	vst v63  }
0x11b: {  	s12 =	simm.s32 $0xD100  }
0x11c: {  	[tilespmem:s12], [sflag:$0x2] =	stream.indirect_vreg.gather [hbm4b:s6+s3], $0x80, v4, vm0, $0xb8;
	[tilespmem:$0x18100] =	vst v63  }
0x11d: {  	s13 =	simm.s32 $0xD900  }
0x11e: {  	[tilespmem:s13], [sflag:$0x2] =	stream.indirect_vreg.gather [hbm4b:s2+s3], $0x80, v3, vm0, $0xb8;
	[tilespmem:$0x18100] =	vst v63  }
0x11f: {  	s9 =	simm.s32 $0xE100  }
0x120: {  	[tilespmem:s9], [sflag:$0x2] =	stream.indirect_vreg.gather [hbm4b:s5+s3], $0x80, v3, vm0, $0xb8;
	[tilespmem:$0x18100] =	vst v63  }
0x121: {  	s12 =	simm.s32 $0xE900  }
0x122: {  	[tilespmem:s12], [sflag:$0x2] =	stream.indirect_vreg.gather [hbm4b:s6+s3], $0x80, v3, vm0, $0xb8;
	[tilespmem:$0x18100] =	vst v63  }
0x123: {  	v3 =	vld [tilespmem:$0xD0];
	_ =	sdelay $0x4  }
0x124: {  	v61 =	vshrl.u32 v3, $0x3  }
0x125: {  	v4 =	vmul.u32 $0x30, v61  }
0x126: {  	v3 =	vand.u32 $0x7, v3  }
0x127: {  	v3 =	vor.u32 v3, v4  }
0x128: {  	v4 =	vperm.xlane v3, v0;
	_ =	sdelay $0x1  }
0x129: {  	v4 =	vadd.s32 v1, v4;
	_ =	sdelay $0x3  }
0x12a: {  	s13 =	simm.s32 $0xF100;
	v3 =	vperm.xlane v3, v2  }
0x12b: {  	[tilespmem:s13], [sflag:$0x2] =	stream.indirect_vreg.gather [hbm4b:s2+s3], $0x80, v4, vm0, $0xb8;
	[tilespmem:$0x18100] =	vst v63  }
0x12c: {  	s9 =	simm.s32 $0xF900;
	v3 =	vadd.s32 v1, v3  }
0x12d: {  	[tilespmem:s9], [sflag:$0x2] =	stream.indirect_vreg.gather [hbm4b:s5+s3], $0x80, v4, vm0, $0xb8;
	[tilespmem:$0x18100] =	vst v63  }
0x12e: {  	s12 =	simm.s32 $0x10100  }
0x12f: {  	[tilespmem:s12], [sflag:$0x2] =	stream.indirect_vreg.gather [hbm4b:s6+s3], $0x80, v4, vm0, $0xb8;
	[tilespmem:$0x18100] =	vst v63  }
0x130: {  	s13 =	simm.s32 $0x10900  }
0x131: {  	[tilespmem:s13], [sflag:$0x2] =	stream.indirect_vreg.gather [hbm4b:s2+s3], $0x80, v3, vm0, $0xb8;
	[tilespmem:$0x18100] =	vst v63  }
0x132: {  	s9 =	simm.s32 $0x11100  }
0x133: {  	[tilespmem:s9], [sflag:$0x2] =	stream.indirect_vreg.gather [hbm4b:s5+s3], $0x80, v3, vm0, $0xb8;
	[tilespmem:$0x18100] =	vst v63  }
0x134: {  	s12 =	simm.s32 $0x11900  }
0x135: {  	[tilespmem:s12], [sflag:$0x2] =	stream.indirect_vreg.gather [hbm4b:s6+s3], $0x80, v3, vm0, $0xb8;
	[tilespmem:$0x18100] =	vst v63  }
0x136: {  	v3 =	vld [tilespmem:$0xE0];
	_ =	sdelay $0x4  }
0x137: {  	v62 =	vshrl.u32 v3, $0x3  }
0x138: {  	v4 =	vmul.u32 $0x30, v62  }
0x139: {  	v3 =	vand.u32 $0x7, v3  }
0x13a: {  	v3 =	vor.u32 v3, v4  }
0x13b: {  	v4 =	vperm.xlane v3, v0;
	_ =	sdelay $0x1  }
0x13c: {  	v4 =	vadd.s32 v1, v4;
	_ =	sdelay $0x3  }
0x13d: {  	s13 =	simm.s32 $0x12100;
	v3 =	vperm.xlane v3, v2  }
0x13e: {  	[tilespmem:s13], [sflag:$0x2] =	stream.indirect_vreg.gather [hbm4b:s2+s3], $0x80, v4, vm0, $0xb8;
	[tilespmem:$0x18100] =	vst v63  }
0x13f: {  	s9 =	simm.s32 $0x12900;
	v3 =	vadd.s32 v1, v3  }
0x140: {  	[tilespmem:s9], [sflag:$0x2] =	stream.indirect_vreg.gather [hbm4b:s5+s3], $0x80, v4, vm0, $0xb8;
	[tilespmem:$0x18100] =	vst v63  }
0x141: {  	s12 =	simm.s32 $0x13100  }
0x142: {  	[tilespmem:s12], [sflag:$0x2] =	stream.indirect_vreg.gather [hbm4b:s6+s3], $0x80, v4, vm0, $0xb8;
	[tilespmem:$0x18100] =	vst v63  }
0x143: {  	s13 =	simm.s32 $0x13900  }
0x144: {  	[tilespmem:s13], [sflag:$0x2] =	stream.indirect_vreg.gather [hbm4b:s2+s3], $0x80, v3, vm0, $0xb8;
	[tilespmem:$0x18100] =	vst v63  }
0x145: {  	s9 =	simm.s32 $0x14100  }
0x146: {  	[tilespmem:s9], [sflag:$0x2] =	stream.indirect_vreg.gather [hbm4b:s5+s3], $0x80, v3, vm0, $0xb8;
	[tilespmem:$0x18100] =	vst v63  }
0x147: {  	s12 =	simm.s32 $0x14900  }
0x148: {  	[tilespmem:s12], [sflag:$0x2] =	stream.indirect_vreg.gather [hbm4b:s6+s3], $0x80, v3, vm0, $0xb8;
	[tilespmem:$0x18100] =	vst v63  }
0x149: {  	v3 =	vld [tilespmem:$0xF0];
	_ =	sdelay $0x4  }
0x14a: {  	v63 =	vshrl.u32 v3, $0x3  }
0x14b: {  	v4 =	vmul.u32 $0x30, v63  }
0x14c: {  	v3 =	vand.u32 $0x7, v3  }
0x14d: {  	v3 =	vor.u32 v3, v4  }
0x14e: {  	v4 =	vperm.xlane v3, v0;
	_ =	sdelay $0x1  }
0x14f: {  	v4 =	vadd.s32 v1, v4;
	_ =	sdelay $0x3  }
0x150: {  	s13 =	simm.s32 $0x15100;
	v3 =	vperm.xlane v3, v2  }
0x151: {  	[tilespmem:s13], [sflag:$0x2] =	stream.indirect_vreg.gather [hbm4b:s2+s3], $0x80, v4, vm0, $0xb8;
	[tilespmem:$0x18100] =	vst v63  }
0x152: {  	s9 =	simm.s32 $0x15900;
	v3 =	vadd.s32 v1, v3  }
0x153: {  	[tilespmem:s9], [sflag:$0x2] =	stream.indirect_vreg.gather [hbm4b:s5+s3], $0x80, v4, vm0, $0xb8;
	[tilespmem:$0x18100] =	vst v63  }
0x154: {  	s12 =	simm.s32 $0x16100  }
0x155: {  	[tilespmem:s12], [sflag:$0x2] =	stream.indirect_vreg.gather [hbm4b:s6+s3], $0x80, v4, vm0, $0xb8;
	[tilespmem:$0x18100] =	vst v63  }
0x156: {  	s13 =	simm.s32 $0x16900  }
0x157: {  	[tilespmem:s13], [sflag:$0x2] =	stream.indirect_vreg.gather [hbm4b:s2+s3], $0x80, v3, vm0, $0xb8;
	[tilespmem:$0x18100] =	vst v63  }
0x158: {  	s9 =	simm.s32 $0x17100  }
0x159: {  	[tilespmem:s9], [sflag:$0x2] =	stream.indirect_vreg.gather [hbm4b:s5+s3], $0x80, v3, vm0, $0xb8;
	[tilespmem:$0x18100] =	vst v63  }
0x15a: {  	s12 =	simm.s32 $0x17900  }
0x15b: {  	[tilespmem:s12], [sflag:$0x2] =	stream.indirect_vreg.gather [hbm4b:s6+s3], $0x80, v3, vm0, $0xb8;
	[tilespmem:$0x18100] =	vst v63  }
0x15c: {  	s13 =	rddreg [dreg:$0x5];
	s9 =	simm.s32 $0x100  }
0x15d: {  	[hbm4b:s13+s3] =	stream.linear.scatter [tilespmem:s9], [sflag:$0x3], $0xC000, $0x38;
	[tilespmem:$0x18100] =	vst v63  }
0x15e: {  	_ =	swait.ge [sflag:s8], $0xC000  }
0x15f: {  	[sflag:s8] =	ssyncset.done $0x0  }
0x160: {  	[sflag:s8] =	ssyncadd.s32 $0xFFFF4000  }
0x161: {  	_ =	swait.ge [sflag:s4], $0xC000  }
0x162: {  	p0 =	sne.s32 s7, $0x1;
	[sflag:s4] =	ssyncset.done $0x0  }
.Ltmp0:
0x163: {  	s12 =	rddreg [dreg:$0x6];
	[sflag:s4] =	ssyncadd.s32 $0xFFFF4000;
	(pc) =	sbr.rel @p0 .LBB2_1-.Ltmp0, $4  }
0x164: {  	[hbm4b:s12+s3] =	stream.linear.scatter [tilespmem:s1], [sflag:$0x3], $0xC000, $0x38;
	[tilespmem:$0x18100] =	vst v63  }
0x165: {  	_ =	swait.ge [sflag:s8], $0xC000  }
0x166: {  	[sflag:s8] =	ssyncset.done $0x0  }
0x167: {  	s7 =	sadd.s32 $0xFFFFFFFF, s7;
	[sflag:s8] =	ssyncadd.s32 $0xFFFF4000  }
0x168: {  	_ =	sfence.sel $0x180000  }
0x169: {  	[bflag:$0x0] =	sbarrier.arrive $0xFFFF  }
0x16a: {  	_ =	strace $0x9000004D  }
0x16b: {  	s0 =	stileid.u32;
	[bflag:$0x2] =	sbarrier.arrive $0xFFFF  }
0x16c: {  	p0 =	sne.s32 s0, $0x0;
	s0 =	rddreg [dreg:$0x2]  }
0x16d: {  	s0 =	sadd.s32 @!p0 $0x100000, s0  }
0x16e: {  	[sflag:s0] =	ssyncadd.tile.s32 @!p0 $0x1;
	_ =	shalt  }
.Lfunc_end2:
_tile_overlayer_lowered:
.L_overlay_start_2:
0x16f: {  	(tag) =	ssettag $0x2  }
0x170: {  	s0 =	rddreg [dreg:$0x0];
	s2 =	stileid.u32  }
0x171: {  	s1 =	rddreg [dreg:$0x1];
	p0 =	sne.s32 s2, $0x0  }
0x172: {  	s3 =	rddreg [dreg:$0x2];
	[bflag:$0x3] =	sbarrier.arrive $0xFFFF;
	s2 =	simm.s32 @!p0 $0x1C03  }
0x173: {  	[timem:s3], [sflag:s2] =	dma.local @!p0 [hbm:s0], s1  }
0x174: {  	s0 =	simm.s32 @!p0 $0x3  }
0x175: {  	_ =	swait.ge @!p0 [sflag:s0], s1  }
0x176: {  	s1 =	ssub.s32 @!p0 $0x0, s1;
	[sflag:s0] =	ssyncset.done @!p0 $0x0  }
0x177: {  	[sflag:s0] =	ssyncadd.s32 @!p0 s1  }
0x178: {  	[bflag:$0x3] =	sbarrier.arrive $0xFFFF  }
0x179: {  	_ =	shalt  }

// kernel: kernel.19.cloned.1.call-start
scs
__scs_entry_jumppad:
0x0: {  	(pc) =	sbr.rel $0x88, $3  }
0x1: {  	(tag) =	ssettag $0x0;
	lr =	simm.s32 $0x1  }
0x2: {  	[smem:$0x3F9E] =	sst lr;
	_ =	strace $0xD0000000  }
0x3: {  	_ = 	snop  }
0x4: {  	_ = 	snop  }
0x5: {  	_ = 	snop  }
0x6: {  	_ = 	snop  }
0x7: {  	_ = 	snop  }
__scs_overlays_trampoline_lowered:
0x8: {  	[smem:$0x3FAD] =	sst s0  }
0x9: {  	[smem:$0x3FAE] =	sst s1  }
0xa: {  	[smem:$0x3FAF] =	sst s2  }
0xb: {  	[smem:$0x3FB0] =	sst s3  }
0xc: {  	[smem:$0x3FB1] =	sst s4  }
0xd: {  	[smem:$0x3FB2] =	sst s5  }
0xe: {  	[smem:$0x3FB3] =	sst s6  }
0xf: {  	[smem:$0x3FB4] =	sst s7  }
0x10: {  	[smem:$0x3FB5] =	sst s8  }
0x11: {  	[smem:$0x3FB6] =	sst s9;
	s0 =	simm.s32 @!p0 $0x0  }
0x12: {  	s1 =	sld [smem:$0x3F9C];
	s0 =	simm.s32 @p0 $0x1  }
0x13: {  	[smem:$0x3FB7] =	sst s0;
	s0 =	simm.s32 @!p1 $0x0  }
0x14: {  	s2 =	sld [smem:$0x3F9B];
	s0 =	simm.s32 @p1 $0x1  }
0x15: {  	[smem:$0x3FB8] =	sst s0;
	s0 =	simm.s32 @!p2 $0x0  }
0x16: {  	s3 =	sld [smem:$0x3FDB];
	s0 =	simm.s32 @p2 $0x1  }
0x17: {  	s4 =	simm.s32 $0x1BF5;
	[smem:$0x3FBA] =	sst s0  }
0x18: {  	s0 =	sld [smem:$0x3F9D];
	_ =	swait.ge [sflag:s4], $0x0  }
0x19: {  	s7 =	sld [smem:$0x3F9E]  }
0x1a: {  	s8 =	sadd.s32 $0xFFFFE003, lr  }
0x1b: {  	s9 =	sadd.s32 $0xFFFFFEF7, lr;
	s5 =	simm.s32 $0xFFFFFFFF;
	p2 =	slt.u32 s8, $0xFFFFF086  }
0x1c: {  	p1 =	slt.u32 s9, $0xF7A;
	s5 =	simm.s32 @!p2 $0x0  }
0x1d: {  	s5 =	simm.s32 @p1 $0x1;
	p0 =	seq.s32 s7, s2  }
0x1e: {  	s7 =	smul.u32 @!p0 $0xF7A, s2;
	p2 =	seq.s32 @!p0 s5, $0x0  }
0x1f: {  	s9 =	smul.u32 $0xF7A, s1;
	s8 =	simm.s32 @!p0 $0x1BF5;
	p2 =	por !p2, p0  }
0x20: {  	[sflag:s8] =	ssyncset.s32 @!p0 $0xFFFFF086;
	s6 =	sadd.s32 @!p0 s3, s7;
	s7 =	simm.s32 @!p0 $0x108  }
0x21: {  	s3 =	sadd.s32 s3, s9;
	s6 =	sadd.s32 @!p0 $0x88, s6;
	s7 =	simm.s32 @p2 $0x1082  }
0x22: {  	[simem:s7], [sflag:s8] =	dma.local @!p0 [hbm:s6], $0xF7A  }
0x23: {  	s9 =	sor.u32 $0xD0000000, s2;
	s6 =	simm.s32 $0x108;
	_ =	swait.ge @!p0 [sflag:s8], $0x0  }
0x24: {  	s3 =	sadd.s32 $0x88, s3;
	s6 =	simm.s32 @!p1 $0x1082;
	[sflag:s4] =	ssyncset.s32 $0xFFFFF086  }
0x25: {  	[simem:s6], [sflag:s4] =	dma.local [hbm:s3], $0xF7A  }
0x26: {  	[smem:$0x3F9E] =	sst s1;
	(tag) =	ssettag s2;
	_ =	strace s9  }
0x27: {  	s1 =	sld [smem:$0x3FAE]  }
0x28: {  	s2 =	sld [smem:$0x3FAF]  }
0x29: {  	s4 =	sld [smem:$0x3FB1]  }
0x2a: {  	p0 =	seq.s32 s5, $0x0;
	s5 =	sld [smem:$0x3FB2]  }
0x2b: {  	s6 =	sld [smem:$0x3FB3]  }
0x2c: {  	s7 =	sld [smem:$0x3FB4]  }
0x2d: {  	s3 =	simm.s32 $0x108;
	s8 =	sld [smem:$0x3FB5]  }
0x2e: {  	s3 =	simm.s32 @!p0 $0x1082;
	s9 =	sld [smem:$0x3FB6]  }
0x2f: {  	lr =	sadd.s32 s0, s3;
	s0 =	sld [smem:$0x3FAD]  }
0x30: {  	s3 =	sld [smem:$0x3FB0]  }
0x31: {  	[smem:$0x3FB9] =	sst s10  }
0x32: {  	s10 =	sld [smem:$0x3FB7];
	_ =	sdelay $0x3  }
0x33: {  	p0 =	seq.s32 s10, $0x1;
	s10 =	sld [smem:$0x3FB9];
	_ =	sdelay $0x3  }
0x34: {  	[smem:$0x3FB9] =	sst s10  }
0x35: {  	s10 =	sld [smem:$0x3FB8];
	_ =	sdelay $0x3  }
0x36: {  	p1 =	seq.s32 s10, $0x1;
	s10 =	sld [smem:$0x3FB9];
	_ =	sdelay $0x3  }
0x37: {  	[smem:$0x3FB9] =	sst s10  }
0x38: {  	s10 =	sld [smem:$0x3FBA]  }
0x39: {  	_ = 	snop;
	(pc) =	sbr.ind lr, $3  }
0x3a: {  	_ = 	snop  }
0x3b: {  	_ = 	snop  }
0x3c: {  	p2 =	seq.s32 s10, $0x1;
	s10 =	sld [smem:$0x3FB9]  }
0x3d: {  	_ =	shalt  }
0x3e: {  	_ =	shalt  }
0x3f: {  	_ =	shalt  }
0x40: {  	_ =	shalt  }
0x41: {  	_ =	shalt  }
0x42: {  	_ =	shalt  }
0x43: {  	_ =	shalt  }
0x44: {  	_ =	shalt  }
0x45: {  	_ =	shalt  }
0x46: {  	_ =	shalt  }
0x47: {  	_ =	shalt  }
0x48: {  	_ =	shalt  }
0x49: {  	_ =	shalt  }
0x4a: {  	_ =	shalt  }
0x4b: {  	_ =	shalt  }
0x4c: {  	_ =	shalt  }
0x4d: {  	_ =	shalt  }
0x4e: {  	_ =	shalt  }
0x4f: {  	_ =	shalt  }
0x50: {  	_ =	shalt  }
0x51: {  	_ =	shalt  }
0x52: {  	_ =	shalt  }
0x53: {  	_ =	shalt  }
0x54: {  	_ =	shalt  }
0x55: {  	_ =	shalt  }
0x56: {  	_ =	shalt  }
0x57: {  	_ =	shalt  }
0x58: {  	_ =	shalt  }
0x59: {  	_ =	shalt  }
0x5a: {  	_ =	shalt  }
0x5b: {  	_ =	shalt  }
0x5c: {  	_ =	shalt  }
0x5d: {  	_ =	shalt  }
0x5e: {  	_ =	shalt  }
0x5f: {  	_ =	shalt  }
0x60: {  	_ =	shalt  }
0x61: {  	_ =	shalt  }
0x62: {  	_ =	shalt  }
0x63: {  	_ =	shalt  }
0x64: {  	_ =	shalt  }
0x65: {  	_ =	shalt  }
0x66: {  	_ =	shalt  }
0x67: {  	_ =	shalt  }
0x68: {  	_ =	shalt  }
0x69: {  	_ =	shalt  }
0x6a: {  	_ =	shalt  }
0x6b: {  	_ =	shalt  }
0x6c: {  	_ =	shalt  }
0x6d: {  	_ =	shalt  }
0x6e: {  	_ =	shalt  }
0x6f: {  	_ =	shalt  }
0x70: {  	_ =	shalt  }
0x71: {  	_ =	shalt  }
0x72: {  	_ =	shalt  }
0x73: {  	_ =	shalt  }
0x74: {  	_ =	shalt  }
0x75: {  	_ =	shalt  }
0x76: {  	_ =	shalt  }
0x77: {  	_ =	shalt  }
0x78: {  	_ =	shalt  }
0x79: {  	_ =	shalt  }
0x7a: {  	_ =	shalt  }
0x7b: {  	_ =	shalt  }
0x7c: {  	_ =	shalt  }
0x7d: {  	_ =	shalt  }
0x7e: {  	_ =	shalt  }
0x7f: {  	_ =	shalt  }
0x80: {  	_ =	shalt  }
0x81: {  	_ =	shalt  }
0x82: {  	_ =	shalt  }
0x83: {  	_ =	shalt  }
0x84: {  	_ =	shalt  }
0x85: {  	_ =	shalt  }
0x86: {  	_ =	shalt  }
0x87: {  	_ =	shalt  }
.Lfunc_end0:
.L_simem_size_0:
called_computation.3_lowered:
.L_overlay_start_0:
0x88: {  	s2 =	sld [smem:$0x3FD9]  }
0x89: {  	s3 =	sld [smem:$0x3FFE];
	_ =	sdelay $0x1  }
0x8a: {  	s1 =	srdreg.scid  }
0x8b: {  	s0 =	sand.u32 $0x1, s1  }
0x8c: {  	s17 =	sshll.u32 s0, $0xA;
	s2 =	sadd.s32 s3, s2  }
0x8d: {  	s2 =	sadd.s32 s2, s17  }
0x8e: {  	[smem:$0x3FC5] =	sst s2  }
0x8f: {  	_ = 	snop  }
0x90: {  	s18 =	sld [smem:$0x3FC8];
	(tm) =	ssettm $0x1  }
0x91: {  	s19 =	sld [smem:$0x3FFB];
	_ =	sdelay $0x3  }
0x92: {  	_ =	strace s19  }
0x93: {  	s2 =	sld [smem:$0x3FFC];
	_ =	sdelay $0x3  }
0x94: {  	_ =	strace s2  }
0x95: {  	s2 =	sld [smem:$0x3FFD];
	_ =	sdelay $0x3  }
0x96: {  	_ =	strace s2  }
0x97: {  	_ =	strace $0x8FFFFFFF  }
0x98: {  	s20 =	sld [smem:$0x3FDB];
	_ =	sdelay $0x1  }
0x99: {  	s4 =	simm.s32 $_scs_section_size  }
0x9a: {  	s5 =	simm.s32 $_size__tile_overlayer_lowered;
	s6 =	simm.s32 $_tile_overlayer_lowered  }
0x9b: {  	s7 =	simm.s32 $0x1BFF;
	s21 =	sshll.u32 s6, $0x1;
	s4 =	sadd.s32 s4, s20  }
0x9c: {  	s22 =	simm.s32 $0x0;
	s5 =	sshll.u32 s5, $0x1;
	s6 =	sadd.s32 s21, s4  }
0x9d: {  	[timem:s22], [sflag:s7] =	dma.local [hbm:s6], s5  }
0x9e: {  	_ =	swait.ge [sflag:s7], s5  }
0x9f: {  	s5 =	ssub.s32 $0x0, s5;
	[sflag:s7] =	ssyncset.done $0x0  }
0xa0: {  	[sflag:s7] =	ssyncadd.s32 s5;
	_ =	sdelay $0x1  }
0xa1: {  	s23 =	simm.s32 $0x1B8B  }
0xa2: {  	_ =	swait.ge [sflag:s23], $0x1  }
0xa3: {  	[sflag:s23] =	ssyncset.done $0x0  }
0xa4: {  	[sflag:s23] =	ssyncadd.s32 $0xFFFFFFFF  }
0xa5: {  	s5 =	sld [smem:$0x0]  }
0xa6: {  	s6 =	sand.u32 $0xFFFFFFFE, s1  }
0xa7: {  	p0 =	sne.s32 s1, s6  }
0xa8: {  	s6 =	sshll.u32 @p0 s6, $0xE  }
0xa9: {  	s6 =	sadd.s32 @p0 $0x11B8D, s6;
	s7 =	sshll.u32 @p0 s5, $0x11  }
0xaa: {  	s6 =	sor.u32 @p0 s7, s6  }
0xab: {  	[sflag:s6] =	ssyncadd.remote.s32 @p0 $0x1;
	_ =	sdelay $0x1  }
0xac: {  	s6 =	simm.s32 @p0 $0x1B8D  }
0xad: {  	_ =	swait.eq @p0 [sflag:s6], $0x1  }
0xae: {  	[sflag:s6] =	ssyncadd.s32 @p0 $0xFFFFFFFF  }
0xaf: {  	s7 =	sshll.u32 @!p0 s1, $0xE  }
0xb0: {  	s7 =	sor.u32 @!p0 $0x4000, s7;
	s6 =	simm.s32 @!p0 $0x1B8D  }
0xb1: {  	s5 =	sshll.u32 @!p0 s5, $0x11;
	s7 =	sadd.s32 @!p0 $0x11B8D, s7;
	_ =	swait.eq @!p0 [sflag:s6], $0x1  }
0xb2: {  	s5 =	sor.u32 @!p0 s5, s7;
	[sflag:s6] =	ssyncadd.s32 @!p0 $0xFFFFFFFF  }
0xb3: {  	s25 =	simm.s32 $0x1B8E;
	s24 =	sld [smem:$0x3FFE];
	[sflag:s5] =	ssyncadd.remote.s32 @!p0 $0x1  }
0xb4: {  	s26 =	simm.s32 $execute0_lowered;
	[smem:$0x3FD2] =	sst s25  }
0xb5: {  	s6 =	sshll.u32 s26, $0x1;
	_ =	strace $0x8000004F;
	[dreg:$0x1] =	wrdreg $0xFFFFFFFF  }
0xb6: {  	s28 =	simm.s32 $_size_execute0_lowered;
	s4 =	sadd.s32 s4, s6;
	[dreg:$0x0] =	wrdreg $0x0  }
0xb7: {  	s6 =	sshll.u32 s28, $0x1;
	[dreg:$0x2] =	wrdreg s4  }
0xb8: {  	[dreg:$0x3] =	wrdreg s6  }
0xb9: {  	[dreg:$0x4] =	wrdreg $0xC0  }
0xba: {  	_ =	task [dreg:s22], $0x5FFFF  }
0xbb: {  	[dreg:$0x1] =	wrdreg $0xFFFFFFFF  }
0xbc: {  	[dreg:$0x0] =	wrdreg $0x60  }
0xbd: {  	[dreg:$0x2] =	wrdreg s18  }
0xbe: {  	[dreg:$0x3] =	wrdreg s24  }
0xbf: {  	[dreg:$0x4] =	wrdreg $0xC  }
0xc0: {  	_ =	task.clear_ibuf [dreg:s22], $0x5FFFF;
	_ =	strace $0x9000004F  }
0xc1: {  	s29 =	simm.s32 $0xC;
	_ =	strace $0x80000051  }
0xc2: {  	_ =	swait.ge [sflag:s29], $0x1  }
0xc3: {  	[sflag:s29] =	ssyncadd.s32 $0xFFFFFFFF  }
0xc4: {  	_ =	strace $0x90000051  }
0xc5: {  	_ =	sfence  }
0xc6: {  	s30 =	sld [smem:$0x0];
	_ =	sdelay $0x2  }
0xc7: {  	s31 =	sshll.u32 s1, $0xD;
	s1 =	sshrl.u32 s1, $0x2  }
0xc8: {  	s4 =	sand.u32 $0x4000, s31;
	s1 =	sadd.s32 s1, s30  }
0xc9: {  	s0 =	sor.u32 s4, s0;
	s1 =	sshll.u32 s1, $0x11  }
0xca: {  	s0 =	sor.u32 s1, s0  }
0xcb: {  	s0 =	sadd.s32 $0x8F2B, s0  }
0xcc: {  	[sflag:s0] =	ssyncadd.remote.s32 $0x1  }
0xcd: {  	_ =	sfence.sel $0xFFFF  }
0xce: {  	[dreg:$0x0] =	wrdreg $0xFFFFFFFF;
	(pc) =	sbr.abs _section_cstart, $3  }
0xcf: {  	[dreg:$0x1] =	wrdreg $0xFFFFFFFF  }
0xd0: {  	_ =	task.clear_ibuf [dreg:s22], $0x2FFFF;
	_ =	strace $0x9FFFFFFF  }
0xd1: {  	(tm) =	ssettm $0x7FFFFFFF  }
tec
execute0_lowered:
.L_overlay_start_1:
0x0: {  	(tag) =	ssettag $0x1  }
0x1: {  	s0 =	srdreg.scid;
	s2 =	rddreg [dreg:$0x0]  }
0x2: {  	s3 =	stileid.u32;
	s1 =	rddreg [dreg:$0x1]  }
0x3: {  	s14 =	simm.s32 $0x900;
	s15 =	simm.s32 $0x1100;
	s16 =	simm.s32 $0x1900  }
0x4: {  	s17 =	simm.s32 $0x2100;
	s18 =	simm.s32 $0x2900;
	s19 =	simm.s32 $0x3100  }
0x5: {  	s20 =	simm.s32 $0x3900;
	s21 =	simm.s32 $0x4100;
	s22 =	simm.s32 $0x4900  }
0x6: {  	s23 =	simm.s32 $0x5100;
	s28 =	simm.s32 $0x7100;
	s29 =	simm.s32 $0x7900  }
0x7: {  	s30 =	simm.s32 $0x8100;
	s31 =	simm.s32 $0x8900;
	s0 =	sand.u32 $0x1, s0  }
0x8: {  	s11 =	simm.s32 $0xA100;
	s4 =	sshll.u32 s3, $0x6;
	s5 =	sshll.u32 s0, $0x5  }
0x9: {  	s10 =	simm.s32 $0xB100;
	s3 =	simm.s32 $0x0;
	s4 =	sor.u32 s5, s4  }
0xa: {  	[smem:$0x7FF] =	sst s3;
	s0 =	ssub.s32 $0x2, s0;
	s5 =	smul.u32 $0x300, s4  }
0xb: {  	_ =	strace $0x80000050;
	s7 =	sshrl.u32 s0, $0x1;
	s6 =	smul.u32 $0x1800, s4  }
0xc: {  	s4 =	sadd.s32 s4, s1;
	s1 =	sadd.s32 $0x242200, s1;
	s0 =	ssub.s32 s0, s7  }
0xd: {  	s4 =	sadd.s32 $0xC1E00, s4;
	s7 =	smax.u32 s0, $0x1;
	s8 =	sadd.s32 s1, s5  }
0xe: {  	s24 =	sshrl.u32 s6, $0x3;
	[dreg:$0x3] =	wrdreg s4;
	s5 =	sadd.s32 $0x100, s2  }
0xf: {  	s6 =	sadd.s32 $0x200, s2;
	s4 =	simm.s32 $0x2;
	[dreg:$0x7] =	wrdreg s8  }
0x10: {  	s25 =	sadd.s32 $0x1800, s8;
	s1 =	sadd.s32 s1, s24;
	s8 =	simm.s32 $0x3  }
0x11: {  	v2 =	vlaneseq.u32;
	s24 =	simm.s32 $0x5900;
	[dreg:$0x4] =	wrdreg s25;
	s26 =	sadd.s32 $0x3000, s1  }
0x12: {  	vm0 =	vmmov $0xffff;
	v1 =	vshrl.u32 v2, $0x3;
	s1 =	sadd.s32 $0x4800, s1;
	s25 =	simm.s32 $0x6100;
	[dreg:$0x5] =	wrdreg s26  }
0x13: {  	v0 =	vand.u32 $0x7, v2;
	v2 =	vor.u32 $0x8, v2;
	v1 =	vmul.u32 $0x8, v1;
	[dreg:$0x6] =	wrdreg s1;
	s26 =	simm.s32 $0x6900;
	s1 =	simm.s32 $0xC100  }
.LBB2_1:
0x14: {  	s13 =	rddreg [dreg:$0x3]  }
0x15: {  	[tilespmem:s3], [sflag:$0x3] =	stream.linear.gather [hbm4b:s13+s3], $0x100, $0x38;
	[tilespmem:$0x18100] =	vst v63  }
0x16: {  	_ =	swait.ge [sflag:s8], $0x100  }
0x17: {  	[sflag:s8] =	ssyncset.done $0x0  }
0x18: {  	[sflag:s8] =	ssyncadd.s32 $0xFFFFFF00  }
0x19: {  	v3 =	vld [tilespmem:$0x0];
	_ =	sdelay $0x4  }
0x1a: {  	v4 =	vshrl.u32 v3, $0x3  }
0x1b: {  	v4 =	vmul.u32 $0x30, v4  }
0x1c: {  	v3 =	vand.u32 $0x7, v3  }
0x1d: {  	v3 =	vor.u32 v3, v4  }
0x1e: {  	v4 =	vperm.xlane v3, v0;
	_ =	sdelay $0x1  }
0x1f: {  	v4 =	vadd.s32 v1, v4;
	_ =	sdelay $0x3  }
0x20: {  	s0 =	simm.s32 $0x100;
	v3 =	vperm.xlane v3, v2  }
0x21: {  	[tilespmem:s0], [sflag:$0x1] =	stream.indirect_vreg.gather [hbm4b:s2+s3], $0x80, v4, vm0, $0xb8;
	[tilespmem:$0x18100] =	vst v63  }
0x22: {  	v3 =	vadd.s32 v1, v3  }
0x23: {  	[tilespmem:s14], [sflag:$0x1] =	stream.indirect_vreg.gather [hbm4b:s5+s3], $0x80, v4, vm0, $0xb8;
	[tilespmem:$0x18100] =	vst v63  }
0x24: {  	_ = 	snop  }
0x25: {  	[tilespmem:s15], [sflag:$0x1] =	stream.indirect_vreg.gather [hbm4b:s6+s3], $0x80, v4, vm0, $0xb8;
	[tilespmem:$0x18100] =	vst v63  }
0x26: {  	_ = 	snop  }
0x27: {  	[tilespmem:s16], [sflag:$0x1] =	stream.indirect_vreg.gather [hbm4b:s2+s3], $0x80, v3, vm0, $0xb8;
	[tilespmem:$0x18100] =	vst v63  }
0x28: {  	_ = 	snop  }
0x29: {  	[tilespmem:s17], [sflag:$0x1] =	stream.indirect_vreg.gather [hbm4b:s5+s3], $0x80, v3, vm0, $0xb8;
	[tilespmem:$0x18100] =	vst v63  }
0x2a: {  	_ = 	snop  }
0x2b: {  	[tilespmem:s18], [sflag:$0x1] =	stream.indirect_vreg.gather [hbm4b:s6+s3], $0x80, v3, vm0, $0xb8;
	[tilespmem:$0x18100] =	vst v63  }
0x2c: {  	v3 =	vld [tilespmem:$0x10];
	_ =	sdelay $0x4  }
0x2d: {  	v49 =	vshrl.u32 v3, $0x3  }
0x2e: {  	v4 =	vmul.u32 $0x30, v49  }
0x2f: {  	v3 =	vand.u32 $0x7, v3  }
0x30: {  	v3 =	vor.u32 v3, v4  }
0x31: {  	v4 =	vperm.xlane v3, v0;
	_ =	sdelay $0x1  }
0x32: {  	v4 =	vadd.s32 v1, v4;
	_ =	sdelay $0x3  }
0x33: {  	v3 =	vperm.xlane v3, v2  }
0x34: {  	[tilespmem:s19], [sflag:$0x1] =	stream.indirect_vreg.gather [hbm4b:s2+s3], $0x80, v4, vm0, $0xb8;
	[tilespmem:$0x18100] =	vst v63  }
0x35: {  	v3 =	vadd.s32 v1, v3  }
0x36: {  	[tilespmem:s20], [sflag:$0x1] =	stream.indirect_vreg.gather [hbm4b:s5+s3], $0x80, v4, vm0, $0xb8;
	[tilespmem:$0x18100] =	vst v63  }
0x37: {  	_ = 	snop  }
0x38: {  	[tilespmem:s21], [sflag:$0x1] =	stream.indirect_vreg.gather [hbm4b:s6+s3], $0x80, v4, vm0, $0xb8;
	[tilespmem:$0x18100] =	vst v63  }
0x39: {  	_ = 	snop  }
0x3a: {  	[tilespmem:s22], [sflag:$0x1] =	stream.indirect_vreg.gather [hbm4b:s2+s3], $0x80, v3, vm0, $0xb8;
	[tilespmem:$0x18100] =	vst v63  }
0x3b: {  	_ = 	snop  }
0x3c: {  	[tilespmem:s23], [sflag:$0x1] =	stream.indirect_vreg.gather [hbm4b:s5+s3], $0x80, v3, vm0, $0xb8;
	[tilespmem:$0x18100] =	vst v63  }
0x3d: {  	_ = 	snop  }
0x3e: {  	[tilespmem:s24], [sflag:$0x1] =	stream.indirect_vreg.gather [hbm4b:s6+s3], $0x80, v3, vm0, $0xb8;
	[tilespmem:$0x18100] =	vst v63  }
0x3f: {  	v3 =	vld [tilespmem:$0x20];
	_ =	sdelay $0x4  }
0x40: {  	v50 =	vshrl.u32 v3, $0x3  }
0x41: {  	v4 =	vmul.u32 $0x30, v50  }
0x42: {  	v3 =	vand.u32 $0x7, v3  }
0x43: {  	v3 =	vor.u32 v3, v4  }
0x44: {  	v4 =	vperm.xlane v3, v0;
	_ =	sdelay $0x1  }
0x45: {  	v4 =	vadd.s32 v1, v4;
	_ =	sdelay $0x3  }
0x46: {  	v3 =	vperm.xlane v3, v2  }
0x47: {  	[tilespmem:s25], [sflag:$0x1] =	stream.indirect_vreg.gather [hbm4b:s2+s3], $0x80, v4, vm0, $0xb8;
	[tilespmem:$0x18100] =	vst v63  }
0x48: {  	v3 =	vadd.s32 v1, v3  }
0x49: {  	[tilespmem:s26], [sflag:$0x1] =	stream.indirect_vreg.gather [hbm4b:s5+s3], $0x80, v4, vm0, $0xb8;
	[tilespmem:$0x18100] =	vst v63  }
0x4a: {  	_ = 	snop  }
0x4b: {  	[tilespmem:s28], [sflag:$0x1] =	stream.indirect_vreg.gather [hbm4b:s6+s3], $0x80, v4, vm0, $0xb8;
	[tilespmem:$0x18100] =	vst v63  }
0x4c: {  	_ = 	snop  }
0x4d: {  	[tilespmem:s29], [sflag:$0x1] =	stream.indirect_vreg.gather [hbm4b:s2+s3], $0x80, v3, vm0, $0xb8;
	[tilespmem:$0x18100] =	vst v63  }
0x4e: {  	_ = 	snop  }
0x4f: {  	[tilespmem:s30], [sflag:$0x1] =	stream.indirect_vreg.gather [hbm4b:s5+s3], $0x80, v3, vm0, $0xb8;
	[tilespmem:$0x18100] =	vst v63  }
0x50: {  	_ = 	snop  }
0x51: {  	[tilespmem:s31], [sflag:$0x1] =	stream.indirect_vreg.gather [hbm4b:s6+s3], $0x80, v3, vm0, $0xb8;
	[tilespmem:$0x18100] =	vst v63  }
0x52: {  	v3 =	vld [tilespmem:$0x30];
	_ =	sdelay $0x4  }
0x53: {  	v51 =	vshrl.u32 v3, $0x3  }
0x54: {  	v4 =	vmul.u32 $0x30, v51  }
0x55: {  	v3 =	vand.u32 $0x7, v3  }
0x56: {  	v3 =	vor.u32 v3, v4  }
0x57: {  	v4 =	vperm.xlane v3, v0;
	_ =	sdelay $0x1  }
0x58: {  	v4 =	vadd.s32 v1, v4;
	_ =	sdelay $0x3  }
0x59: {  	s13 =	simm.s32 $0x9100;
	v3 =	vperm.xlane v3, v2  }
0x5a: {  	[tilespmem:s13], [sflag:$0x1] =	stream.indirect_vreg.gather [hbm4b:s2+s3], $0x80, v4, vm0, $0xb8;
	[tilespmem:$0x18100] =	vst v63  }
0x5b: {  	s9 =	simm.s32 $0x9900;
	v3 =	vadd.s32 v1, v3  }
0x5c: {  	[tilespmem:s9], [sflag:$0x1] =	stream.indirect_vreg.gather [hbm4b:s5+s3], $0x80, v4, vm0, $0xb8;
	[tilespmem:$0x18100] =	vst v63  }
0x5d: {  	_ = 	snop  }
0x5e: {  	[tilespmem:s11], [sflag:$0x1] =	stream.indirect_vreg.gather [hbm4b:s6+s3], $0x80, v4, vm0, $0xb8;
	[tilespmem:$0x18100] =	vst v63  }
0x5f: {  	s9 =	simm.s32 $0xA900  }
0x60: {  	[tilespmem:s9], [sflag:$0x1] =	stream.indirect_vreg.gather [hbm4b:s2+s3], $0x80, v3, vm0, $0xb8;
	[tilespmem:$0x18100] =	vst v63  }
0x61: {  	_ = 	snop  }
0x62: {  	[tilespmem:s10], [sflag:$0x1] =	stream.indirect_vreg.gather [hbm4b:s5+s3], $0x80, v3, vm0, $0xb8;
	[tilespmem:$0x18100] =	vst v63  }
0x63: {  	s12 =	simm.s32 $0xB900;
	s0 =	simm.s32 $0x1  }
0x64: {  	[tilespmem:s12], [sflag:$0x1] =	stream.indirect_vreg.gather [hbm4b:s6+s3], $0x80, v3, vm0, $0xb8;
	[tilespmem:$0x18100] =	vst v63  }
0x65: {  	_ =	swait.ge [sflag:s0], $0xC000  }
0x66: {  	[sflag:s0] =	ssyncset.done $0x0  }
0x67: {  	[sflag:s0] =	ssyncadd.s32 $0xFFFF4000  }
0x68: {  	v3 =	vld [tilespmem:$0x40];
	_ =	sdelay $0x4  }
0x69: {  	v52 =	vshrl.u32 v3, $0x3  }
0x6a: {  	v4 =	vmul.u32 $0x30, v52  }
0x6b: {  	v3 =	vand.u32 $0x7, v3  }
0x6c: {  	v3 =	vor.u32 v3, v4  }
0x6d: {  	v4 =	vperm.xlane v3, v0;
	_ =	sdelay $0x1  }
0x6e: {  	v4 =	vadd.s32 v1, v4;
	_ =	sdelay $0x3  }
0x6f: {  	v3 =	vperm.xlane v3, v2  }
0x70: {  	[tilespmem:s1], [sflag:$0x2] =	stream.indirect_vreg.gather [hbm4b:s2+s3], $0x80, v4, vm0, $0xb8;
	[tilespmem:$0x18100] =	vst v63  }
0x71: {  	s12 =	simm.s32 $0xC900;
	v3 =	vadd.s32 v1, v3  }
0x72: {  	[tilespmem:s12], [sflag:$0x2] =	stream.indirect_vreg.gather [hbm4b:s5+s3], $0x80, v4, vm0, $0xb8;
	[tilespmem:$0x18100] =	vst v63  }
0x73: {  	s13 =	simm.s32 $0xD100  }
0x74: {  	[tilespmem:s13], [sflag:$0x2] =	stream.indirect_vreg.gather [hbm4b:s6+s3], $0x80, v4, vm0, $0xb8;
	[tilespmem:$0x18100] =	vst v63  }
0x75: {  	s13 =	simm.s32 $0xD900  }
0x76: {  	[tilespmem:s13], [sflag:$0x2] =	stream.indirect_vreg.gather [hbm4b:s2+s3], $0x80, v3, vm0, $0xb8;
	[tilespmem:$0x18100] =	vst v63  }
0x77: {  	s13 =	simm.s32 $0xE100  }
0x78: {  	[tilespmem:s13], [sflag:$0x2] =	stream.indirect_vreg.gather [hbm4b:s5+s3], $0x80, v3, vm0, $0xb8;
	[tilespmem:$0x18100] =	vst v63  }
0x79: {  	s13 =	simm.s32 $0xE900  }
0x7a: {  	[tilespmem:s13], [sflag:$0x2] =	stream.indirect_vreg.gather [hbm4b:s6+s3], $0x80, v3, vm0, $0xb8;
	[tilespmem:$0x18100] =	vst v63  }
0x7b: {  	v3 =	vld [tilespmem:$0x50];
	_ =	sdelay $0x4  }
0x7c: {  	v53 =	vshrl.u32 v3, $0x3  }
0x7d: {  	v4 =	vmul.u32 $0x30, v53  }
0x7e: {  	v3 =	vand.u32 $0x7, v3  }
0x7f: {  	v3 =	vor.u32 v3, v4  }
0x80: {  	v4 =	vperm.xlane v3, v0;
	_ =	sdelay $0x1  }
0x81: {  	v4 =	vadd.s32 v1, v4;
	_ =	sdelay $0x3  }
0x82: {  	s13 =	simm.s32 $0xF100;
	v3 =	vperm.xlane v3, v2  }
0x83: {  	[tilespmem:s13], [sflag:$0x2] =	stream.indirect_vreg.gather [hbm4b:s2+s3], $0x80, v4, vm0, $0xb8;
	[tilespmem:$0x18100] =	vst v63  }
0x84: {  	v3 =	vadd.s32 v1, v3;
	s13 =	simm.s32 $0xF900  }
0x85: {  	[tilespmem:s13], [sflag:$0x2] =	stream.indirect_vreg.gather [hbm4b:s5+s3], $0x80, v4, vm0, $0xb8;
	[tilespmem:$0x18100] =	vst v63  }
0x86: {  	s13 =	simm.s32 $0x10100  }
0x87: {  	[tilespmem:s13], [sflag:$0x2] =	stream.indirect_vreg.gather [hbm4b:s6+s3], $0x80, v4, vm0, $0xb8;
	[tilespmem:$0x18100] =	vst v63  }
0x88: {  	s13 =	simm.s32 $0x10900  }
0x89: {  	[tilespmem:s13], [sflag:$0x2] =	stream.indirect_vreg.gather [hbm4b:s2+s3], $0x80, v3, vm0, $0xb8;
	[tilespmem:$0x18100] =	vst v63  }
0x8a: {  	s13 =	simm.s32 $0x11100  }
0x8b: {  	[tilespmem:s13], [sflag:$0x2] =	stream.indirect_vreg.gather [hbm4b:s5+s3], $0x80, v3, vm0, $0xb8;
	[tilespmem:$0x18100] =	vst v63  }
0x8c: {  	s13 =	simm.s32 $0x11900  }
0x8d: {  	[tilespmem:s13], [sflag:$0x2] =	stream.indirect_vreg.gather [hbm4b:s6+s3], $0x80, v3, vm0, $0xb8;
	[tilespmem:$0x18100] =	vst v63  }
0x8e: {  	v3 =	vld [tilespmem:$0x60];
	_ =	sdelay $0x4  }
0x8f: {  	v54 =	vshrl.u32 v3, $0x3  }
0x90: {  	v4 =	vmul.u32 $0x30, v54  }
0x91: {  	v3 =	vand.u32 $0x7, v3  }
0x92: {  	v3 =	vor.u32 v3, v4  }
0x93: {  	v4 =	vperm.xlane v3, v0;
	_ =	sdelay $0x1  }
0x94: {  	v4 =	vadd.s32 v1, v4;
	_ =	sdelay $0x3  }
0x95: {  	s13 =	simm.s32 $0x12100;
	v3 =	vperm.xlane v3, v2  }
0x96: {  	[tilespmem:s13], [sflag:$0x2] =	stream.indirect_vreg.gather [hbm4b:s2+s3], $0x80, v4, vm0, $0xb8;
	[tilespmem:$0x18100] =	vst v63  }
0x97: {  	v3 =	vadd.s32 v1, v3;
	s13 =	simm.s32 $0x12900  }
0x98: {  	[tilespmem:s13], [sflag:$0x2] =	stream.indirect_vreg.gather [hbm4b:s5+s3], $0x80, v4, vm0, $0xb8;
	[tilespmem:$0x18100] =	vst v63  }
0x99: {  	s13 =	simm.s32 $0x13100  }
0x9a: {  	[tilespmem:s13], [sflag:$0x2] =	stream.indirect_vreg.gather [hbm4b:s6+s3], $0x80, v4, vm0, $0xb8;
	[tilespmem:$0x18100] =	vst v63  }
0x9b: {  	s13 =	simm.s32 $0x13900  }
0x9c: {  	[tilespmem:s13], [sflag:$0x2] =	stream.indirect_vreg.gather [hbm4b:s2+s3], $0x80, v3, vm0, $0xb8;
	[tilespmem:$0x18100] =	vst v63  }
0x9d: {  	s13 =	simm.s32 $0x14100  }
0x9e: {  	[tilespmem:s13], [sflag:$0x2] =	stream.indirect_vreg.gather [hbm4b:s5+s3], $0x80, v3, vm0, $0xb8;
	[tilespmem:$0x18100] =	vst v63  }
0x9f: {  	s13 =	simm.s32 $0x14900  }
0xa0: {  	[tilespmem:s13], [sflag:$0x2] =	stream.indirect_vreg.gather [hbm4b:s6+s3], $0x80, v3, vm0, $0xb8;
	[tilespmem:$0x18100] =	vst v63  }
0xa1: {  	v3 =	vld [tilespmem:$0x70];
	_ =	sdelay $0x4  }
0xa2: {  	v55 =	vshrl.u32 v3, $0x3  }
0xa3: {  	v4 =	vmul.u32 $0x30, v55  }
0xa4: {  	v3 =	vand.u32 $0x7, v3  }
0xa5: {  	v3 =	vor.u32 v3, v4  }
0xa6: {  	v4 =	vperm.xlane v3, v0;
	_ =	sdelay $0x1  }
0xa7: {  	v4 =	vadd.s32 v1, v4;
	_ =	sdelay $0x3  }
0xa8: {  	s13 =	simm.s32 $0x15100;
	v3 =	vperm.xlane v3, v2  }
0xa9: {  	[tilespmem:s13], [sflag:$0x2] =	stream.indirect_vreg.gather [hbm4b:s2+s3], $0x80, v4, vm0, $0xb8;
	[tilespmem:$0x18100] =	vst v63  }
0xaa: {  	v3 =	vadd.s32 v1, v3;
	s13 =	simm.s32 $0x15900  }
0xab: {  	[tilespmem:s13], [sflag:$0x2] =	stream.indirect_vreg.gather [hbm4b:s5+s3], $0x80, v4, vm0, $0xb8;
	[tilespmem:$0x18100] =	vst v63  }
0xac: {  	s13 =	simm.s32 $0x16100  }
0xad: {  	[tilespmem:s13], [sflag:$0x2] =	stream.indirect_vreg.gather [hbm4b:s6+s3], $0x80, v4, vm0, $0xb8;
	[tilespmem:$0x18100] =	vst v63  }
0xae: {  	s13 =	simm.s32 $0x16900  }
0xaf: {  	[tilespmem:s13], [sflag:$0x2] =	stream.indirect_vreg.gather [hbm4b:s2+s3], $0x80, v3, vm0, $0xb8;
	[tilespmem:$0x18100] =	vst v63  }
0xb0: {  	s13 =	simm.s32 $0x17100  }
0xb1: {  	[tilespmem:s13], [sflag:$0x2] =	stream.indirect_vreg.gather [hbm4b:s5+s3], $0x80, v3, vm0, $0xb8;
	[tilespmem:$0x18100] =	vst v63  }
0xb2: {  	s13 =	simm.s32 $0x17900  }
0xb3: {  	[tilespmem:s13], [sflag:$0x2] =	stream.indirect_vreg.gather [hbm4b:s6+s3], $0x80, v3, vm0, $0xb8;
	[tilespmem:$0x18100] =	vst v63  }
0xb4: {  	s12 =	simm.s32 $0x100;
	s13 =	rddreg [dreg:$0x7]  }
0xb5: {  	[hbm4b:s13+s3] =	stream.linear.scatter [tilespmem:s12], [sflag:$0x3], $0xC000, $0x38;
	[tilespmem:$0x18100] =	vst v63  }
0xb6: {  	_ =	swait.ge [sflag:s8], $0xC000  }
0xb7: {  	[sflag:s8] =	ssyncset.done $0x0  }
0xb8: {  	[sflag:s8] =	ssyncadd.s32 $0xFFFF4000  }
0xb9: {  	_ =	swait.ge [sflag:s4], $0xC000  }
0xba: {  	[sflag:s4] =	ssyncset.done $0x0  }
0xbb: {  	[sflag:s4] =	ssyncadd.s32 $0xFFFF4000  }
0xbc: {  	v3 =	vld [tilespmem:$0x80];
	_ =	sdelay $0x4  }
0xbd: {  	v56 =	vshrl.u32 v3, $0x3  }
0xbe: {  	v4 =	vmul.u32 $0x30, v56  }
0xbf: {  	v3 =	vand.u32 $0x7, v3  }
0xc0: {  	v3 =	vor.u32 v3, v4  }
0xc1: {  	v4 =	vperm.xlane v3, v0;
	_ =	sdelay $0x1  }
0xc2: {  	v4 =	vadd.s32 v1, v4;
	_ =	sdelay $0x3  }
0xc3: {  	v3 =	vperm.xlane v3, v2  }
0xc4: {  	[tilespmem:s12], [sflag:$0x1] =	stream.indirect_vreg.gather [hbm4b:s2+s3], $0x80, v4, vm0, $0xb8;
	[tilespmem:$0x18100] =	vst v63  }
0xc5: {  	v3 =	vadd.s32 v1, v3  }
0xc6: {  	[tilespmem:s14], [sflag:$0x1] =	stream.indirect_vreg.gather [hbm4b:s5+s3], $0x80, v4, vm0, $0xb8;
	[tilespmem:$0x18100] =	vst v63  }
0xc7: {  	_ = 	snop  }
0xc8: {  	[tilespmem:s15], [sflag:$0x1] =	stream.indirect_vreg.gather [hbm4b:s6+s3], $0x80, v4, vm0, $0xb8;
	[tilespmem:$0x18100] =	vst v63  }
0xc9: {  	_ = 	snop  }
0xca: {  	[tilespmem:s16], [sflag:$0x1] =	stream.indirect_vreg.gather [hbm4b:s2+s3], $0x80, v3, vm0, $0xb8;
	[tilespmem:$0x18100] =	vst v63  }
0xcb: {  	_ = 	snop  }
0xcc: {  	[tilespmem:s17], [sflag:$0x1] =	stream.indirect_vreg.gather [hbm4b:s5+s3], $0x80, v3, vm0, $0xb8;
	[tilespmem:$0x18100] =	vst v63  }
0xcd: {  	_ = 	snop  }
0xce: {  	[tilespmem:s18], [sflag:$0x1] =	stream.indirect_vreg.gather [hbm4b:s6+s3], $0x80, v3, vm0, $0xb8;
	[tilespmem:$0x18100] =	vst v63  }
0xcf: {  	v3 =	vld [tilespmem:$0x90];
	_ =	sdelay $0x4  }
0xd0: {  	v57 =	vshrl.u32 v3, $0x3  }
0xd1: {  	v4 =	vmul.u32 $0x30, v57  }
0xd2: {  	v3 =	vand.u32 $0x7, v3  }
0xd3: {  	v3 =	vor.u32 v3, v4  }
0xd4: {  	v4 =	vperm.xlane v3, v0;
	_ =	sdelay $0x1  }
0xd5: {  	v4 =	vadd.s32 v1, v4;
	_ =	sdelay $0x3  }
0xd6: {  	v3 =	vperm.xlane v3, v2  }
0xd7: {  	[tilespmem:s19], [sflag:$0x1] =	stream.indirect_vreg.gather [hbm4b:s2+s3], $0x80, v4, vm0, $0xb8;
	[tilespmem:$0x18100] =	vst v63  }
0xd8: {  	v3 =	vadd.s32 v1, v3  }
0xd9: {  	[tilespmem:s20], [sflag:$0x1] =	stream.indirect_vreg.gather [hbm4b:s5+s3], $0x80, v4, vm0, $0xb8;
	[tilespmem:$0x18100] =	vst v63  }
0xda: {  	_ = 	snop  }
0xdb: {  	[tilespmem:s21], [sflag:$0x1] =	stream.indirect_vreg.gather [hbm4b:s6+s3], $0x80, v4, vm0, $0xb8;
	[tilespmem:$0x18100] =	vst v63  }
0xdc: {  	_ = 	snop  }
0xdd: {  	[tilespmem:s22], [sflag:$0x1] =	stream.indirect_vreg.gather [hbm4b:s2+s3], $0x80, v3, vm0, $0xb8;
	[tilespmem:$0x18100] =	vst v63  }
0xde: {  	_ = 	snop  }
0xdf: {  	[tilespmem:s23], [sflag:$0x1] =	stream.indirect_vreg.gather [hbm4b:s5+s3], $0x80, v3, vm0, $0xb8;
	[tilespmem:$0x18100] =	vst v63  }
0xe0: {  	_ = 	snop  }
0xe1: {  	[tilespmem:s24], [sflag:$0x1] =	stream.indirect_vreg.gather [hbm4b:s6+s3], $0x80, v3, vm0, $0xb8;
	[tilespmem:$0x18100] =	vst v63  }
0xe2: {  	v3 =	vld [tilespmem:$0xA0];
	_ =	sdelay $0x4  }
0xe3: {  	v58 =	vshrl.u32 v3, $0x3  }
0xe4: {  	v4 =	vmul.u32 $0x30, v58  }
0xe5: {  	v3 =	vand.u32 $0x7, v3  }
0xe6: {  	v3 =	vor.u32 v3, v4  }
0xe7: {  	v4 =	vperm.xlane v3, v0;
	_ =	sdelay $0x1  }
0xe8: {  	v4 =	vadd.s32 v1, v4;
	_ =	sdelay $0x3  }
0xe9: {  	v3 =	vperm.xlane v3, v2  }
0xea: {  	[tilespmem:s25], [sflag:$0x1] =	stream.indirect_vreg.gather [hbm4b:s2+s3], $0x80, v4, vm0, $0xb8;
	[tilespmem:$0x18100] =	vst v63  }
0xeb: {  	v3 =	vadd.s32 v1, v3  }
0xec: {  	[tilespmem:s26], [sflag:$0x1] =	stream.indirect_vreg.gather [hbm4b:s5+s3], $0x80, v4, vm0, $0xb8;
	[tilespmem:$0x18100] =	vst v63  }
0xed: {  	_ = 	snop  }
0xee: {  	[tilespmem:s28], [sflag:$0x1] =	stream.indirect_vreg.gather [hbm4b:s6+s3], $0x80, v4, vm0, $0xb8;
	[tilespmem:$0x18100] =	vst v63  }
0xef: {  	_ = 	snop  }
0xf0: {  	[tilespmem:s29], [sflag:$0x1] =	stream.indirect_vreg.gather [hbm4b:s2+s3], $0x80, v3, vm0, $0xb8;
	[tilespmem:$0x18100] =	vst v63  }
0xf1: {  	_ = 	snop  }
0xf2: {  	[tilespmem:s30], [sflag:$0x1] =	stream.indirect_vreg.gather [hbm4b:s5+s3], $0x80, v3, vm0, $0xb8;
	[tilespmem:$0x18100] =	vst v63  }
0xf3: {  	_ = 	snop  }
0xf4: {  	[tilespmem:s31], [sflag:$0x1] =	stream.indirect_vreg.gather [hbm4b:s6+s3], $0x80, v3, vm0, $0xb8;
	[tilespmem:$0x18100] =	vst v63  }
0xf5: {  	v3 =	vld [tilespmem:$0xB0];
	_ =	sdelay $0x4  }
0xf6: {  	v59 =	vshrl.u32 v3, $0x3  }
0xf7: {  	v4 =	vmul.u32 $0x30, v59  }
0xf8: {  	v3 =	vand.u32 $0x7, v3  }
0xf9: {  	v3 =	vor.u32 v3, v4  }
0xfa: {  	v4 =	vperm.xlane v3, v0;
	_ =	sdelay $0x1  }
0xfb: {  	v4 =	vadd.s32 v1, v4;
	_ =	sdelay $0x3  }
0xfc: {  	s13 =	simm.s32 $0x9100;
	v3 =	vperm.xlane v3, v2  }
0xfd: {  	[tilespmem:s13], [sflag:$0x1] =	stream.indirect_vreg.gather [hbm4b:s2+s3], $0x80, v4, vm0, $0xb8;
	[tilespmem:$0x18100] =	vst v63  }
0xfe: {  	v3 =	vadd.s32 v1, v3;
	s13 =	simm.s32 $0x9900  }
0xff: {  	[tilespmem:s13], [sflag:$0x1] =	stream.indirect_vreg.gather [hbm4b:s5+s3], $0x80, v4, vm0, $0xb8;
	[tilespmem:$0x18100] =	vst v63  }
0x100: {  	_ = 	snop  }
0x101: {  	[tilespmem:s11], [sflag:$0x1] =	stream.indirect_vreg.gather [hbm4b:s6+s3], $0x80, v4, vm0, $0xb8;
	[tilespmem:$0x18100] =	vst v63  }
0x102: {  	_ = 	snop  }
0x103: {  	[tilespmem:s9], [sflag:$0x1] =	stream.indirect_vreg.gather [hbm4b:s2+s3], $0x80, v3, vm0, $0xb8;
	[tilespmem:$0x18100] =	vst v63  }
0x104: {  	_ = 	snop  }
0x105: {  	[tilespmem:s10], [sflag:$0x1] =	stream.indirect_vreg.gather [hbm4b:s5+s3], $0x80, v3, vm0, $0xb8;
	[tilespmem:$0x18100] =	vst v63  }
0x106: {  	s12 =	simm.s32 $0xB900  }
0x107: {  	[tilespmem:s12], [sflag:$0x1] =	stream.indirect_vreg.gather [hbm4b:s6+s3], $0x80, v3, vm0, $0xb8;
	[tilespmem:$0x18100] =	vst v63  }
0x108: {  	s13 =	rddreg [dreg:$0x4]  }
0x109: {  	[hbm4b:s13+s3] =	stream.linear.scatter [tilespmem:s1], [sflag:$0x3], $0xC000, $0x38;
	[tilespmem:$0x18100] =	vst v63  }
0x10a: {  	_ =	swait.ge [sflag:s8], $0xC000  }
0x10b: {  	[sflag:s8] =	ssyncset.done $0x0  }
0x10c: {  	[sflag:s8] =	ssyncadd.s32 $0xFFFF4000  }
0x10d: {  	_ =	swait.ge [sflag:s0], $0xC000  }
0x10e: {  	[sflag:s0] =	ssyncset.done $0x0  }
0x10f: {  	[sflag:s0] =	ssyncadd.s32 $0xFFFF4000  }
0x110: {  	v3 =	vld [tilespmem:$0xC0];
	_ =	sdelay $0x4  }
0x111: {  	v60 =	vshrl.u32 v3, $0x3  }
0x112: {  	v4 =	vmul.u32 $0x30, v60  }
0x113: {  	v3 =	vand.u32 $0x7, v3  }
0x114: {  	v3 =	vor.u32 v3, v4  }
0x115: {  	v4 =	vperm.xlane v3, v0;
	_ =	sdelay $0x1  }
0x116: {  	v4 =	vadd.s32 v1, v4;
	_ =	sdelay $0x3  }
0x117: {  	v3 =	vperm.xlane v3, v2  }
0x118: {  	[tilespmem:s1], [sflag:$0x2] =	stream.indirect_vreg.gather [hbm4b:s2+s3], $0x80, v4, vm0, $0xb8;
	[tilespmem:$0x18100] =	vst v63  }
0x119: {  	s9 =	simm.s32 $0xC900;
	v3 =	vadd.s32 v1, v3  }
0x11a: {  	[tilespmem:s9], [sflag:$0x2] =	stream.indirect_vreg.gather [hbm4b:s5+s3], $0x80, v4, vm0, $0xb8;
	[tilespmem:$0x18100] =	vst v63  }
0x11b: {  	s12 =	simm.s32 $0xD100  }
0x11c: {  	[tilespmem:s12], [sflag:$0x2] =	stream.indirect_vreg.gather [hbm4b:s6+s3], $0x80, v4, vm0, $0xb8;
	[tilespmem:$0x18100] =	vst v63  }
0x11d: {  	s13 =	simm.s32 $0xD900  }
0x11e: {  	[tilespmem:s13], [sflag:$0x2] =	stream.indirect_vreg.gather [hbm4b:s2+s3], $0x80, v3, vm0, $0xb8;
	[tilespmem:$0x18100] =	vst v63  }
0x11f: {  	s9 =	simm.s32 $0xE100  }
0x120: {  	[tilespmem:s9], [sflag:$0x2] =	stream.indirect_vreg.gather [hbm4b:s5+s3], $0x80, v3, vm0, $0xb8;
	[tilespmem:$0x18100] =	vst v63  }
0x121: {  	s12 =	simm.s32 $0xE900  }
0x122: {  	[tilespmem:s12], [sflag:$0x2] =	stream.indirect_vreg.gather [hbm4b:s6+s3], $0x80, v3, vm0, $0xb8;
	[tilespmem:$0x18100] =	vst v63  }
0x123: {  	v3 =	vld [tilespmem:$0xD0];
	_ =	sdelay $0x4  }
0x124: {  	v61 =	vshrl.u32 v3, $0x3  }
0x125: {  	v4 =	vmul.u32 $0x30, v61  }
0x126: {  	v3 =	vand.u32 $0x7, v3  }
0x127: {  	v3 =	vor.u32 v3, v4  }
0x128: {  	v4 =	vperm.xlane v3, v0;
	_ =	sdelay $0x1  }
0x129: {  	v4 =	vadd.s32 v1, v4;
	_ =	sdelay $0x3  }
0x12a: {  	s13 =	simm.s32 $0xF100;
	v3 =	vperm.xlane v3, v2  }
0x12b: {  	[tilespmem:s13], [sflag:$0x2] =	stream.indirect_vreg.gather [hbm4b:s2+s3], $0x80, v4, vm0, $0xb8;
	[tilespmem:$0x18100] =	vst v63  }
0x12c: {  	s9 =	simm.s32 $0xF900;
	v3 =	vadd.s32 v1, v3  }
0x12d: {  	[tilespmem:s9], [sflag:$0x2] =	stream.indirect_vreg.gather [hbm4b:s5+s3], $0x80, v4, vm0, $0xb8;
	[tilespmem:$0x18100] =	vst v63  }
0x12e: {  	s12 =	simm.s32 $0x10100  }
0x12f: {  	[tilespmem:s12], [sflag:$0x2] =	stream.indirect_vreg.gather [hbm4b:s6+s3], $0x80, v4, vm0, $0xb8;
	[tilespmem:$0x18100] =	vst v63  }
0x130: {  	s13 =	simm.s32 $0x10900  }
0x131: {  	[tilespmem:s13], [sflag:$0x2] =	stream.indirect_vreg.gather [hbm4b:s2+s3], $0x80, v3, vm0, $0xb8;
	[tilespmem:$0x18100] =	vst v63  }
0x132: {  	s9 =	simm.s32 $0x11100  }
0x133: {  	[tilespmem:s9], [sflag:$0x2] =	stream.indirect_vreg.gather [hbm4b:s5+s3], $0x80, v3, vm0, $0xb8;
	[tilespmem:$0x18100] =	vst v63  }
0x134: {  	s12 =	simm.s32 $0x11900  }
0x135: {  	[tilespmem:s12], [sflag:$0x2] =	stream.indirect_vreg.gather [hbm4b:s6+s3], $0x80, v3, vm0, $0xb8;
	[tilespmem:$0x18100] =	vst v63  }
0x136: {  	v3 =	vld [tilespmem:$0xE0];
	_ =	sdelay $0x4  }
0x137: {  	v62 =	vshrl.u32 v3, $0x3  }
0x138: {  	v4 =	vmul.u32 $0x30, v62  }
0x139: {  	v3 =	vand.u32 $0x7, v3  }
0x13a: {  	v3 =	vor.u32 v3, v4  }
0x13b: {  	v4 =	vperm.xlane v3, v0;
	_ =	sdelay $0x1  }
0x13c: {  	v4 =	vadd.s32 v1, v4;
	_ =	sdelay $0x3  }
0x13d: {  	s13 =	simm.s32 $0x12100;
	v3 =	vperm.xlane v3, v2  }
0x13e: {  	[tilespmem:s13], [sflag:$0x2] =	stream.indirect_vreg.gather [hbm4b:s2+s3], $0x80, v4, vm0, $0xb8;
	[tilespmem:$0x18100] =	vst v63  }
0x13f: {  	s9 =	simm.s32 $0x12900;
	v3 =	vadd.s32 v1, v3  }
0x140: {  	[tilespmem:s9], [sflag:$0x2] =	stream.indirect_vreg.gather [hbm4b:s5+s3], $0x80, v4, vm0, $0xb8;
	[tilespmem:$0x18100] =	vst v63  }
0x141: {  	s12 =	simm.s32 $0x13100  }
0x142: {  	[tilespmem:s12], [sflag:$0x2] =	stream.indirect_vreg.gather [hbm4b:s6+s3], $0x80, v4, vm0, $0xb8;
	[tilespmem:$0x18100] =	vst v63  }
0x143: {  	s13 =	simm.s32 $0x13900  }
0x144: {  	[tilespmem:s13], [sflag:$0x2] =	stream.indirect_vreg.gather [hbm4b:s2+s3], $0x80, v3, vm0, $0xb8;
	[tilespmem:$0x18100] =	vst v63  }
0x145: {  	s9 =	simm.s32 $0x14100  }
0x146: {  	[tilespmem:s9], [sflag:$0x2] =	stream.indirect_vreg.gather [hbm4b:s5+s3], $0x80, v3, vm0, $0xb8;
	[tilespmem:$0x18100] =	vst v63  }
0x147: {  	s12 =	simm.s32 $0x14900  }
0x148: {  	[tilespmem:s12], [sflag:$0x2] =	stream.indirect_vreg.gather [hbm4b:s6+s3], $0x80, v3, vm0, $0xb8;
	[tilespmem:$0x18100] =	vst v63  }
0x149: {  	v3 =	vld [tilespmem:$0xF0];
	_ =	sdelay $0x4  }
0x14a: {  	v63 =	vshrl.u32 v3, $0x3  }
0x14b: {  	v4 =	vmul.u32 $0x30, v63  }
0x14c: {  	v3 =	vand.u32 $0x7, v3  }
0x14d: {  	v3 =	vor.u32 v3, v4  }
0x14e: {  	v4 =	vperm.xlane v3, v0;
	_ =	sdelay $0x1  }
0x14f: {  	v4 =	vadd.s32 v1, v4;
	_ =	sdelay $0x3  }
0x150: {  	s13 =	simm.s32 $0x15100;
	v3 =	vperm.xlane v3, v2  }
0x151: {  	[tilespmem:s13], [sflag:$0x2] =	stream.indirect_vreg.gather [hbm4b:s2+s3], $0x80, v4, vm0, $0xb8;
	[tilespmem:$0x18100] =	vst v63  }
0x152: {  	s9 =	simm.s32 $0x15900;
	v3 =	vadd.s32 v1, v3  }
0x153: {  	[tilespmem:s9], [sflag:$0x2] =	stream.indirect_vreg.gather [hbm4b:s5+s3], $0x80, v4, vm0, $0xb8;
	[tilespmem:$0x18100] =	vst v63  }
0x154: {  	s12 =	simm.s32 $0x16100  }
0x155: {  	[tilespmem:s12], [sflag:$0x2] =	stream.indirect_vreg.gather [hbm4b:s6+s3], $0x80, v4, vm0, $0xb8;
	[tilespmem:$0x18100] =	vst v63  }
0x156: {  	s13 =	simm.s32 $0x16900  }
0x157: {  	[tilespmem:s13], [sflag:$0x2] =	stream.indirect_vreg.gather [hbm4b:s2+s3], $0x80, v3, vm0, $0xb8;
	[tilespmem:$0x18100] =	vst v63  }
0x158: {  	s9 =	simm.s32 $0x17100  }
0x159: {  	[tilespmem:s9], [sflag:$0x2] =	stream.indirect_vreg.gather [hbm4b:s5+s3], $0x80, v3, vm0, $0xb8;
	[tilespmem:$0x18100] =	vst v63  }
0x15a: {  	s12 =	simm.s32 $0x17900  }
0x15b: {  	[tilespmem:s12], [sflag:$0x2] =	stream.indirect_vreg.gather [hbm4b:s6+s3], $0x80, v3, vm0, $0xb8;
	[tilespmem:$0x18100] =	vst v63  }
0x15c: {  	s13 =	rddreg [dreg:$0x5];
	s9 =	simm.s32 $0x100  }
0x15d: {  	[hbm4b:s13+s3] =	stream.linear.scatter [tilespmem:s9], [sflag:$0x3], $0xC000, $0x38;
	[tilespmem:$0x18100] =	vst v63  }
0x15e: {  	_ =	swait.ge [sflag:s8], $0xC000  }
0x15f: {  	[sflag:s8] =	ssyncset.done $0x0  }
0x160: {  	[sflag:s8] =	ssyncadd.s32 $0xFFFF4000  }
0x161: {  	_ =	swait.ge [sflag:s4], $0xC000  }
0x162: {  	p0 =	sne.s32 s7, $0x1;
	[sflag:s4] =	ssyncset.done $0x0  }
.Ltmp0:
0x163: {  	s12 =	rddreg [dreg:$0x6];
	[sflag:s4] =	ssyncadd.s32 $0xFFFF4000;
	(pc) =	sbr.rel @p0 .LBB2_1-.Ltmp0, $4  }
0x164: {  	[hbm4b:s12+s3] =	stream.linear.scatter [tilespmem:s1], [sflag:$0x3], $0xC000, $0x38;
	[tilespmem:$0x18100] =	vst v63  }
0x165: {  	_ =	swait.ge [sflag:s8], $0xC000  }
0x166: {  	[sflag:s8] =	ssyncset.done $0x0  }
0x167: {  	s7 =	sadd.s32 $0xFFFFFFFF, s7;
	[sflag:s8] =	ssyncadd.s32 $0xFFFF4000  }
0x168: {  	_ =	sfence.sel $0x180000  }
0x169: {  	[bflag:$0x0] =	sbarrier.arrive $0xFFFF  }
0x16a: {  	_ =	strace $0x90000050  }
0x16b: {  	s0 =	stileid.u32;
	[bflag:$0x2] =	sbarrier.arrive $0xFFFF  }
0x16c: {  	p0 =	sne.s32 s0, $0x0;
	s0 =	rddreg [dreg:$0x2]  }
0x16d: {  	s0 =	sadd.s32 @!p0 $0x100000, s0  }
0x16e: {  	[sflag:s0] =	ssyncadd.tile.s32 @!p0 $0x1;
	_ =	shalt  }
.Lfunc_end2:
_tile_overlayer_lowered:
.L_overlay_start_2:
0x16f: {  	(tag) =	ssettag $0x2  }
0x170: {  	s0 =	rddreg [dreg:$0x0];
	s2 =	stileid.u32  }
0x171: {  	s1 =	rddreg [dreg:$0x1];
	p0 =	sne.s32 s2, $0x0  }
0x172: {  	s3 =	rddreg [dreg:$0x2];
	[bflag:$0x3] =	sbarrier.arrive $0xFFFF;
	s2 =	simm.s32 @!p0 $0x1C03  }
0x173: {  	[timem:s3], [sflag:s2] =	dma.local @!p0 [hbm:s0], s1  }
0x174: {  	s0 =	simm.s32 @!p0 $0x3  }
0x175: {  	_ =	swait.ge @!p0 [sflag:s0], s1  }
0x176: {  	s1 =	ssub.s32 @!p0 $0x0, s1;
	[sflag:s0] =	ssyncset.done @!p0 $0x0  }
0x177: {  	[sflag:s0] =	ssyncadd.s32 @!p0 s1  }
0x178: {  	[bflag:$0x3] =	sbarrier.arrive $0xFFFF  }
0x179: {  	_ =	shalt  }

</sc_bundles>
